<compile_context>
chip_gen: v7x
topology: tpu7x:2x2x1
jax: 0.10.2.dev20260603
libtpu: 0.0.44.dev20260713+nightly
codegen_flags: <defaults>
</compile_context>

<pallas_src>
import functools

import jax
import jax.numpy as jnp
from jax import lax
from jax.experimental import pallas as pl
from jax.experimental.pallas import tpu as pltpu
from jax.experimental.pallas import tpu_sc as plsc

_NC = 2
_NS = 16
_NW = _NC * _NS
_CH = 64
_L = 16


def _seg_of(ends_sc, row):
    cnt = jnp.int32(0)
    for e in ends_sc:
        cnt = cnt + jnp.where(e <= row, 1, 0).astype(jnp.int32)
    return cnt


def _sc_pool(flat, lengths):
    total, d = flat.shape
    nseg = lengths.shape[0]
    rows_w = total // _NW
    nch = rows_w // _CH
    nlane = d // _L
    mesh = plsc.VectorSubcoreMesh(core_axis_name="c", subcore_axis_name="s")

    @functools.partial(
        pl.kernel,
        mesh=mesh,
        out_type=jax.ShapeDtypeStruct((_NW, nseg, d), jnp.float32),
        scratch_types=[
            pltpu.VMEM((_CH, d), jnp.float32),
            pltpu.VMEM((_CH, d), jnp.float32),
            pltpu.VMEM((nseg,), jnp.int32),
            pltpu.VMEM((nseg, d), jnp.float32),
            pltpu.SemaphoreType.DMA,
            pltpu.SemaphoreType.DMA,
        ],
    )
    def pool(flat_hbm, len_hbm, out_hbm, buf0, buf1, len_v, acc, sem0, sem1):
        wid = lax.axis_index("s") * _NC + lax.axis_index("c")
        base = wid * rows_w

        pltpu.sync_copy(len_hbm, len_v)

        lv = len_v[...]
        ends_sc = []
        run = jnp.int32(0)
        for k in range(nseg):
            run = run + lv[k]
            ends_sc.append(run)

        def zero_body(i, _):
            acc[i // nlane, pl.ds((i % nlane) * _L, _L)] = jnp.zeros(
                (_L,), jnp.float32
            )
            return 0

        lax.fori_loop(0, nseg * nlane, zero_body, 0)

        bufs = (buf0, buf1)
        sems = (sem0, sem1)

        pltpu.async_copy(flat_hbm.at[pl.ds(base, _CH)], buf0, sem0)
        pltpu.async_copy(flat_hbm.at[pl.ds(base + _CH, _CH)], buf1, sem1)

        def process_chunk(i, buf):
            r0 = base + i * _CH
            seg_first = _seg_of(ends_sc, r0)
            seg_last = _seg_of(ends_sc, r0 + _CH - 1)

            def fast(seg0):
                def row_body(r, _):
                    for j in range(nlane):
                        plsc.addupdate(
                            acc.at[seg0, pl.ds(j * _L, _L)],
                            buf[r, pl.ds(j * _L, _L)],
                        )
                    return 0

                lax.fori_loop(0, _CH, row_body, 0)
                return 0

            def slow(_seg0):
                def row_body(r, _):
                    seg = _seg_of(ends_sc, r0 + r)
                    for j in range(nlane):
                        plsc.addupdate(
                            acc.at[seg, pl.ds(j * _L, _L)],
                            buf[r, pl.ds(j * _L, _L)],
                        )
                    return 0

                lax.fori_loop(0, _CH, row_body, 0)
                return 0

            lax.cond(seg_first == seg_last, fast, slow, seg_first)

        def group_body(g, _):
            for bsel in range(2):
                i = 2 * g + bsel
                pltpu.make_async_copy(
                    flat_hbm.at[pl.ds(base + i * _CH, _CH)],
                    bufs[bsel],
                    sems[bsel],
                ).wait()
                process_chunk(i, bufs[bsel])

                @pl.when(i + 2 < nch)
                def _refill():
                    pltpu.async_copy(
                        flat_hbm.at[pl.ds(base + (i + 2) * _CH, _CH)],
                        bufs[bsel],
                        sems[bsel],
                    )

            return 0

        lax.fori_loop(0, nch // 2, group_body, 0)

        pltpu.sync_copy(acc, out_hbm.at[wid])

    return pool(flat, lengths)


def _head_kernel(part_ref, len_ref, w_ref, bias_ref, out_ref):
    pooled = jnp.sum(part_ref[...], axis=0)
    inv = 1.0 / jnp.maximum(len_ref[...], 1).astype(jnp.float32)
    out_ref[...] = (
        jax.lax.dot_general(
            pooled * inv,
            w_ref[...],
            (((1,), (0,)), ((), ())),
            preferred_element_type=jnp.float32,
        )
        + bias_ref[...]
    )


def kernel(flat, past_lengths, W, b):
    total, d = flat.shape
    nseg = past_lengths.shape[0]
    lengths = past_lengths.astype(jnp.int32)
    partials = _sc_pool(flat, lengths)
    return pl.pallas_call(
        _head_kernel,
        in_specs=[
            pl.BlockSpec((_NW, nseg, d), lambda: (0, 0, 0)),
            pl.BlockSpec((nseg, 1), lambda: (0, 0)),
            pl.BlockSpec((d, d), lambda: (0, 0)),
            pl.BlockSpec((1, d), lambda: (0, 0)),
        ],
        out_specs=pl.BlockSpec((nseg, d), lambda: (0, 0)),
        out_shape=jax.ShapeDtypeStruct((nseg, d), jnp.float32),
    )(partials, lengths.reshape(nseg, 1), W, b.reshape(1, d))

# --- scband reference (transcript-rebuilt; emitter-appended) ---
"""Pipeline reference for scband-gul-grs-user-model-11879879543067 (READ-ONLY COPY).

The authoritative reference and input builder live on the scoring server;
editing this copy changes nothing except your own understanding.
"""

import jax, jax.numpy as jnp
import numpy as np

B = 16
MAX_SEQLEN = 4096
TOTAL = B * MAX_SEQLEN // 2  # 32768
D = 512


def setup_inputs(seed: int = 0) -> dict:
    key = jax.random.key(seed)
    k1, k2, k3 = jax.random.split(key, 3)
    flat = jax.random.normal(k1, (TOTAL, D), dtype=jnp.float32)
    # lengths must sum exactly to TOTAL for a valid jagged layout; use equal lengths
    past_lengths = jnp.full((B,), TOTAL // B, dtype=jnp.int32)
    W = jax.random.normal(k2, (D, D), dtype=jnp.float32) * (1.0 / np.sqrt(D))
    b = jnp.zeros((D,), dtype=jnp.float32)
    return {"flat": flat, "past_lengths": past_lengths, "W": W, "b": b}


def reference(flat, past_lengths, W, b):
    # fbgemm.asynchronous_complete_cumsum(lengths) == exclusive-complete cumsum:
    # offsets[0]=0, offsets[i]=sum(lengths[:i]), len = B+1
    lengths = past_lengths.astype(jnp.int32)
    offsets = jnp.concatenate([jnp.zeros((1,), dtype=lengths.dtype), jnp.cumsum(lengths)])
    # jagged -> segment ids, then segment mean-pool per user history
    seg_ids = jnp.repeat(jnp.arange(lengths.shape[0], dtype=jnp.int32), lengths,
                         total_repeat_length=flat.shape[0])
    pooled = jax.ops.segment_sum(flat, seg_ids, num_segments=lengths.shape[0])
    denom = jnp.maximum(lengths, 1).astype(flat.dtype)[:, None]
    pooled = pooled / denom
    # user-model projection head
    out = pooled @ W + b
    return out

if __name__ == "__main__":
    import jax
    _d = setup_inputs()
    print(jax.jit(kernel)(*tuple(_d.values())))

</pallas_src>

<mosaic_0001>
#map = affine_map<(d0, d1) -> (0, 0)>
#map1 = affine_map<(d0, d1) -> (0)>
#map2 = affine_map<(d0, d1) -> (0, 0, 0)>
module attributes {stable_mosaic.version = 14 : i64} {
  func.func @pool(%arg0: i32, %arg1: i32, %arg2: memref<32768x512xf32, #tpu.memory_space<hbm>>, %arg3: memref<16xi32, #tpu.memory_space<hbm>>, %arg4: memref<32x16x512xf32, #tpu.memory_space<hbm>>, %arg5: memref<64x512xf32, #tpu.memory_space<vmem>>, %arg6: memref<64x512xf32, #tpu.memory_space<vmem>>, %arg7: memref<16xi32, #tpu.memory_space<vmem>>, %arg8: memref<16x512xf32, #tpu.memory_space<vmem>>, %arg9: memref<!tpu.dma_semaphore, #tpu.memory_space<semaphore_mem>>, %arg10: memref<!tpu.dma_semaphore, #tpu.memory_space<semaphore_mem>>) attributes {dimension_semantics = [#tpu.dimension_semantics<core_parallel>, #tpu.dimension_semantics<subcore_parallel>], iteration_bounds = array<i64: 2, 16>, scalar_prefetch = 0 : i64, scratch_operands = 6 : i64, tpu.core_type = #tpu.core_type<sc_vector_subcore>, window_params = [{transform_indices = #map}, {transform_indices = #map1}, {transform_indices = #map2}]} {
    %mul3A = arith.constant 2 : i32
    %mul3A_0 = arith.muli %arg1, %mul3A : i32
    %add3A = arith.addi %mul3A_0, %arg0 : i32
    %mul3A_1 = arith.constant 1024 : i32
    %mul3A_2 = arith.muli %add3A, %mul3A_1 : i32
    "tpu.region"() ({
      %run_scoped3A = tpu.sem_alloc : memref<!tpu.dma_semaphore, #tpu.memory_space<semaphore_mem>>
      tpu.enqueue_dma source(%arg3 : memref<16xi32, #tpu.memory_space<hbm>>) target(%arg7 : memref<16xi32, #tpu.memory_space<vmem>>) target_semaphore(%run_scoped3A : memref<!tpu.dma_semaphore, #tpu.memory_space<semaphore_mem>>)
      tpu.wait_dma2 semaphore(%run_scoped3A : memref<!tpu.dma_semaphore, #tpu.memory_space<semaphore_mem>>) src(%arg3 : memref<16xi32, #tpu.memory_space<hbm>>) dst(%arg7 : memref<16xi32, #tpu.memory_space<vmem>>)
      tpu.yield
    }) : () -> ()
    %get3A = arith.constant 0 : index
    %get3A_3 = tpu.vector_load %arg7[%get3A] {strides = array<i32>} : memref<16xi32, #tpu.memory_space<vmem>>, vector<16xi32>,
    %get3A_4 = vector.shape_cast %get3A_3 : vector<16xi32> to vector<16xi32>
    %slice3A = vector.extract_strided_slice %get3A_4 {offsets = [0], sizes = [1], strides = [1]} : vector<16xi32> to vector<1xi32>
    %squeeze3A = vector.extract %slice3A[0] : i32 from vector<1xi32>
    %add3A_5 = arith.constant 0 : i32
    %add3A_6 = arith.addi %add3A_5, %squeeze3A : i32
    %slice3A_7 = vector.extract_strided_slice %get3A_4 {offsets = [1], sizes = [1], strides = [1]} : vector<16xi32> to vector<1xi32>
    %squeeze3A_8 = vector.extract %slice3A_7[0] : i32 from vector<1xi32>
    %add3A_9 = arith.addi %add3A_6, %squeeze3A_8 : i32
    %slice3A_10 = vector.extract_strided_slice %get3A_4 {offsets = [2], sizes = [1], strides = [1]} : vector<16xi32> to vector<1xi32>
    %squeeze3A_11 = vector.extract %slice3A_10[0] : i32 from vector<1xi32>
    %add3A_12 = arith.addi %add3A_9, %squeeze3A_11 : i32
    %slice3A_13 = vector.extract_strided_slice %get3A_4 {offsets = [3], sizes = [1], strides = [1]} : vector<16xi32> to vector<1xi32>
    %squeeze3A_14 = vector.extract %slice3A_13[0] : i32 from vector<1xi32>
    %add3A_15 = arith.addi %add3A_12, %squeeze3A_14 : i32
    %slice3A_16 = vector.extract_strided_slice %get3A_4 {offsets = [4], sizes = [1], strides = [1]} : vector<16xi32> to vector<1xi32>
    %squeeze3A_17 = vector.extract %slice3A_16[0] : i32 from vector<1xi32>
    %add3A_18 = arith.addi %add3A_15, %squeeze3A_17 : i32
    %slice3A_19 = vector.extract_strided_slice %get3A_4 {offsets = [5], sizes = [1], strides = [1]} : vector<16xi32> to vector<1xi32>
    %squeeze3A_20 = vector.extract %slice3A_19[0] : i32 from vector<1xi32>
    %add3A_21 = arith.addi %add3A_18, %squeeze3A_20 : i32
    %slice3A_22 = vector.extract_strided_slice %get3A_4 {offsets = [6], sizes = [1], strides = [1]} : vector<16xi32> to vector<1xi32>
    %squeeze3A_23 = vector.extract %slice3A_22[0] : i32 from vector<1xi32>
    %add3A_24 = arith.addi %add3A_21, %squeeze3A_23 : i32
    %slice3A_25 = vector.extract_strided_slice %get3A_4 {offsets = [7], sizes = [1], strides = [1]} : vector<16xi32> to vector<1xi32>
    %squeeze3A_26 = vector.extract %slice3A_25[0] : i32 from vector<1xi32>
    %add3A_27 = arith.addi %add3A_24, %squeeze3A_26 : i32
    %slice3A_28 = vector.extract_strided_slice %get3A_4 {offsets = [8], sizes = [1], strides = [1]} : vector<16xi32> to vector<1xi32>
    %squeeze3A_29 = vector.extract %slice3A_28[0] : i32 from vector<1xi32>
    %add3A_30 = arith.addi %add3A_27, %squeeze3A_29 : i32
    %slice3A_31 = vector.extract_strided_slice %get3A_4 {offsets = [9], sizes = [1], strides = [1]} : vector<16xi32> to vector<1xi32>
    %squeeze3A_32 = vector.extract %slice3A_31[0] : i32 from vector<1xi32>
    %add3A_33 = arith.addi %add3A_30, %squeeze3A_32 : i32
    %slice3A_34 = vector.extract_strided_slice %get3A_4 {offsets = [10], sizes = [1], strides = [1]} : vector<16xi32> to vector<1xi32>
    %squeeze3A_35 = vector.extract %slice3A_34[0] : i32 from vector<1xi32>
    %add3A_36 = arith.addi %add3A_33, %squeeze3A_35 : i32
    %slice3A_37 = vector.extract_strided_slice %get3A_4 {offsets = [11], sizes = [1], strides = [1]} : vector<16xi32> to vector<1xi32>
    %squeeze3A_38 = vector.extract %slice3A_37[0] : i32 from vector<1xi32>
    %add3A_39 = arith.addi %add3A_36, %squeeze3A_38 : i32
    %slice3A_40 = vector.extract_strided_slice %get3A_4 {offsets = [12], sizes = [1], strides = [1]} : vector<16xi32> to vector<1xi32>
    %squeeze3A_41 = vector.extract %slice3A_40[0] : i32 from vector<1xi32>
    %add3A_42 = arith.addi %add3A_39, %squeeze3A_41 : i32
    %slice3A_43 = vector.extract_strided_slice %get3A_4 {offsets = [13], sizes = [1], strides = [1]} : vector<16xi32> to vector<1xi32>
    %squeeze3A_44 = vector.extract %slice3A_43[0] : i32 from vector<1xi32>
    %add3A_45 = arith.addi %add3A_42, %squeeze3A_44 : i32
    %slice3A_46 = vector.extract_strided_slice %get3A_4 {offsets = [14], sizes = [1], strides = [1]} : vector<16xi32> to vector<1xi32>
    %squeeze3A_47 = vector.extract %slice3A_46[0] : i32 from vector<1xi32>
    %add3A_48 = arith.addi %add3A_45, %squeeze3A_47 : i32
    %slice3A_49 = vector.extract_strided_slice %get3A_4 {offsets = [15], sizes = [1], strides = [1]} : vector<16xi32> to vector<1xi32>
    %squeeze3A_50 = vector.extract %slice3A_49[0] : i32 from vector<1xi32>
    %add3A_51 = arith.addi %add3A_48, %squeeze3A_50 : i32
    %scan3A = arith.constant 0 : i32
    %scan3A_52 = arith.constant 0 : i32
    %scan3A_53 = arith.constant 512 : i32
    %scan3A_54 = arith.addi %scan3A_52, %scan3A_53 : i32
    %scan3A_55 = arith.constant 1 : i32
    %scan3A_56 = scf.for %scan3A_74 = %scan3A_52 to %scan3A_54 step %scan3A_55 iter_args(%scan3A_75 = %scan3A) -> (i32)  : i32 {
      %broadcast_in_dim3A = arith.constant 0.000000e+00 : f32
      %broadcast_in_dim3A_76 = vector.broadcast %broadcast_in_dim3A : f32 to vector<16xf32>
      %jit3A = arith.constant 32 : i32
      %div3A = arith.divsi %scan3A_74, %jit3A : i32
      %sign3A = arith.constant 0 : i32
      %sign3A_77 = arith.cmpi sgt, %scan3A_74, %sign3A : i32
      %sign3A_78 = arith.extui %sign3A_77 : i1 to i32
      %sign3A_79 = arith.constant 0 : i32
      %sign3A_80 = arith.cmpi slt, %scan3A_74, %sign3A_79 : i32
      %sign3A_81 = arith.extui %sign3A_80 : i1 to i32
      %sign3A_82 = arith.subi %sign3A_78, %sign3A_81 : i32
      %sign3A_83 = arith.constant 0 : i32
      %sign3A_84 = arith.cmpi sgt, %jit3A, %sign3A_83 : i32
      %sign3A_85 = arith.extui %sign3A_84 : i1 to i32
      %sign3A_86 = arith.constant 0 : i32
      %sign3A_87 = arith.cmpi slt, %jit3A, %sign3A_86 : i32
      %sign3A_88 = arith.extui %sign3A_87 : i1 to i32
      %sign3A_89 = arith.subi %sign3A_85, %sign3A_88 : i32
      %ne3A = arith.cmpi ne, %sign3A_82, %sign3A_89 : i32
      %rem3A = arith.remsi %scan3A_74, %jit3A : i32
      %ne3A_90 = arith.constant 0 : i32
      %ne3A_91 = arith.cmpi ne, %rem3A, %ne3A_90 : i32
      %and3A = arith.andi %ne3A, %ne3A_91 : i1
      %sub3A = arith.constant 1 : i32
      %sub3A_92 = arith.subi %div3A, %sub3A : i32
      %select_n3A = arith.select %and3A, %sub3A_92, %div3A : i32
      %jit3A_93 = arith.constant 32 : i32
      %eq3A = arith.constant 0 : i32
      %eq3A_94 = arith.cmpi eq, %jit3A_93, %eq3A : i32
      %jit3A_95 = arith.constant 1 : i32
      %select_n3A_96 = arith.select %eq3A_94, %jit3A_95, %jit3A_93 : i32
      %rem3A_97 = arith.remsi %scan3A_74, %select_n3A_96 : i32
      %ne3A_98 = arith.constant 0 : i32
      %ne3A_99 = arith.cmpi ne, %rem3A_97, %ne3A_98 : i32
      %lt3A = arith.constant 0 : i32
      %lt3A_100 = arith.cmpi slt, %rem3A_97, %lt3A : i32
      %lt3A_101 = arith.constant 0 : i32
      %lt3A_102 = arith.cmpi slt, %select_n3A_96, %lt3A_101 : i32
      %ne3A_103 = arith.xori %lt3A_100, %lt3A_102 : i1
      %and3A_104 = arith.andi %ne3A_103, %ne3A_99 : i1
      %add3A_105 = arith.addi %rem3A_97, %select_n3A_96 : i32
      %select_n3A_106 = arith.select %and3A_104, %add3A_105, %rem3A_97 : i32
      %mul3A_107 = arith.constant 16 : i32
      %mul3A_108 = arith.muli %select_n3A_106, %mul3A_107 : i32
      %swap3A = arith.index_cast %select_n3A : i32 to index
      %swap3A_109 = arith.index_cast %mul3A_108 : i32 to index
      %swap3A_110 = tpu.vector_load %arg8[%swap3A, %swap3A_109] {strides = array<i32>} : memref<16x512xf32, #tpu.memory_space<vmem>>, vector<1x16xf32>,
      %swap3A_111 = vector.shape_cast %swap3A_110 : vector<1x16xf32> to vector<16xf32>
      %swap3A_112 = vector.shape_cast %broadcast_in_dim3A_76 : vector<16xf32> to vector<1x16xf32>
      tpu.vector_store %arg8[%swap3A, %swap3A_109], %swap3A_112 {strides = array<i32>} : memref<16x512xf32, #tpu.memory_space<vmem>>, vector<1x16xf32>,
      %scan3A_113 = arith.constant 0 : i32
      scf.yield %scan3A_113 : i32
    }
    %scan3A_57 = arith.constant 512 : i32
    %dma_start3A = arith.constant 0 : i32
    %dma_start3A_58 = tpu.memref_slice %arg2[%mul3A_2, %dma_start3A] : memref<32768x512xf32, #tpu.memory_space<hbm>> -> memref<64x512xf32, #tpu.memory_space<hbm>>
    %dma_start3A_59 = arith.constant 0 : i32
    %dma_start3A_60 = tpu.memref_slice %arg2[%mul3A_2, %dma_start3A_59] : memref<32768x512xf32, #tpu.memory_space<hbm>> -> memref<64x512xf32, #tpu.memory_space<hbm>>
    tpu.enqueue_dma source(%dma_start3A_60 : memref<64x512xf32, #tpu.memory_space<hbm>>) target(%arg5 : memref<64x512xf32, #tpu.memory_space<vmem>>) target_semaphore(%arg9 : memref<!tpu.dma_semaphore, #tpu.memory_space<semaphore_mem>>)
    %add3A_61 = arith.constant 64 : i32
    %add3A_62 = arith.addi %mul3A_2, %add3A_61 : i32
    %dma_start3A_63 = arith.constant 0 : i32
    %dma_start3A_64 = tpu.memref_slice %arg2[%add3A_62, %dma_start3A_63] : memref<32768x512xf32, #tpu.memory_space<hbm>> -> memref<64x512xf32, #tpu.memory_space<hbm>>
    %dma_start3A_65 = arith.constant 0 : i32
    %dma_start3A_66 = tpu.memref_slice %arg2[%add3A_62, %dma_start3A_65] : memref<32768x512xf32, #tpu.memory_space<hbm>> -> memref<64x512xf32, #tpu.memory_space<hbm>>
    tpu.enqueue_dma source(%dma_start3A_66 : memref<64x512xf32, #tpu.memory_space<hbm>>) target(%arg6 : memref<64x512xf32, #tpu.memory_space<vmem>>) target_semaphore(%arg10 : memref<!tpu.dma_semaphore, #tpu.memory_space<semaphore_mem>>)
    %scan3A_67 = arith.constant 0 : i32
    %scan3A_68 = arith.constant 0 : i32
    %scan3A_69 = arith.constant 8 : i32
    %scan3A_70 = arith.addi %scan3A_68, %scan3A_69 : i32
    %scan3A_71 = arith.constant 1 : i32
    %scan3A_72 = scf.for %scan3A_74 = %scan3A_68 to %scan3A_70 step %scan3A_71 iter_args(%scan3A_75 = %scan3A_67) -> (i32)  : i32 {
      %mul3A_76 = arith.constant 2 : i32
      %mul3A_77 = arith.muli %mul3A_76, %scan3A_74 : i32
      %add3A_78 = arith.constant 0 : i32
      %add3A_79 = arith.addi %mul3A_77, %add3A_78 : i32
      %mul3A_80 = arith.constant 64 : i32
      %mul3A_81 = arith.muli %add3A_79, %mul3A_80 : i32
      %add3A_82 = arith.addi %mul3A_2, %mul3A_81 : i32
      %dma_wait3A = arith.constant 0 : i32
      %dma_wait3A_83 = tpu.memref_slice %arg2[%add3A_82, %dma_wait3A] : memref<32768x512xf32, #tpu.memory_space<hbm>> -> memref<64x512xf32, #tpu.memory_space<hbm>>
      %dma_wait3A_84 = arith.constant 0 : i32
      %dma_wait3A_85 = tpu.memref_slice %arg2[%add3A_82, %dma_wait3A_84] : memref<32768x512xf32, #tpu.memory_space<hbm>> -> memref<64x512xf32, #tpu.memory_space<hbm>>
      tpu.wait_dma2 semaphore(%arg9 : memref<!tpu.dma_semaphore, #tpu.memory_space<semaphore_mem>>) src(%dma_wait3A_85 : memref<64x512xf32, #tpu.memory_space<hbm>>) dst(%arg5 : memref<64x512xf32, #tpu.memory_space<vmem>>)
      %mul3A_86 = arith.constant 64 : i32
      %mul3A_87 = arith.muli %add3A_79, %mul3A_86 : i32
      %add3A_88 = arith.addi %mul3A_2, %mul3A_87 : i32
      %le3A = arith.cmpi sle, %add3A_6, %add3A_88 : i32
      %jit3A = arith.constant 1 : i32
      %jit3A_89 = arith.constant 0 : i32
      %select_n3A = arith.select %le3A, %jit3A, %jit3A_89 : i32
      %add3A_90 = arith.constant 0 : i32
      %add3A_91 = arith.addi %add3A_90, %select_n3A : i32
      %le3A_92 = arith.cmpi sle, %add3A_9, %add3A_88 : i32
      %jit3A_93 = arith.constant 1 : i32
      %jit3A_94 = arith.constant 0 : i32
      %select_n3A_95 = arith.select %le3A_92, %jit3A_93, %jit3A_94 : i32
      %add3A_96 = arith.addi %add3A_91, %select_n3A_95 : i32
      %le3A_97 = arith.cmpi sle, %add3A_12, %add3A_88 : i32
      %jit3A_98 = arith.constant 1 : i32
      %jit3A_99 = arith.constant 0 : i32
      %select_n3A_100 = arith.select %le3A_97, %jit3A_98, %jit3A_99 : i32
      %add3A_101 = arith.addi %add3A_96, %select_n3A_100 : i32
      %le3A_102 = arith.cmpi sle, %add3A_15, %add3A_88 : i32
      %jit3A_103 = arith.constant 1 : i32
      %jit3A_104 = arith.constant 0 : i32
      %select_n3A_105 = arith.select %le3A_102, %jit3A_103, %jit3A_104 : i32
      %add3A_106 = arith.addi %add3A_101, %select_n3A_105 : i32
      %le3A_107 = arith.cmpi sle, %add3A_18, %add3A_88 : i32
      %jit3A_108 = arith.constant 1 : i32
      %jit3A_109 = arith.constant 0 : i32
      %select_n3A_110 = arith.select %le3A_107, %jit3A_108, %jit3A_109 : i32
      %add3A_111 = arith.addi %add3A_106, %select_n3A_110 : i32
      %le3A_112 = arith.cmpi sle, %add3A_21, %add3A_88 : i32
      %jit3A_113 = arith.constant 1 : i32
      %jit3A_114 = arith.constant 0 : i32
      %select_n3A_115 = arith.select %le3A_112, %jit3A_113, %jit3A_114 : i32
      %add3A_116 = arith.addi %add3A_111, %select_n3A_115 : i32
      %le3A_117 = arith.cmpi sle, %add3A_24, %add3A_88 : i32
      %jit3A_118 = arith.constant 1 : i32
      %jit3A_119 = arith.constant 0 : i32
      %select_n3A_120 = arith.select %le3A_117, %jit3A_118, %jit3A_119 : i32
      %add3A_121 = arith.addi %add3A_116, %select_n3A_120 : i32
      %le3A_122 = arith.cmpi sle, %add3A_27, %add3A_88 : i32
      %jit3A_123 = arith.constant 1 : i32
      %jit3A_124 = arith.constant 0 : i32
      %select_n3A_125 = arith.select %le3A_122, %jit3A_123, %jit3A_124 : i32
      %add3A_126 = arith.addi %add3A_121, %select_n3A_125 : i32
      %le3A_127 = arith.cmpi sle, %add3A_30, %add3A_88 : i32
      %jit3A_128 = arith.constant 1 : i32
      %jit3A_129 = arith.constant 0 : i32
      %select_n3A_130 = arith.select %le3A_127, %jit3A_128, %jit3A_129 : i32
      %add3A_131 = arith.addi %add3A_126, %select_n3A_130 : i32
      %le3A_132 = arith.cmpi sle, %add3A_33, %add3A_88 : i32
      %jit3A_133 = arith.constant 1 : i32
      %jit3A_134 = arith.constant 0 : i32
      %select_n3A_135 = arith.select %le3A_132, %jit3A_133, %jit3A_134 : i32
      %add3A_136 = arith.addi %add3A_131, %select_n3A_135 : i32
      %le3A_137 = arith.cmpi sle, %add3A_36, %add3A_88 : i32
      %jit3A_138 = arith.constant 1 : i32
      %jit3A_139 = arith.constant 0 : i32
      %select_n3A_140 = arith.select %le3A_137, %jit3A_138, %jit3A_139 : i32
      %add3A_141 = arith.addi %add3A_136, %select_n3A_140 : i32
      %le3A_142 = arith.cmpi sle, %add3A_39, %add3A_88 : i32
      %jit3A_143 = arith.constant 1 : i32
      %jit3A_144 = arith.constant 0 : i32
      %select_n3A_145 = arith.select %le3A_142, %jit3A_143, %jit3A_144 : i32
      %add3A_146 = arith.addi %add3A_141, %select_n3A_145 : i32
      %le3A_147 = arith.cmpi sle, %add3A_42, %add3A_88 : i32
      %jit3A_148 = arith.constant 1 : i32
      %jit3A_149 = arith.constant 0 : i32
      %select_n3A_150 = arith.select %le3A_147, %jit3A_148, %jit3A_149 : i32
      %add3A_151 = arith.addi %add3A_146, %select_n3A_150 : i32
      %le3A_152 = arith.cmpi sle, %add3A_45, %add3A_88 : i32
      %jit3A_153 = arith.constant 1 : i32
      %jit3A_154 = arith.constant 0 : i32
      %select_n3A_155 = arith.select %le3A_152, %jit3A_153, %jit3A_154 : i32
      %add3A_156 = arith.addi %add3A_151, %select_n3A_155 : i32
      %le3A_157 = arith.cmpi sle, %add3A_48, %add3A_88 : i32
      %jit3A_158 = arith.constant 1 : i32
      %jit3A_159 = arith.constant 0 : i32
      %select_n3A_160 = arith.select %le3A_157, %jit3A_158, %jit3A_159 : i32
      %add3A_161 = arith.addi %add3A_156, %select_n3A_160 : i32
      %le3A_162 = arith.cmpi sle, %add3A_51, %add3A_88 : i32
      %jit3A_163 = arith.constant 1 : i32
      %jit3A_164 = arith.constant 0 : i32
      %select_n3A_165 = arith.select %le3A_162, %jit3A_163, %jit3A_164 : i32
      %add3A_166 = arith.addi %add3A_161, %select_n3A_165 : i32
      %add3A_167 = arith.constant 64 : i32
      %add3A_168 = arith.addi %add3A_88, %add3A_167 : i32
      %sub3A = arith.constant 1 : i32
      %sub3A_169 = arith.subi %add3A_168, %sub3A : i32
      %le3A_170 = arith.cmpi sle, %add3A_6, %sub3A_169 : i32
      %jit3A_171 = arith.constant 1 : i32
      %jit3A_172 = arith.constant 0 : i32
      %select_n3A_173 = arith.select %le3A_170, %jit3A_171, %jit3A_172 : i32
      %add3A_174 = arith.constant 0 : i32
      %add3A_175 = arith.addi %add3A_174, %select_n3A_173 : i32
      %le3A_176 = arith.cmpi sle, %add3A_9, %sub3A_169 : i32
      %jit3A_177 = arith.constant 1 : i32
      %jit3A_178 = arith.constant 0 : i32
      %select_n3A_179 = arith.select %le3A_176, %jit3A_177, %jit3A_178 : i32
      %add3A_180 = arith.addi %add3A_175, %select_n3A_179 : i32
      %le3A_181 = arith.cmpi sle, %add3A_12, %sub3A_169 : i32
      %jit3A_182 = arith.constant 1 : i32
      %jit3A_183 = arith.constant 0 : i32
      %select_n3A_184 = arith.select %le3A_181, %jit3A_182, %jit3A_183 : i32
      %add3A_185 = arith.addi %add3A_180, %select_n3A_184 : i32
      %le3A_186 = arith.cmpi sle, %add3A_15, %sub3A_169 : i32
      %jit3A_187 = arith.constant 1 : i32
      %jit3A_188 = arith.constant 0 : i32
      %select_n3A_189 = arith.select %le3A_186, %jit3A_187, %jit3A_188 : i32
      %add3A_190 = arith.addi %add3A_185, %select_n3A_189 : i32
      %le3A_191 = arith.cmpi sle, %add3A_18, %sub3A_169 : i32
      %jit3A_192 = arith.constant 1 : i32
      %jit3A_193 = arith.constant 0 : i32
      %select_n3A_194 = arith.select %le3A_191, %jit3A_192, %jit3A_193 : i32
      %add3A_195 = arith.addi %add3A_190, %select_n3A_194 : i32
      %le3A_196 = arith.cmpi sle, %add3A_21, %sub3A_169 : i32
      %jit3A_197 = arith.constant 1 : i32
      %jit3A_198 = arith.constant 0 : i32
      %select_n3A_199 = arith.select %le3A_196, %jit3A_197, %jit3A_198 : i32
      %add3A_200 = arith.addi %add3A_195, %select_n3A_199 : i32
      %le3A_201 = arith.cmpi sle, %add3A_24, %sub3A_169 : i32
      %jit3A_202 = arith.constant 1 : i32
      %jit3A_203 = arith.constant 0 : i32
      %select_n3A_204 = arith.select %le3A_201, %jit3A_202, %jit3A_203 : i32
      %add3A_205 = arith.addi %add3A_200, %select_n3A_204 : i32
      %le3A_206 = arith.cmpi sle, %add3A_27, %sub3A_169 : i32
      %jit3A_207 = arith.constant 1 : i32
      %jit3A_208 = arith.constant 0 : i32
      %select_n3A_209 = arith.select %le3A_206, %jit3A_207, %jit3A_208 : i32
      %add3A_210 = arith.addi %add3A_205, %select_n3A_209 : i32
      %le3A_211 = arith.cmpi sle, %add3A_30, %sub3A_169 : i32
      %jit3A_212 = arith.constant 1 : i32
      %jit3A_213 = arith.constant 0 : i32
      %select_n3A_214 = arith.select %le3A_211, %jit3A_212, %jit3A_213 : i32
      %add3A_215 = arith.addi %add3A_210, %select_n3A_214 : i32
      %le3A_216 = arith.cmpi sle, %add3A_33, %sub3A_169 : i32
      %jit3A_217 = arith.constant 1 : i32
      %jit3A_218 = arith.constant 0 : i32
      %select_n3A_219 = arith.select %le3A_216, %jit3A_217, %jit3A_218 : i32
      %add3A_220 = arith.addi %add3A_215, %select_n3A_219 : i32
      %le3A_221 = arith.cmpi sle, %add3A_36, %sub3A_169 : i32
      %jit3A_222 = arith.constant 1 : i32
      %jit3A_223 = arith.constant 0 : i32
      %select_n3A_224 = arith.select %le3A_221, %jit3A_222, %jit3A_223 : i32
      %add3A_225 = arith.addi %add3A_220, %select_n3A_224 : i32
      %le3A_226 = arith.cmpi sle, %add3A_39, %sub3A_169 : i32
      %jit3A_227 = arith.constant 1 : i32
      %jit3A_228 = arith.constant 0 : i32
      %select_n3A_229 = arith.select %le3A_226, %jit3A_227, %jit3A_228 : i32
      %add3A_230 = arith.addi %add3A_225, %select_n3A_229 : i32
      %le3A_231 = arith.cmpi sle, %add3A_42, %sub3A_169 : i32
      %jit3A_232 = arith.constant 1 : i32
      %jit3A_233 = arith.constant 0 : i32
      %select_n3A_234 = arith.select %le3A_231, %jit3A_232, %jit3A_233 : i32
      %add3A_235 = arith.addi %add3A_230, %select_n3A_234 : i32
      %le3A_236 = arith.cmpi sle, %add3A_45, %sub3A_169 : i32
      %jit3A_237 = arith.constant 1 : i32
      %jit3A_238 = arith.constant 0 : i32
      %select_n3A_239 = arith.select %le3A_236, %jit3A_237, %jit3A_238 : i32
      %add3A_240 = arith.addi %add3A_235, %select_n3A_239 : i32
      %le3A_241 = arith.cmpi sle, %add3A_48, %sub3A_169 : i32
      %jit3A_242 = arith.constant 1 : i32
      %jit3A_243 = arith.constant 0 : i32
      %select_n3A_244 = arith.select %le3A_241, %jit3A_242, %jit3A_243 : i32
      %add3A_245 = arith.addi %add3A_240, %select_n3A_244 : i32
      %le3A_246 = arith.cmpi sle, %add3A_51, %sub3A_169 : i32
      %jit3A_247 = arith.constant 1 : i32
      %jit3A_248 = arith.constant 0 : i32
      %select_n3A_249 = arith.select %le3A_246, %jit3A_247, %jit3A_248 : i32
      %add3A_250 = arith.addi %add3A_245, %select_n3A_249 : i32
      %eq3A = arith.cmpi eq, %add3A_166, %add3A_250 : i32
      %convert_element_type3A = arith.extui %eq3A : i1 to i32
      %cond3A = arith.constant 0 : i32
      %cond3A_251 = arith.cmpi ne, %convert_element_type3A, %cond3A : i32
      %cond3A_252 = scf.if %cond3A_251 -> (i32) {
        %scan3A_452 = arith.constant 0 : i32
        %scan3A_453 = arith.constant 0 : i32
        %scan3A_454 = arith.constant 64 : i32
        %scan3A_455 = arith.addi %scan3A_453, %scan3A_454 : i32
        %scan3A_456 = arith.constant 1 : i32
        %scan3A_457 = scf.for %scan3A_460 = %scan3A_453 to %scan3A_455 step %scan3A_456 iter_args(%scan3A_461 = %scan3A_452) -> (i32)  : i32 {
          %get3A_462 = arith.index_cast %scan3A_460 : i32 to index
          %get3A_463 = arith.constant 0 : index
          %get3A_464 = tpu.vector_load %arg5[%get3A_462, %get3A_463] {strides = array<i32>} : memref<64x512xf32, #tpu.memory_space<vmem>>, vector<1x16xf32>,
          %get3A_465 = vector.shape_cast %get3A_464 : vector<1x16xf32> to vector<16xf32>
          %swap3A = arith.index_cast %add3A_166 : i32 to index
          %swap3A_466 = arith.constant 0 : index
          %swap3A_467 = tpu.vector_load %arg8[%swap3A, %swap3A_466] {strides = array<i32>} : memref<16x512xf32, #tpu.memory_space<vmem>>, vector<1x16xf32>,
          %swap3A_468 = vector.shape_cast %swap3A_467 : vector<1x16xf32> to vector<16xf32>
          %swap3A_469 = vector.shape_cast %get3A_465 : vector<16xf32> to vector<1x16xf32>
          tpu.vector_store %arg8[%swap3A, %swap3A_466], %swap3A_469 {add = true, strides = array<i32>} : memref<16x512xf32, #tpu.memory_space<vmem>>, vector<1x16xf32>,
          %get3A_470 = arith.index_cast %scan3A_460 : i32 to index
          %get3A_471 = arith.constant 16 : index
          %get3A_472 = tpu.vector_load %arg5[%get3A_470, %get3A_471] {strides = array<i32>} : memref<64x512xf32, #tpu.memory_space<vmem>>, vector<1x16xf32>,
          %get3A_473 = vector.shape_cast %get3A_472 : vector<1x16xf32> to vector<16xf32>
          %swap3A_474 = arith.index_cast %add3A_166 : i32 to index
          %swap3A_475 = arith.constant 16 : index
          %swap3A_476 = tpu.vector_load %arg8[%swap3A_474, %swap3A_475] {strides = array<i32>} : memref<16x512xf32, #tpu.memory_space<vmem>>, vector<1x16xf32>,
          %swap3A_477 = vector.shape_cast %swap3A_476 : vector<1x16xf32> to vector<16xf32>
          %swap3A_478 = vector.shape_cast %get3A_473 : vector<16xf32> to vector<1x16xf32>
          tpu.vector_store %arg8[%swap3A_474, %swap3A_475], %swap3A_478 {add = true, strides = array<i32>} : memref<16x512xf32, #tpu.memory_space<vmem>>, vector<1x16xf32>,
          %get3A_479 = arith.index_cast %scan3A_460 : i32 to index
          %get3A_480 = arith.constant 32 : index
          %get3A_481 = tpu.vector_load %arg5[%get3A_479, %get3A_480] {strides = array<i32>} : memref<64x512xf32, #tpu.memory_space<vmem>>, vector<1x16xf32>,
          %get3A_482 = vector.shape_cast %get3A_481 : vector<1x16xf32> to vector<16xf32>
          %swap3A_483 = arith.index_cast %add3A_166 : i32 to index
          %swap3A_484 = arith.constant 32 : index
          %swap3A_485 = tpu.vector_load %arg8[%swap3A_483, %swap3A_484] {strides = array<i32>} : memref<16x512xf32, #tpu.memory_space<vmem>>, vector<1x16xf32>,
          %swap3A_486 = vector.shape_cast %swap3A_485 : vector<1x16xf32> to vector<16xf32>
          %swap3A_487 = vector.shape_cast %get3A_482 : vector<16xf32> to vector<1x16xf32>
          tpu.vector_store %arg8[%swap3A_483, %swap3A_484], %swap3A_487 {add = true, strides = array<i32>} : memref<16x512xf32, #tpu.memory_space<vmem>>, vector<1x16xf32>,
          %get3A_488 = arith.index_cast %scan3A_460 : i32 to index
          %get3A_489 = arith.constant 48 : index
          %get3A_490 = tpu.vector_load %arg5[%get3A_488, %get3A_489] {strides = array<i32>} : memref<64x512xf32, #tpu.memory_space<vmem>>, vector<1x16xf32>,
          %get3A_491 = vector.shape_cast %get3A_490 : vector<1x16xf32> to vector<16xf32>
          %swap3A_492 = arith.index_cast %add3A_166 : i32 to index
          %swap3A_493 = arith.constant 48 : index
          %swap3A_494 = tpu.vector_load %arg8[%swap3A_492, %swap3A_493] {strides = array<i32>} : memref<16x512xf32, #tpu.memory_space<vmem>>, vector<1x16xf32>,
          %swap3A_495 = vector.shape_cast %swap3A_494 : vector<1x16xf32> to vector<16xf32>
          %swap3A_496 = vector.shape_cast %get3A_491 : vector<16xf32> to vector<1x16xf32>
          tpu.vector_store %arg8[%swap3A_492, %swap3A_493], %swap3A_496 {add = true, strides = array<i32>} : memref<16x512xf32, #tpu.memory_space<vmem>>, vector<1x16xf32>,
          %get3A_497 = arith.index_cast %scan3A_460 : i32 to index
          %get3A_498 = arith.constant 64 : index
          %get3A_499 = tpu.vector_load %arg5[%get3A_497, %get3A_498] {strides = array<i32>} : memref<64x512xf32, #tpu.memory_space<vmem>>, vector<1x16xf32>,
          %get3A_500 = vector.shape_cast %get3A_499 : vector<1x16xf32> to vector<16xf32>
          %swap3A_501 = arith.index_cast %add3A_166 : i32 to index
          %swap3A_502 = arith.constant 64 : index
          %swap3A_503 = tpu.vector_load %arg8[%swap3A_501, %swap3A_502] {strides = array<i32>} : memref<16x512xf32, #tpu.memory_space<vmem>>, vector<1x16xf32>,
          %swap3A_504 = vector.shape_cast %swap3A_503 : vector<1x16xf32> to vector<16xf32>
          %swap3A_505 = vector.shape_cast %get3A_500 : vector<16xf32> to vector<1x16xf32>
          tpu.vector_store %arg8[%swap3A_501, %swap3A_502], %swap3A_505 {add = true, strides = array<i32>} : memref<16x512xf32, #tpu.memory_space<vmem>>, vector<1x16xf32>,
          %get3A_506 = arith.index_cast %scan3A_460 : i32 to index
          %get3A_507 = arith.constant 80 : index
          %get3A_508 = tpu.vector_load %arg5[%get3A_506, %get3A_507] {strides = array<i32>} : memref<64x512xf32, #tpu.memory_space<vmem>>, vector<1x16xf32>,
          %get3A_509 = vector.shape_cast %get3A_508 : vector<1x16xf32> to vector<16xf32>
          %swap3A_510 = arith.index_cast %add3A_166 : i32 to index
          %swap3A_511 = arith.constant 80 : index
          %swap3A_512 = tpu.vector_load %arg8[%swap3A_510, %swap3A_511] {strides = array<i32>} : memref<16x512xf32, #tpu.memory_space<vmem>>, vector<1x16xf32>,
          %swap3A_513 = vector.shape_cast %swap3A_512 : vector<1x16xf32> to vector<16xf32>
          %swap3A_514 = vector.shape_cast %get3A_509 : vector<16xf32> to vector<1x16xf32>
          tpu.vector_store %arg8[%swap3A_510, %swap3A_511], %swap3A_514 {add = true, strides = array<i32>} : memref<16x512xf32, #tpu.memory_space<vmem>>, vector<1x16xf32>,
          %get3A_515 = arith.index_cast %scan3A_460 : i32 to index
          %get3A_516 = arith.constant 96 : index
          %get3A_517 = tpu.vector_load %arg5[%get3A_515, %get3A_516] {strides = array<i32>} : memref<64x512xf32, #tpu.memory_space<vmem>>, vector<1x16xf32>,
          %get3A_518 = vector.shape_cast %get3A_517 : vector<1x16xf32> to vector<16xf32>
          %swap3A_519 = arith.index_cast %add3A_166 : i32 to index
          %swap3A_520 = arith.constant 96 : index
          %swap3A_521 = tpu.vector_load %arg8[%swap3A_519, %swap3A_520] {strides = array<i32>} : memref<16x512xf32, #tpu.memory_space<vmem>>, vector<1x16xf32>,
          %swap3A_522 = vector.shape_cast %swap3A_521 : vector<1x16xf32> to vector<16xf32>
          %swap3A_523 = vector.shape_cast %get3A_518 : vector<16xf32> to vector<1x16xf32>
          tpu.vector_store %arg8[%swap3A_519, %swap3A_520], %swap3A_523 {add = true, strides = array<i32>} : memref<16x512xf32, #tpu.memory_space<vmem>>, vector<1x16xf32>,
          %get3A_524 = arith.index_cast %scan3A_460 : i32 to index
          %get3A_525 = arith.constant 112 : index
          %get3A_526 = tpu.vector_load %arg5[%get3A_524, %get3A_525] {strides = array<i32>} : memref<64x512xf32, #tpu.memory_space<vmem>>, vector<1x16xf32>,
          %get3A_527 = vector.shape_cast %get3A_526 : vector<1x16xf32> to vector<16xf32>
          %swap3A_528 = arith.index_cast %add3A_166 : i32 to index
          %swap3A_529 = arith.constant 112 : index
          %swap3A_530 = tpu.vector_load %arg8[%swap3A_528, %swap3A_529] {strides = array<i32>} : memref<16x512xf32, #tpu.memory_space<vmem>>, vector<1x16xf32>,
          %swap3A_531 = vector.shape_cast %swap3A_530 : vector<1x16xf32> to vector<16xf32>
          %swap3A_532 = vector.shape_cast %get3A_527 : vector<16xf32> to vector<1x16xf32>
          tpu.vector_store %arg8[%swap3A_528, %swap3A_529], %swap3A_532 {add = true, strides = array<i32>} : memref<16x512xf32, #tpu.memory_space<vmem>>, vector<1x16xf32>,
          %get3A_533 = arith.index_cast %scan3A_460 : i32 to index
          %get3A_534 = arith.constant 128 : index
          %get3A_535 = tpu.vector_load %arg5[%get3A_533, %get3A_534] {strides = array<i32>} : memref<64x512xf32, #tpu.memory_space<vmem>>, vector<1x16xf32>,
          %get3A_536 = vector.shape_cast %get3A_535 : vector<1x16xf32> to vector<16xf32>
          %swap3A_537 = arith.index_cast %add3A_166 : i32 to index
          %swap3A_538 = arith.constant 128 : index
          %swap3A_539 = tpu.vector_load %arg8[%swap3A_537, %swap3A_538] {strides = array<i32>} : memref<16x512xf32, #tpu.memory_space<vmem>>, vector<1x16xf32>,
          %swap3A_540 = vector.shape_cast %swap3A_539 : vector<1x16xf32> to vector<16xf32>
          %swap3A_541 = vector.shape_cast %get3A_536 : vector<16xf32> to vector<1x16xf32>
          tpu.vector_store %arg8[%swap3A_537, %swap3A_538], %swap3A_541 {add = true, strides = array<i32>} : memref<16x512xf32, #tpu.memory_space<vmem>>, vector<1x16xf32>,
          %get3A_542 = arith.index_cast %scan3A_460 : i32 to index
          %get3A_543 = arith.constant 144 : index
          %get3A_544 = tpu.vector_load %arg5[%get3A_542, %get3A_543] {strides = array<i32>} : memref<64x512xf32, #tpu.memory_space<vmem>>, vector<1x16xf32>,
          %get3A_545 = vector.shape_cast %get3A_544 : vector<1x16xf32> to vector<16xf32>
          %swap3A_546 = arith.index_cast %add3A_166 : i32 to index
          %swap3A_547 = arith.constant 144 : index
          %swap3A_548 = tpu.vector_load %arg8[%swap3A_546, %swap3A_547] {strides = array<i32>} : memref<16x512xf32, #tpu.memory_space<vmem>>, vector<1x16xf32>,
          %swap3A_549 = vector.shape_cast %swap3A_548 : vector<1x16xf32> to vector<16xf32>
          %swap3A_550 = vector.shape_cast %get3A_545 : vector<16xf32> to vector<1x16xf32>
          tpu.vector_store %arg8[%swap3A_546, %swap3A_547], %swap3A_550 {add = true, strides = array<i32>} : memref<16x512xf32, #tpu.memory_space<vmem>>, vector<1x16xf32>,
          %get3A_551 = arith.index_cast %scan3A_460 : i32 to index
          %get3A_552 = arith.constant 160 : index
          %get3A_553 = tpu.vector_load %arg5[%get3A_551, %get3A_552] {strides = array<i32>} : memref<64x512xf32, #tpu.memory_space<vmem>>, vector<1x16xf32>,
          %get3A_554 = vector.shape_cast %get3A_553 : vector<1x16xf32> to vector<16xf32>
          %swap3A_555 = arith.index_cast %add3A_166 : i32 to index
          %swap3A_556 = arith.constant 160 : index
          %swap3A_557 = tpu.vector_load %arg8[%swap3A_555, %swap3A_556] {strides = array<i32>} : memref<16x512xf32, #tpu.memory_space<vmem>>, vector<1x16xf32>,
          %swap3A_558 = vector.shape_cast %swap3A_557 : vector<1x16xf32> to vector<16xf32>
          %swap3A_559 = vector.shape_cast %get3A_554 : vector<16xf32> to vector<1x16xf32>
          tpu.vector_store %arg8[%swap3A_555, %swap3A_556], %swap3A_559 {add = true, strides = array<i32>} : memref<16x512xf32, #tpu.memory_space<vmem>>, vector<1x16xf32>,
          %get3A_560 = arith.index_cast %scan3A_460 : i32 to index
          %get3A_561 = arith.constant 176 : index
          %get3A_562 = tpu.vector_load %arg5[%get3A_560, %get3A_561] {strides = array<i32>} : memref<64x512xf32, #tpu.memory_space<vmem>>, vector<1x16xf32>,
          %get3A_563 = vector.shape_cast %get3A_562 : vector<1x16xf32> to vector<16xf32>
          %swap3A_564 = arith.index_cast %add3A_166 : i32 to index
          %swap3A_565 = arith.constant 176 : index
          %swap3A_566 = tpu.vector_load %arg8[%swap3A_564, %swap3A_565] {strides = array<i32>} : memref<16x512xf32, #tpu.memory_space<vmem>>, vector<1x16xf32>,
          %swap3A_567 = vector.shape_cast %swap3A_566 : vector<1x16xf32> to vector<16xf32>
          %swap3A_568 = vector.shape_cast %get3A_563 : vector<16xf32> to vector<1x16xf32>
          tpu.vector_store %arg8[%swap3A_564, %swap3A_565], %swap3A_568 {add = true, strides = array<i32>} : memref<16x512xf32, #tpu.memory_space<vmem>>, vector<1x16xf32>,
          %get3A_569 = arith.index_cast %scan3A_460 : i32 to index
          %get3A_570 = arith.constant 192 : index
          %get3A_571 = tpu.vector_load %arg5[%get3A_569, %get3A_570] {strides = array<i32>} : memref<64x512xf32, #tpu.memory_space<vmem>>, vector<1x16xf32>,
          %get3A_572 = vector.shape_cast %get3A_571 : vector<1x16xf32> to vector<16xf32>
          %swap3A_573 = arith.index_cast %add3A_166 : i32 to index
          %swap3A_574 = arith.constant 192 : index
          %swap3A_575 = tpu.vector_load %arg8[%swap3A_573, %swap3A_574] {strides = array<i32>} : memref<16x512xf32, #tpu.memory_space<vmem>>, vector<1x16xf32>,
          %swap3A_576 = vector.shape_cast %swap3A_575 : vector<1x16xf32> to vector<16xf32>
          %swap3A_577 = vector.shape_cast %get3A_572 : vector<16xf32> to vector<1x16xf32>
          tpu.vector_store %arg8[%swap3A_573, %swap3A_574], %swap3A_577 {add = true, strides = array<i32>} : memref<16x512xf32, #tpu.memory_space<vmem>>, vector<1x16xf32>,
          %get3A_578 = arith.index_cast %scan3A_460 : i32 to index
          %get3A_579 = arith.constant 208 : index
          %get3A_580 = tpu.vector_load %arg5[%get3A_578, %get3A_579] {strides = array<i32>} : memref<64x512xf32, #tpu.memory_space<vmem>>, vector<1x16xf32>,
          %get3A_581 = vector.shape_cast %get3A_580 : vector<1x16xf32> to vector<16xf32>
          %swap3A_582 = arith.index_cast %add3A_166 : i32 to index
          %swap3A_583 = arith.constant 208 : index
          %swap3A_584 = tpu.vector_load %arg8[%swap3A_582, %swap3A_583] {strides = array<i32>} : memref<16x512xf32, #tpu.memory_space<vmem>>, vector<1x16xf32>,
          %swap3A_585 = vector.shape_cast %swap3A_584 : vector<1x16xf32> to vector<16xf32>
          %swap3A_586 = vector.shape_cast %get3A_581 : vector<16xf32> to vector<1x16xf32>
          tpu.vector_store %arg8[%swap3A_582, %swap3A_583], %swap3A_586 {add = true, strides = array<i32>} : memref<16x512xf32, #tpu.memory_space<vmem>>, vector<1x16xf32>,
          %get3A_587 = arith.index_cast %scan3A_460 : i32 to index
          %get3A_588 = arith.constant 224 : index
          %get3A_589 = tpu.vector_load %arg5[%get3A_587, %get3A_588] {strides = array<i32>} : memref<64x512xf32, #tpu.memory_space<vmem>>, vector<1x16xf32>,
          %get3A_590 = vector.shape_cast %get3A_589 : vector<1x16xf32> to vector<16xf32>
          %swap3A_591 = arith.index_cast %add3A_166 : i32 to index
          %swap3A_592 = arith.constant 224 : index
          %swap3A_593 = tpu.vector_load %arg8[%swap3A_591, %swap3A_592] {strides = array<i32>} : memref<16x512xf32, #tpu.memory_space<vmem>>, vector<1x16xf32>,
          %swap3A_594 = vector.shape_cast %swap3A_593 : vector<1x16xf32> to vector<16xf32>
          %swap3A_595 = vector.shape_cast %get3A_590 : vector<16xf32> to vector<1x16xf32>
          tpu.vector_store %arg8[%swap3A_591, %swap3A_592], %swap3A_595 {add = true, strides = array<i32>} : memref<16x512xf32, #tpu.memory_space<vmem>>, vector<1x16xf32>,
          %get3A_596 = arith.index_cast %scan3A_460 : i32 to index
          %get3A_597 = arith.constant 240 : index
          %get3A_598 = tpu.vector_load %arg5[%get3A_596, %get3A_597] {strides = array<i32>} : memref<64x512xf32, #tpu.memory_space<vmem>>, vector<1x16xf32>,
          %get3A_599 = vector.shape_cast %get3A_598 : vector<1x16xf32> to vector<16xf32>
          %swap3A_600 = arith.index_cast %add3A_166 : i32 to index
          %swap3A_601 = arith.constant 240 : index
          %swap3A_602 = tpu.vector_load %arg8[%swap3A_600, %swap3A_601] {strides = array<i32>} : memref<16x512xf32, #tpu.memory_space<vmem>>, vector<1x16xf32>,
          %swap3A_603 = vector.shape_cast %swap3A_602 : vector<1x16xf32> to vector<16xf32>
          %swap3A_604 = vector.shape_cast %get3A_599 : vector<16xf32> to vector<1x16xf32>
          tpu.vector_store %arg8[%swap3A_600, %swap3A_601], %swap3A_604 {add = true, strides = array<i32>} : memref<16x512xf32, #tpu.memory_space<vmem>>, vector<1x16xf32>,
          %get3A_605 = arith.index_cast %scan3A_460 : i32 to index
          %get3A_606 = arith.constant 256 : index
          %get3A_607 = tpu.vector_load %arg5[%get3A_605, %get3A_606] {strides = array<i32>} : memref<64x512xf32, #tpu.memory_space<vmem>>, vector<1x16xf32>,
          %get3A_608 = vector.shape_cast %get3A_607 : vector<1x16xf32> to vector<16xf32>
          %swap3A_609 = arith.index_cast %add3A_166 : i32 to index
          %swap3A_610 = arith.constant 256 : index
          %swap3A_611 = tpu.vector_load %arg8[%swap3A_609, %swap3A_610] {strides = array<i32>} : memref<16x512xf32, #tpu.memory_space<vmem>>, vector<1x16xf32>,
          %swap3A_612 = vector.shape_cast %swap3A_611 : vector<1x16xf32> to vector<16xf32>
          %swap3A_613 = vector.shape_cast %get3A_608 : vector<16xf32> to vector<1x16xf32>
          tpu.vector_store %arg8[%swap3A_609, %swap3A_610], %swap3A_613 {add = true, strides = array<i32>} : memref<16x512xf32, #tpu.memory_space<vmem>>, vector<1x16xf32>,
          %get3A_614 = arith.index_cast %scan3A_460 : i32 to index
          %get3A_615 = arith.constant 272 : index
          %get3A_616 = tpu.vector_load %arg5[%get3A_614, %get3A_615] {strides = array<i32>} : memref<64x512xf32, #tpu.memory_space<vmem>>, vector<1x16xf32>,
          %get3A_617 = vector.shape_cast %get3A_616 : vector<1x16xf32> to vector<16xf32>
          %swap3A_618 = arith.index_cast %add3A_166 : i32 to index
          %swap3A_619 = arith.constant 272 : index
          %swap3A_620 = tpu.vector_load %arg8[%swap3A_618, %swap3A_619] {strides = array<i32>} : memref<16x512xf32, #tpu.memory_space<vmem>>, vector<1x16xf32>,
          %swap3A_621 = vector.shape_cast %swap3A_620 : vector<1x16xf32> to vector<16xf32>
          %swap3A_622 = vector.shape_cast %get3A_617 : vector<16xf32> to vector<1x16xf32>
          tpu.vector_store %arg8[%swap3A_618, %swap3A_619], %swap3A_622 {add = true, strides = array<i32>} : memref<16x512xf32, #tpu.memory_space<vmem>>, vector<1x16xf32>,
          %get3A_623 = arith.index_cast %scan3A_460 : i32 to index
          %get3A_624 = arith.constant 288 : index
          %get3A_625 = tpu.vector_load %arg5[%get3A_623, %get3A_624] {strides = array<i32>} : memref<64x512xf32, #tpu.memory_space<vmem>>, vector<1x16xf32>,
          %get3A_626 = vector.shape_cast %get3A_625 : vector<1x16xf32> to vector<16xf32>
          %swap3A_627 = arith.index_cast %add3A_166 : i32 to index
          %swap3A_628 = arith.constant 288 : index
          %swap3A_629 = tpu.vector_load %arg8[%swap3A_627, %swap3A_628] {strides = array<i32>} : memref<16x512xf32, #tpu.memory_space<vmem>>, vector<1x16xf32>,
          %swap3A_630 = vector.shape_cast %swap3A_629 : vector<1x16xf32> to vector<16xf32>
          %swap3A_631 = vector.shape_cast %get3A_626 : vector<16xf32> to vector<1x16xf32>
          tpu.vector_store %arg8[%swap3A_627, %swap3A_628], %swap3A_631 {add = true, strides = array<i32>} : memref<16x512xf32, #tpu.memory_space<vmem>>, vector<1x16xf32>,
          %get3A_632 = arith.index_cast %scan3A_460 : i32 to index
          %get3A_633 = arith.constant 304 : index
          %get3A_634 = tpu.vector_load %arg5[%get3A_632, %get3A_633] {strides = array<i32>} : memref<64x512xf32, #tpu.memory_space<vmem>>, vector<1x16xf32>,
          %get3A_635 = vector.shape_cast %get3A_634 : vector<1x16xf32> to vector<16xf32>
          %swap3A_636 = arith.index_cast %add3A_166 : i32 to index
          %swap3A_637 = arith.constant 304 : index
          %swap3A_638 = tpu.vector_load %arg8[%swap3A_636, %swap3A_637] {strides = array<i32>} : memref<16x512xf32, #tpu.memory_space<vmem>>, vector<1x16xf32>,
          %swap3A_639 = vector.shape_cast %swap3A_638 : vector<1x16xf32> to vector<16xf32>
          %swap3A_640 = vector.shape_cast %get3A_635 : vector<16xf32> to vector<1x16xf32>
          tpu.vector_store %arg8[%swap3A_636, %swap3A_637], %swap3A_640 {add = true, strides = array<i32>} : memref<16x512xf32, #tpu.memory_space<vmem>>, vector<1x16xf32>,
          %get3A_641 = arith.index_cast %scan3A_460 : i32 to index
          %get3A_642 = arith.constant 320 : index
          %get3A_643 = tpu.vector_load %arg5[%get3A_641, %get3A_642] {strides = array<i32>} : memref<64x512xf32, #tpu.memory_space<vmem>>, vector<1x16xf32>,
          %get3A_644 = vector.shape_cast %get3A_643 : vector<1x16xf32> to vector<16xf32>
          %swap3A_645 = arith.index_cast %add3A_166 : i32 to index
          %swap3A_646 = arith.constant 320 : index
          %swap3A_647 = tpu.vector_load %arg8[%swap3A_645, %swap3A_646] {strides = array<i32>} : memref<16x512xf32, #tpu.memory_space<vmem>>, vector<1x16xf32>,
          %swap3A_648 = vector.shape_cast %swap3A_647 : vector<1x16xf32> to vector<16xf32>
          %swap3A_649 = vector.shape_cast %get3A_644 : vector<16xf32> to vector<1x16xf32>
          tpu.vector_store %arg8[%swap3A_645, %swap3A_646], %swap3A_649 {add = true, strides = array<i32>} : memref<16x512xf32, #tpu.memory_space<vmem>>, vector<1x16xf32>,
          %get3A_650 = arith.index_cast %scan3A_460 : i32 to index
          %get3A_651 = arith.constant 336 : index
          %get3A_652 = tpu.vector_load %arg5[%get3A_650, %get3A_651] {strides = array<i32>} : memref<64x512xf32, #tpu.memory_space<vmem>>, vector<1x16xf32>,
          %get3A_653 = vector.shape_cast %get3A_652 : vector<1x16xf32> to vector<16xf32>
          %swap3A_654 = arith.index_cast %add3A_166 : i32 to index
          %swap3A_655 = arith.constant 336 : index
          %swap3A_656 = tpu.vector_load %arg8[%swap3A_654, %swap3A_655] {strides = array<i32>} : memref<16x512xf32, #tpu.memory_space<vmem>>, vector<1x16xf32>,
          %swap3A_657 = vector.shape_cast %swap3A_656 : vector<1x16xf32> to vector<16xf32>
          %swap3A_658 = vector.shape_cast %get3A_653 : vector<16xf32> to vector<1x16xf32>
          tpu.vector_store %arg8[%swap3A_654, %swap3A_655], %swap3A_658 {add = true, strides = array<i32>} : memref<16x512xf32, #tpu.memory_space<vmem>>, vector<1x16xf32>,
          %get3A_659 = arith.index_cast %scan3A_460 : i32 to index
          %get3A_660 = arith.constant 352 : index
          %get3A_661 = tpu.vector_load %arg5[%get3A_659, %get3A_660] {strides = array<i32>} : memref<64x512xf32, #tpu.memory_space<vmem>>, vector<1x16xf32>,
          %get3A_662 = vector.shape_cast %get3A_661 : vector<1x16xf32> to vector<16xf32>
          %swap3A_663 = arith.index_cast %add3A_166 : i32 to index
          %swap3A_664 = arith.constant 352 : index
          %swap3A_665 = tpu.vector_load %arg8[%swap3A_663, %swap3A_664] {strides = array<i32>} : memref<16x512xf32, #tpu.memory_space<vmem>>, vector<1x16xf32>,
          %swap3A_666 = vector.shape_cast %swap3A_665 : vector<1x16xf32> to vector<16xf32>
          %swap3A_667 = vector.shape_cast %get3A_662 : vector<16xf32> to vector<1x16xf32>
          tpu.vector_store %arg8[%swap3A_663, %swap3A_664], %swap3A_667 {add = true, strides = array<i32>} : memref<16x512xf32, #tpu.memory_space<vmem>>, vector<1x16xf32>,
          %get3A_668 = arith.index_cast %scan3A_460 : i32 to index
          %get3A_669 = arith.constant 368 : index
          %get3A_670 = tpu.vector_load %arg5[%get3A_668, %get3A_669] {strides = array<i32>} : memref<64x512xf32, #tpu.memory_space<vmem>>, vector<1x16xf32>,
          %get3A_671 = vector.shape_cast %get3A_670 : vector<1x16xf32> to vector<16xf32>
          %swap3A_672 = arith.index_cast %add3A_166 : i32 to index
          %swap3A_673 = arith.constant 368 : index
          %swap3A_674 = tpu.vector_load %arg8[%swap3A_672, %swap3A_673] {strides = array<i32>} : memref<16x512xf32, #tpu.memory_space<vmem>>, vector<1x16xf32>,
          %swap3A_675 = vector.shape_cast %swap3A_674 : vector<1x16xf32> to vector<16xf32>
          %swap3A_676 = vector.shape_cast %get3A_671 : vector<16xf32> to vector<1x16xf32>
          tpu.vector_store %arg8[%swap3A_672, %swap3A_673], %swap3A_676 {add = true, strides = array<i32>} : memref<16x512xf32, #tpu.memory_space<vmem>>, vector<1x16xf32>,
          %get3A_677 = arith.index_cast %scan3A_460 : i32 to index
          %get3A_678 = arith.constant 384 : index
          %get3A_679 = tpu.vector_load %arg5[%get3A_677, %get3A_678] {strides = array<i32>} : memref<64x512xf32, #tpu.memory_space<vmem>>, vector<1x16xf32>,
          %get3A_680 = vector.shape_cast %get3A_679 : vector<1x16xf32> to vector<16xf32>
          %swap3A_681 = arith.index_cast %add3A_166 : i32 to index
          %swap3A_682 = arith.constant 384 : index
          %swap3A_683 = tpu.vector_load %arg8[%swap3A_681, %swap3A_682] {strides = array<i32>} : memref<16x512xf32, #tpu.memory_space<vmem>>, vector<1x16xf32>,
          %swap3A_684 = vector.shape_cast %swap3A_683 : vector<1x16xf32> to vector<16xf32>
          %swap3A_685 = vector.shape_cast %get3A_680 : vector<16xf32> to vector<1x16xf32>
          tpu.vector_store %arg8[%swap3A_681, %swap3A_682], %swap3A_685 {add = true, strides = array<i32>} : memref<16x512xf32, #tpu.memory_space<vmem>>, vector<1x16xf32>,
          %get3A_686 = arith.index_cast %scan3A_460 : i32 to index
          %get3A_687 = arith.constant 400 : index
          %get3A_688 = tpu.vector_load %arg5[%get3A_686, %get3A_687] {strides = array<i32>} : memref<64x512xf32, #tpu.memory_space<vmem>>, vector<1x16xf32>,
          %get3A_689 = vector.shape_cast %get3A_688 : vector<1x16xf32> to vector<16xf32>
          %swap3A_690 = arith.index_cast %add3A_166 : i32 to index
          %swap3A_691 = arith.constant 400 : index
          %swap3A_692 = tpu.vector_load %arg8[%swap3A_690, %swap3A_691] {strides = array<i32>} : memref<16x512xf32, #tpu.memory_space<vmem>>, vector<1x16xf32>,
          %swap3A_693 = vector.shape_cast %swap3A_692 : vector<1x16xf32> to vector<16xf32>
          %swap3A_694 = vector.shape_cast %get3A_689 : vector<16xf32> to vector<1x16xf32>
          tpu.vector_store %arg8[%swap3A_690, %swap3A_691], %swap3A_694 {add = true, strides = array<i32>} : memref<16x512xf32, #tpu.memory_space<vmem>>, vector<1x16xf32>,
          %get3A_695 = arith.index_cast %scan3A_460 : i32 to index
          %get3A_696 = arith.constant 416 : index
          %get3A_697 = tpu.vector_load %arg5[%get3A_695, %get3A_696] {strides = array<i32>} : memref<64x512xf32, #tpu.memory_space<vmem>>, vector<1x16xf32>,
          %get3A_698 = vector.shape_cast %get3A_697 : vector<1x16xf32> to vector<16xf32>
          %swap3A_699 = arith.index_cast %add3A_166 : i32 to index
          %swap3A_700 = arith.constant 416 : index
          %swap3A_701 = tpu.vector_load %arg8[%swap3A_699, %swap3A_700] {strides = array<i32>} : memref<16x512xf32, #tpu.memory_space<vmem>>, vector<1x16xf32>,
          %swap3A_702 = vector.shape_cast %swap3A_701 : vector<1x16xf32> to vector<16xf32>
          %swap3A_703 = vector.shape_cast %get3A_698 : vector<16xf32> to vector<1x16xf32>
          tpu.vector_store %arg8[%swap3A_699, %swap3A_700], %swap3A_703 {add = true, strides = array<i32>} : memref<16x512xf32, #tpu.memory_space<vmem>>, vector<1x16xf32>,
          %get3A_704 = arith.index_cast %scan3A_460 : i32 to index
          %get3A_705 = arith.constant 432 : index
          %get3A_706 = tpu.vector_load %arg5[%get3A_704, %get3A_705] {strides = array<i32>} : memref<64x512xf32, #tpu.memory_space<vmem>>, vector<1x16xf32>,
          %get3A_707 = vector.shape_cast %get3A_706 : vector<1x16xf32> to vector<16xf32>
          %swap3A_708 = arith.index_cast %add3A_166 : i32 to index
          %swap3A_709 = arith.constant 432 : index
          %swap3A_710 = tpu.vector_load %arg8[%swap3A_708, %swap3A_709] {strides = array<i32>} : memref<16x512xf32, #tpu.memory_space<vmem>>, vector<1x16xf32>,
          %swap3A_711 = vector.shape_cast %swap3A_710 : vector<1x16xf32> to vector<16xf32>
          %swap3A_712 = vector.shape_cast %get3A_707 : vector<16xf32> to vector<1x16xf32>
          tpu.vector_store %arg8[%swap3A_708, %swap3A_709], %swap3A_712 {add = true, strides = array<i32>} : memref<16x512xf32, #tpu.memory_space<vmem>>, vector<1x16xf32>,
          %get3A_713 = arith.index_cast %scan3A_460 : i32 to index
          %get3A_714 = arith.constant 448 : index
          %get3A_715 = tpu.vector_load %arg5[%get3A_713, %get3A_714] {strides = array<i32>} : memref<64x512xf32, #tpu.memory_space<vmem>>, vector<1x16xf32>,
          %get3A_716 = vector.shape_cast %get3A_715 : vector<1x16xf32> to vector<16xf32>
          %swap3A_717 = arith.index_cast %add3A_166 : i32 to index
          %swap3A_718 = arith.constant 448 : index
          %swap3A_719 = tpu.vector_load %arg8[%swap3A_717, %swap3A_718] {strides = array<i32>} : memref<16x512xf32, #tpu.memory_space<vmem>>, vector<1x16xf32>,
          %swap3A_720 = vector.shape_cast %swap3A_719 : vector<1x16xf32> to vector<16xf32>
          %swap3A_721 = vector.shape_cast %get3A_716 : vector<16xf32> to vector<1x16xf32>
          tpu.vector_store %arg8[%swap3A_717, %swap3A_718], %swap3A_721 {add = true, strides = array<i32>} : memref<16x512xf32, #tpu.memory_space<vmem>>, vector<1x16xf32>,
          %get3A_722 = arith.index_cast %scan3A_460 : i32 to index
          %get3A_723 = arith.constant 464 : index
          %get3A_724 = tpu.vector_load %arg5[%get3A_722, %get3A_723] {strides = array<i32>} : memref<64x512xf32, #tpu.memory_space<vmem>>, vector<1x16xf32>,
          %get3A_725 = vector.shape_cast %get3A_724 : vector<1x16xf32> to vector<16xf32>
          %swap3A_726 = arith.index_cast %add3A_166 : i32 to index
          %swap3A_727 = arith.constant 464 : index
          %swap3A_728 = tpu.vector_load %arg8[%swap3A_726, %swap3A_727] {strides = array<i32>} : memref<16x512xf32, #tpu.memory_space<vmem>>, vector<1x16xf32>,
          %swap3A_729 = vector.shape_cast %swap3A_728 : vector<1x16xf32> to vector<16xf32>
          %swap3A_730 = vector.shape_cast %get3A_725 : vector<16xf32> to vector<1x16xf32>
          tpu.vector_store %arg8[%swap3A_726, %swap3A_727], %swap3A_730 {add = true, strides = array<i32>} : memref<16x512xf32, #tpu.memory_space<vmem>>, vector<1x16xf32>,
          %get3A_731 = arith.index_cast %scan3A_460 : i32 to index
          %get3A_732 = arith.constant 480 : index
          %get3A_733 = tpu.vector_load %arg5[%get3A_731, %get3A_732] {strides = array<i32>} : memref<64x512xf32, #tpu.memory_space<vmem>>, vector<1x16xf32>,
          %get3A_734 = vector.shape_cast %get3A_733 : vector<1x16xf32> to vector<16xf32>
          %swap3A_735 = arith.index_cast %add3A_166 : i32 to index
          %swap3A_736 = arith.constant 480 : index
          %swap3A_737 = tpu.vector_load %arg8[%swap3A_735, %swap3A_736] {strides = array<i32>} : memref<16x512xf32, #tpu.memory_space<vmem>>, vector<1x16xf32>,
          %swap3A_738 = vector.shape_cast %swap3A_737 : vector<1x16xf32> to vector<16xf32>
          %swap3A_739 = vector.shape_cast %get3A_734 : vector<16xf32> to vector<1x16xf32>
          tpu.vector_store %arg8[%swap3A_735, %swap3A_736], %swap3A_739 {add = true, strides = array<i32>} : memref<16x512xf32, #tpu.memory_space<vmem>>, vector<1x16xf32>,
          %get3A_740 = arith.index_cast %scan3A_460 : i32 to index
          %get3A_741 = arith.constant 496 : index
          %get3A_742 = tpu.vector_load %arg5[%get3A_740, %get3A_741] {strides = array<i32>} : memref<64x512xf32, #tpu.memory_space<vmem>>, vector<1x16xf32>,
          %get3A_743 = vector.shape_cast %get3A_742 : vector<1x16xf32> to vector<16xf32>
          %swap3A_744 = arith.index_cast %add3A_166 : i32 to index
          %swap3A_745 = arith.constant 496 : index
          %swap3A_746 = tpu.vector_load %arg8[%swap3A_744, %swap3A_745] {strides = array<i32>} : memref<16x512xf32, #tpu.memory_space<vmem>>, vector<1x16xf32>,
          %swap3A_747 = vector.shape_cast %swap3A_746 : vector<1x16xf32> to vector<16xf32>
          %swap3A_748 = vector.shape_cast %get3A_743 : vector<16xf32> to vector<1x16xf32>
          tpu.vector_store %arg8[%swap3A_744, %swap3A_745], %swap3A_748 {add = true, strides = array<i32>} : memref<16x512xf32, #tpu.memory_space<vmem>>, vector<1x16xf32>,
          %scan3A_749 = arith.constant 0 : i32
          scf.yield %scan3A_749 : i32
        }
        %scan3A_458 = arith.constant 64 : i32
        %cond3A_459 = arith.constant 0 : i32
        scf.yield %cond3A_459 : i32
      } else {
        %scan3A_452 = arith.constant 0 : i32
        %scan3A_453 = arith.constant 0 : i32
        %scan3A_454 = arith.constant 64 : i32
        %scan3A_455 = arith.addi %scan3A_453, %scan3A_454 : i32
        %scan3A_456 = arith.constant 1 : i32
        %scan3A_457 = scf.for %scan3A_460 = %scan3A_453 to %scan3A_455 step %scan3A_456 iter_args(%scan3A_461 = %scan3A_452) -> (i32)  : i32 {
          %add3A_462 = arith.addi %add3A_88, %scan3A_460 : i32
          %le3A_463 = arith.cmpi sle, %add3A_6, %add3A_462 : i32
          %jit3A_464 = arith.constant 1 : i32
          %jit3A_465 = arith.constant 0 : i32
          %select_n3A_466 = arith.select %le3A_463, %jit3A_464, %jit3A_465 : i32
          %add3A_467 = arith.constant 0 : i32
          %add3A_468 = arith.addi %add3A_467, %select_n3A_466 : i32
          %le3A_469 = arith.cmpi sle, %add3A_9, %add3A_462 : i32
          %jit3A_470 = arith.constant 1 : i32
          %jit3A_471 = arith.constant 0 : i32
          %select_n3A_472 = arith.select %le3A_469, %jit3A_470, %jit3A_471 : i32
          %add3A_473 = arith.addi %add3A_468, %select_n3A_472 : i32
          %le3A_474 = arith.cmpi sle, %add3A_12, %add3A_462 : i32
          %jit3A_475 = arith.constant 1 : i32
          %jit3A_476 = arith.constant 0 : i32
          %select_n3A_477 = arith.select %le3A_474, %jit3A_475, %jit3A_476 : i32
          %add3A_478 = arith.addi %add3A_473, %select_n3A_477 : i32
          %le3A_479 = arith.cmpi sle, %add3A_15, %add3A_462 : i32
          %jit3A_480 = arith.constant 1 : i32
          %jit3A_481 = arith.constant 0 : i32
          %select_n3A_482 = arith.select %le3A_479, %jit3A_480, %jit3A_481 : i32
          %add3A_483 = arith.addi %add3A_478, %select_n3A_482 : i32
          %le3A_484 = arith.cmpi sle, %add3A_18, %add3A_462 : i32
          %jit3A_485 = arith.constant 1 : i32
          %jit3A_486 = arith.constant 0 : i32
          %select_n3A_487 = arith.select %le3A_484, %jit3A_485, %jit3A_486 : i32
          %add3A_488 = arith.addi %add3A_483, %select_n3A_487 : i32
          %le3A_489 = arith.cmpi sle, %add3A_21, %add3A_462 : i32
          %jit3A_490 = arith.constant 1 : i32
          %jit3A_491 = arith.constant 0 : i32
          %select_n3A_492 = arith.select %le3A_489, %jit3A_490, %jit3A_491 : i32
          %add3A_493 = arith.addi %add3A_488, %select_n3A_492 : i32
          %le3A_494 = arith.cmpi sle, %add3A_24, %add3A_462 : i32
          %jit3A_495 = arith.constant 1 : i32
          %jit3A_496 = arith.constant 0 : i32
          %select_n3A_497 = arith.select %le3A_494, %jit3A_495, %jit3A_496 : i32
          %add3A_498 = arith.addi %add3A_493, %select_n3A_497 : i32
          %le3A_499 = arith.cmpi sle, %add3A_27, %add3A_462 : i32
          %jit3A_500 = arith.constant 1 : i32
          %jit3A_501 = arith.constant 0 : i32
          %select_n3A_502 = arith.select %le3A_499, %jit3A_500, %jit3A_501 : i32
          %add3A_503 = arith.addi %add3A_498, %select_n3A_502 : i32
          %le3A_504 = arith.cmpi sle, %add3A_30, %add3A_462 : i32
          %jit3A_505 = arith.constant 1 : i32
          %jit3A_506 = arith.constant 0 : i32
          %select_n3A_507 = arith.select %le3A_504, %jit3A_505, %jit3A_506 : i32
          %add3A_508 = arith.addi %add3A_503, %select_n3A_507 : i32
          %le3A_509 = arith.cmpi sle, %add3A_33, %add3A_462 : i32
          %jit3A_510 = arith.constant 1 : i32
          %jit3A_511 = arith.constant 0 : i32
          %select_n3A_512 = arith.select %le3A_509, %jit3A_510, %jit3A_511 : i32
          %add3A_513 = arith.addi %add3A_508, %select_n3A_512 : i32
          %le3A_514 = arith.cmpi sle, %add3A_36, %add3A_462 : i32
          %jit3A_515 = arith.constant 1 : i32
          %jit3A_516 = arith.constant 0 : i32
          %select_n3A_517 = arith.select %le3A_514, %jit3A_515, %jit3A_516 : i32
          %add3A_518 = arith.addi %add3A_513, %select_n3A_517 : i32
          %le3A_519 = arith.cmpi sle, %add3A_39, %add3A_462 : i32
          %jit3A_520 = arith.constant 1 : i32
          %jit3A_521 = arith.constant 0 : i32
          %select_n3A_522 = arith.select %le3A_519, %jit3A_520, %jit3A_521 : i32
          %add3A_523 = arith.addi %add3A_518, %select_n3A_522 : i32
          %le3A_524 = arith.cmpi sle, %add3A_42, %add3A_462 : i32
          %jit3A_525 = arith.constant 1 : i32
          %jit3A_526 = arith.constant 0 : i32
          %select_n3A_527 = arith.select %le3A_524, %jit3A_525, %jit3A_526 : i32
          %add3A_528 = arith.addi %add3A_523, %select_n3A_527 : i32
          %le3A_529 = arith.cmpi sle, %add3A_45, %add3A_462 : i32
          %jit3A_530 = arith.constant 1 : i32
          %jit3A_531 = arith.constant 0 : i32
          %select_n3A_532 = arith.select %le3A_529, %jit3A_530, %jit3A_531 : i32
          %add3A_533 = arith.addi %add3A_528, %select_n3A_532 : i32
          %le3A_534 = arith.cmpi sle, %add3A_48, %add3A_462 : i32
          %jit3A_535 = arith.constant 1 : i32
          %jit3A_536 = arith.constant 0 : i32
          %select_n3A_537 = arith.select %le3A_534, %jit3A_535, %jit3A_536 : i32
          %add3A_538 = arith.addi %add3A_533, %select_n3A_537 : i32
          %le3A_539 = arith.cmpi sle, %add3A_51, %add3A_462 : i32
          %jit3A_540 = arith.constant 1 : i32
          %jit3A_541 = arith.constant 0 : i32
          %select_n3A_542 = arith.select %le3A_539, %jit3A_540, %jit3A_541 : i32
          %add3A_543 = arith.addi %add3A_538, %select_n3A_542 : i32
          %get3A_544 = arith.index_cast %scan3A_460 : i32 to index
          %get3A_545 = arith.constant 0 : index
          %get3A_546 = tpu.vector_load %arg5[%get3A_544, %get3A_545] {strides = array<i32>} : memref<64x512xf32, #tpu.memory_space<vmem>>, vector<1x16xf32>,
          %get3A_547 = vector.shape_cast %get3A_546 : vector<1x16xf32> to vector<16xf32>
          %swap3A = arith.index_cast %add3A_543 : i32 to index
          %swap3A_548 = arith.constant 0 : index
          %swap3A_549 = tpu.vector_load %arg8[%swap3A, %swap3A_548] {strides = array<i32>} : memref<16x512xf32, #tpu.memory_space<vmem>>, vector<1x16xf32>,
          %swap3A_550 = vector.shape_cast %swap3A_549 : vector<1x16xf32> to vector<16xf32>
          %swap3A_551 = vector.shape_cast %get3A_547 : vector<16xf32> to vector<1x16xf32>
          tpu.vector_store %arg8[%swap3A, %swap3A_548], %swap3A_551 {add = true, strides = array<i32>} : memref<16x512xf32, #tpu.memory_space<vmem>>, vector<1x16xf32>,
          %get3A_552 = arith.index_cast %scan3A_460 : i32 to index
          %get3A_553 = arith.constant 16 : index
          %get3A_554 = tpu.vector_load %arg5[%get3A_552, %get3A_553] {strides = array<i32>} : memref<64x512xf32, #tpu.memory_space<vmem>>, vector<1x16xf32>,
          %get3A_555 = vector.shape_cast %get3A_554 : vector<1x16xf32> to vector<16xf32>
          %swap3A_556 = arith.index_cast %add3A_543 : i32 to index
          %swap3A_557 = arith.constant 16 : index
          %swap3A_558 = tpu.vector_load %arg8[%swap3A_556, %swap3A_557] {strides = array<i32>} : memref<16x512xf32, #tpu.memory_space<vmem>>, vector<1x16xf32>,
          %swap3A_559 = vector.shape_cast %swap3A_558 : vector<1x16xf32> to vector<16xf32>
          %swap3A_560 = vector.shape_cast %get3A_555 : vector<16xf32> to vector<1x16xf32>
          tpu.vector_store %arg8[%swap3A_556, %swap3A_557], %swap3A_560 {add = true, strides = array<i32>} : memref<16x512xf32, #tpu.memory_space<vmem>>, vector<1x16xf32>,
          %get3A_561 = arith.index_cast %scan3A_460 : i32 to index
          %get3A_562 = arith.constant 32 : index
          %get3A_563 = tpu.vector_load %arg5[%get3A_561, %get3A_562] {strides = array<i32>} : memref<64x512xf32, #tpu.memory_space<vmem>>, vector<1x16xf32>,
          %get3A_564 = vector.shape_cast %get3A_563 : vector<1x16xf32> to vector<16xf32>
          %swap3A_565 = arith.index_cast %add3A_543 : i32 to index
          %swap3A_566 = arith.constant 32 : index
          %swap3A_567 = tpu.vector_load %arg8[%swap3A_565, %swap3A_566] {strides = array<i32>} : memref<16x512xf32, #tpu.memory_space<vmem>>, vector<1x16xf32>,
          %swap3A_568 = vector.shape_cast %swap3A_567 : vector<1x16xf32> to vector<16xf32>
          %swap3A_569 = vector.shape_cast %get3A_564 : vector<16xf32> to vector<1x16xf32>
          tpu.vector_store %arg8[%swap3A_565, %swap3A_566], %swap3A_569 {add = true, strides = array<i32>} : memref<16x512xf32, #tpu.memory_space<vmem>>, vector<1x16xf32>,
          %get3A_570 = arith.index_cast %scan3A_460 : i32 to index
          %get3A_571 = arith.constant 48 : index
          %get3A_572 = tpu.vector_load %arg5[%get3A_570, %get3A_571] {strides = array<i32>} : memref<64x512xf32, #tpu.memory_space<vmem>>, vector<1x16xf32>,
          %get3A_573 = vector.shape_cast %get3A_572 : vector<1x16xf32> to vector<16xf32>
          %swap3A_574 = arith.index_cast %add3A_543 : i32 to index
          %swap3A_575 = arith.constant 48 : index
          %swap3A_576 = tpu.vector_load %arg8[%swap3A_574, %swap3A_575] {strides = array<i32>} : memref<16x512xf32, #tpu.memory_space<vmem>>, vector<1x16xf32>,
          %swap3A_577 = vector.shape_cast %swap3A_576 : vector<1x16xf32> to vector<16xf32>
          %swap3A_578 = vector.shape_cast %get3A_573 : vector<16xf32> to vector<1x16xf32>
          tpu.vector_store %arg8[%swap3A_574, %swap3A_575], %swap3A_578 {add = true, strides = array<i32>} : memref<16x512xf32, #tpu.memory_space<vmem>>, vector<1x16xf32>,
          %get3A_579 = arith.index_cast %scan3A_460 : i32 to index
          %get3A_580 = arith.constant 64 : index
          %get3A_581 = tpu.vector_load %arg5[%get3A_579, %get3A_580] {strides = array<i32>} : memref<64x512xf32, #tpu.memory_space<vmem>>, vector<1x16xf32>,
          %get3A_582 = vector.shape_cast %get3A_581 : vector<1x16xf32> to vector<16xf32>
          %swap3A_583 = arith.index_cast %add3A_543 : i32 to index
          %swap3A_584 = arith.constant 64 : index
          %swap3A_585 = tpu.vector_load %arg8[%swap3A_583, %swap3A_584] {strides = array<i32>} : memref<16x512xf32, #tpu.memory_space<vmem>>, vector<1x16xf32>,
          %swap3A_586 = vector.shape_cast %swap3A_585 : vector<1x16xf32> to vector<16xf32>
          %swap3A_587 = vector.shape_cast %get3A_582 : vector<16xf32> to vector<1x16xf32>
          tpu.vector_store %arg8[%swap3A_583, %swap3A_584], %swap3A_587 {add = true, strides = array<i32>} : memref<16x512xf32, #tpu.memory_space<vmem>>, vector<1x16xf32>,
          %get3A_588 = arith.index_cast %scan3A_460 : i32 to index
          %get3A_589 = arith.constant 80 : index
          %get3A_590 = tpu.vector_load %arg5[%get3A_588, %get3A_589] {strides = array<i32>} : memref<64x512xf32, #tpu.memory_space<vmem>>, vector<1x16xf32>,
          %get3A_591 = vector.shape_cast %get3A_590 : vector<1x16xf32> to vector<16xf32>
          %swap3A_592 = arith.index_cast %add3A_543 : i32 to index
          %swap3A_593 = arith.constant 80 : index
          %swap3A_594 = tpu.vector_load %arg8[%swap3A_592, %swap3A_593] {strides = array<i32>} : memref<16x512xf32, #tpu.memory_space<vmem>>, vector<1x16xf32>,
          %swap3A_595 = vector.shape_cast %swap3A_594 : vector<1x16xf32> to vector<16xf32>
          %swap3A_596 = vector.shape_cast %get3A_591 : vector<16xf32> to vector<1x16xf32>
          tpu.vector_store %arg8[%swap3A_592, %swap3A_593], %swap3A_596 {add = true, strides = array<i32>} : memref<16x512xf32, #tpu.memory_space<vmem>>, vector<1x16xf32>,
          %get3A_597 = arith.index_cast %scan3A_460 : i32 to index
          %get3A_598 = arith.constant 96 : index
          %get3A_599 = tpu.vector_load %arg5[%get3A_597, %get3A_598] {strides = array<i32>} : memref<64x512xf32, #tpu.memory_space<vmem>>, vector<1x16xf32>,
          %get3A_600 = vector.shape_cast %get3A_599 : vector<1x16xf32> to vector<16xf32>
          %swap3A_601 = arith.index_cast %add3A_543 : i32 to index
          %swap3A_602 = arith.constant 96 : index
          %swap3A_603 = tpu.vector_load %arg8[%swap3A_601, %swap3A_602] {strides = array<i32>} : memref<16x512xf32, #tpu.memory_space<vmem>>, vector<1x16xf32>,
          %swap3A_604 = vector.shape_cast %swap3A_603 : vector<1x16xf32> to vector<16xf32>
          %swap3A_605 = vector.shape_cast %get3A_600 : vector<16xf32> to vector<1x16xf32>
          tpu.vector_store %arg8[%swap3A_601, %swap3A_602], %swap3A_605 {add = true, strides = array<i32>} : memref<16x512xf32, #tpu.memory_space<vmem>>, vector<1x16xf32>,
          %get3A_606 = arith.index_cast %scan3A_460 : i32 to index
          %get3A_607 = arith.constant 112 : index
          %get3A_608 = tpu.vector_load %arg5[%get3A_606, %get3A_607] {strides = array<i32>} : memref<64x512xf32, #tpu.memory_space<vmem>>, vector<1x16xf32>,
          %get3A_609 = vector.shape_cast %get3A_608 : vector<1x16xf32> to vector<16xf32>
          %swap3A_610 = arith.index_cast %add3A_543 : i32 to index
          %swap3A_611 = arith.constant 112 : index
          %swap3A_612 = tpu.vector_load %arg8[%swap3A_610, %swap3A_611] {strides = array<i32>} : memref<16x512xf32, #tpu.memory_space<vmem>>, vector<1x16xf32>,
          %swap3A_613 = vector.shape_cast %swap3A_612 : vector<1x16xf32> to vector<16xf32>
          %swap3A_614 = vector.shape_cast %get3A_609 : vector<16xf32> to vector<1x16xf32>
          tpu.vector_store %arg8[%swap3A_610, %swap3A_611], %swap3A_614 {add = true, strides = array<i32>} : memref<16x512xf32, #tpu.memory_space<vmem>>, vector<1x16xf32>,
          %get3A_615 = arith.index_cast %scan3A_460 : i32 to index
          %get3A_616 = arith.constant 128 : index
          %get3A_617 = tpu.vector_load %arg5[%get3A_615, %get3A_616] {strides = array<i32>} : memref<64x512xf32, #tpu.memory_space<vmem>>, vector<1x16xf32>,
          %get3A_618 = vector.shape_cast %get3A_617 : vector<1x16xf32> to vector<16xf32>
          %swap3A_619 = arith.index_cast %add3A_543 : i32 to index
          %swap3A_620 = arith.constant 128 : index
          %swap3A_621 = tpu.vector_load %arg8[%swap3A_619, %swap3A_620] {strides = array<i32>} : memref<16x512xf32, #tpu.memory_space<vmem>>, vector<1x16xf32>,
          %swap3A_622 = vector.shape_cast %swap3A_621 : vector<1x16xf32> to vector<16xf32>
          %swap3A_623 = vector.shape_cast %get3A_618 : vector<16xf32> to vector<1x16xf32>
          tpu.vector_store %arg8[%swap3A_619, %swap3A_620], %swap3A_623 {add = true, strides = array<i32>} : memref<16x512xf32, #tpu.memory_space<vmem>>, vector<1x16xf32>,
          %get3A_624 = arith.index_cast %scan3A_460 : i32 to index
          %get3A_625 = arith.constant 144 : index
          %get3A_626 = tpu.vector_load %arg5[%get3A_624, %get3A_625] {strides = array<i32>} : memref<64x512xf32, #tpu.memory_space<vmem>>, vector<1x16xf32>,
          %get3A_627 = vector.shape_cast %get3A_626 : vector<1x16xf32> to vector<16xf32>
          %swap3A_628 = arith.index_cast %add3A_543 : i32 to index
          %swap3A_629 = arith.constant 144 : index
          %swap3A_630 = tpu.vector_load %arg8[%swap3A_628, %swap3A_629] {strides = array<i32>} : memref<16x512xf32, #tpu.memory_space<vmem>>, vector<1x16xf32>,
          %swap3A_631 = vector.shape_cast %swap3A_630 : vector<1x16xf32> to vector<16xf32>
          %swap3A_632 = vector.shape_cast %get3A_627 : vector<16xf32> to vector<1x16xf32>
          tpu.vector_store %arg8[%swap3A_628, %swap3A_629], %swap3A_632 {add = true, strides = array<i32>} : memref<16x512xf32, #tpu.memory_space<vmem>>, vector<1x16xf32>,
          %get3A_633 = arith.index_cast %scan3A_460 : i32 to index
          %get3A_634 = arith.constant 160 : index
          %get3A_635 = tpu.vector_load %arg5[%get3A_633, %get3A_634] {strides = array<i32>} : memref<64x512xf32, #tpu.memory_space<vmem>>, vector<1x16xf32>,
          %get3A_636 = vector.shape_cast %get3A_635 : vector<1x16xf32> to vector<16xf32>
          %swap3A_637 = arith.index_cast %add3A_543 : i32 to index
          %swap3A_638 = arith.constant 160 : index
          %swap3A_639 = tpu.vector_load %arg8[%swap3A_637, %swap3A_638] {strides = array<i32>} : memref<16x512xf32, #tpu.memory_space<vmem>>, vector<1x16xf32>,
          %swap3A_640 = vector.shape_cast %swap3A_639 : vector<1x16xf32> to vector<16xf32>
          %swap3A_641 = vector.shape_cast %get3A_636 : vector<16xf32> to vector<1x16xf32>
          tpu.vector_store %arg8[%swap3A_637, %swap3A_638], %swap3A_641 {add = true, strides = array<i32>} : memref<16x512xf32, #tpu.memory_space<vmem>>, vector<1x16xf32>,
          %get3A_642 = arith.index_cast %scan3A_460 : i32 to index
          %get3A_643 = arith.constant 176 : index
          %get3A_644 = tpu.vector_load %arg5[%get3A_642, %get3A_643] {strides = array<i32>} : memref<64x512xf32, #tpu.memory_space<vmem>>, vector<1x16xf32>,
          %get3A_645 = vector.shape_cast %get3A_644 : vector<1x16xf32> to vector<16xf32>
          %swap3A_646 = arith.index_cast %add3A_543 : i32 to index
          %swap3A_647 = arith.constant 176 : index
          %swap3A_648 = tpu.vector_load %arg8[%swap3A_646, %swap3A_647] {strides = array<i32>} : memref<16x512xf32, #tpu.memory_space<vmem>>, vector<1x16xf32>,
          %swap3A_649 = vector.shape_cast %swap3A_648 : vector<1x16xf32> to vector<16xf32>
          %swap3A_650 = vector.shape_cast %get3A_645 : vector<16xf32> to vector<1x16xf32>
          tpu.vector_store %arg8[%swap3A_646, %swap3A_647], %swap3A_650 {add = true, strides = array<i32>} : memref<16x512xf32, #tpu.memory_space<vmem>>, vector<1x16xf32>,
          %get3A_651 = arith.index_cast %scan3A_460 : i32 to index
          %get3A_652 = arith.constant 192 : index
          %get3A_653 = tpu.vector_load %arg5[%get3A_651, %get3A_652] {strides = array<i32>} : memref<64x512xf32, #tpu.memory_space<vmem>>, vector<1x16xf32>,
          %get3A_654 = vector.shape_cast %get3A_653 : vector<1x16xf32> to vector<16xf32>
          %swap3A_655 = arith.index_cast %add3A_543 : i32 to index
          %swap3A_656 = arith.constant 192 : index
          %swap3A_657 = tpu.vector_load %arg8[%swap3A_655, %swap3A_656] {strides = array<i32>} : memref<16x512xf32, #tpu.memory_space<vmem>>, vector<1x16xf32>,
          %swap3A_658 = vector.shape_cast %swap3A_657 : vector<1x16xf32> to vector<16xf32>
          %swap3A_659 = vector.shape_cast %get3A_654 : vector<16xf32> to vector<1x16xf32>
          tpu.vector_store %arg8[%swap3A_655, %swap3A_656], %swap3A_659 {add = true, strides = array<i32>} : memref<16x512xf32, #tpu.memory_space<vmem>>, vector<1x16xf32>,
          %get3A_660 = arith.index_cast %scan3A_460 : i32 to index
          %get3A_661 = arith.constant 208 : index
          %get3A_662 = tpu.vector_load %arg5[%get3A_660, %get3A_661] {strides = array<i32>} : memref<64x512xf32, #tpu.memory_space<vmem>>, vector<1x16xf32>,
          %get3A_663 = vector.shape_cast %get3A_662 : vector<1x16xf32> to vector<16xf32>
          %swap3A_664 = arith.index_cast %add3A_543 : i32 to index
          %swap3A_665 = arith.constant 208 : index
          %swap3A_666 = tpu.vector_load %arg8[%swap3A_664, %swap3A_665] {strides = array<i32>} : memref<16x512xf32, #tpu.memory_space<vmem>>, vector<1x16xf32>,
          %swap3A_667 = vector.shape_cast %swap3A_666 : vector<1x16xf32> to vector<16xf32>
          %swap3A_668 = vector.shape_cast %get3A_663 : vector<16xf32> to vector<1x16xf32>
          tpu.vector_store %arg8[%swap3A_664, %swap3A_665], %swap3A_668 {add = true, strides = array<i32>} : memref<16x512xf32, #tpu.memory_space<vmem>>, vector<1x16xf32>,
          %get3A_669 = arith.index_cast %scan3A_460 : i32 to index
          %get3A_670 = arith.constant 224 : index
          %get3A_671 = tpu.vector_load %arg5[%get3A_669, %get3A_670] {strides = array<i32>} : memref<64x512xf32, #tpu.memory_space<vmem>>, vector<1x16xf32>,
          %get3A_672 = vector.shape_cast %get3A_671 : vector<1x16xf32> to vector<16xf32>
          %swap3A_673 = arith.index_cast %add3A_543 : i32 to index
          %swap3A_674 = arith.constant 224 : index
          %swap3A_675 = tpu.vector_load %arg8[%swap3A_673, %swap3A_674] {strides = array<i32>} : memref<16x512xf32, #tpu.memory_space<vmem>>, vector<1x16xf32>,
          %swap3A_676 = vector.shape_cast %swap3A_675 : vector<1x16xf32> to vector<16xf32>
          %swap3A_677 = vector.shape_cast %get3A_672 : vector<16xf32> to vector<1x16xf32>
          tpu.vector_store %arg8[%swap3A_673, %swap3A_674], %swap3A_677 {add = true, strides = array<i32>} : memref<16x512xf32, #tpu.memory_space<vmem>>, vector<1x16xf32>,
          %get3A_678 = arith.index_cast %scan3A_460 : i32 to index
          %get3A_679 = arith.constant 240 : index
          %get3A_680 = tpu.vector_load %arg5[%get3A_678, %get3A_679] {strides = array<i32>} : memref<64x512xf32, #tpu.memory_space<vmem>>, vector<1x16xf32>,
          %get3A_681 = vector.shape_cast %get3A_680 : vector<1x16xf32> to vector<16xf32>
          %swap3A_682 = arith.index_cast %add3A_543 : i32 to index
          %swap3A_683 = arith.constant 240 : index
          %swap3A_684 = tpu.vector_load %arg8[%swap3A_682, %swap3A_683] {strides = array<i32>} : memref<16x512xf32, #tpu.memory_space<vmem>>, vector<1x16xf32>,
          %swap3A_685 = vector.shape_cast %swap3A_684 : vector<1x16xf32> to vector<16xf32>
          %swap3A_686 = vector.shape_cast %get3A_681 : vector<16xf32> to vector<1x16xf32>
          tpu.vector_store %arg8[%swap3A_682, %swap3A_683], %swap3A_686 {add = true, strides = array<i32>} : memref<16x512xf32, #tpu.memory_space<vmem>>, vector<1x16xf32>,
          %get3A_687 = arith.index_cast %scan3A_460 : i32 to index
          %get3A_688 = arith.constant 256 : index
          %get3A_689 = tpu.vector_load %arg5[%get3A_687, %get3A_688] {strides = array<i32>} : memref<64x512xf32, #tpu.memory_space<vmem>>, vector<1x16xf32>,
          %get3A_690 = vector.shape_cast %get3A_689 : vector<1x16xf32> to vector<16xf32>
          %swap3A_691 = arith.index_cast %add3A_543 : i32 to index
          %swap3A_692 = arith.constant 256 : index
          %swap3A_693 = tpu.vector_load %arg8[%swap3A_691, %swap3A_692] {strides = array<i32>} : memref<16x512xf32, #tpu.memory_space<vmem>>, vector<1x16xf32>,
          %swap3A_694 = vector.shape_cast %swap3A_693 : vector<1x16xf32> to vector<16xf32>
          %swap3A_695 = vector.shape_cast %get3A_690 : vector<16xf32> to vector<1x16xf32>
          tpu.vector_store %arg8[%swap3A_691, %swap3A_692], %swap3A_695 {add = true, strides = array<i32>} : memref<16x512xf32, #tpu.memory_space<vmem>>, vector<1x16xf32>,
          %get3A_696 = arith.index_cast %scan3A_460 : i32 to index
          %get3A_697 = arith.constant 272 : index
          %get3A_698 = tpu.vector_load %arg5[%get3A_696, %get3A_697] {strides = array<i32>} : memref<64x512xf32, #tpu.memory_space<vmem>>, vector<1x16xf32>,
          %get3A_699 = vector.shape_cast %get3A_698 : vector<1x16xf32> to vector<16xf32>
          %swap3A_700 = arith.index_cast %add3A_543 : i32 to index
          %swap3A_701 = arith.constant 272 : index
          %swap3A_702 = tpu.vector_load %arg8[%swap3A_700, %swap3A_701] {strides = array<i32>} : memref<16x512xf32, #tpu.memory_space<vmem>>, vector<1x16xf32>,
          %swap3A_703 = vector.shape_cast %swap3A_702 : vector<1x16xf32> to vector<16xf32>
          %swap3A_704 = vector.shape_cast %get3A_699 : vector<16xf32> to vector<1x16xf32>
          tpu.vector_store %arg8[%swap3A_700, %swap3A_701], %swap3A_704 {add = true, strides = array<i32>} : memref<16x512xf32, #tpu.memory_space<vmem>>, vector<1x16xf32>,
          %get3A_705 = arith.index_cast %scan3A_460 : i32 to index
          %get3A_706 = arith.constant 288 : index
          %get3A_707 = tpu.vector_load %arg5[%get3A_705, %get3A_706] {strides = array<i32>} : memref<64x512xf32, #tpu.memory_space<vmem>>, vector<1x16xf32>,
          %get3A_708 = vector.shape_cast %get3A_707 : vector<1x16xf32> to vector<16xf32>
          %swap3A_709 = arith.index_cast %add3A_543 : i32 to index
          %swap3A_710 = arith.constant 288 : index
          %swap3A_711 = tpu.vector_load %arg8[%swap3A_709, %swap3A_710] {strides = array<i32>} : memref<16x512xf32, #tpu.memory_space<vmem>>, vector<1x16xf32>,
          %swap3A_712 = vector.shape_cast %swap3A_711 : vector<1x16xf32> to vector<16xf32>
          %swap3A_713 = vector.shape_cast %get3A_708 : vector<16xf32> to vector<1x16xf32>
          tpu.vector_store %arg8[%swap3A_709, %swap3A_710], %swap3A_713 {add = true, strides = array<i32>} : memref<16x512xf32, #tpu.memory_space<vmem>>, vector<1x16xf32>,
          %get3A_714 = arith.index_cast %scan3A_460 : i32 to index
          %get3A_715 = arith.constant 304 : index
          %get3A_716 = tpu.vector_load %arg5[%get3A_714, %get3A_715] {strides = array<i32>} : memref<64x512xf32, #tpu.memory_space<vmem>>, vector<1x16xf32>,
          %get3A_717 = vector.shape_cast %get3A_716 : vector<1x16xf32> to vector<16xf32>
          %swap3A_718 = arith.index_cast %add3A_543 : i32 to index
          %swap3A_719 = arith.constant 304 : index
          %swap3A_720 = tpu.vector_load %arg8[%swap3A_718, %swap3A_719] {strides = array<i32>} : memref<16x512xf32, #tpu.memory_space<vmem>>, vector<1x16xf32>,
          %swap3A_721 = vector.shape_cast %swap3A_720 : vector<1x16xf32> to vector<16xf32>
          %swap3A_722 = vector.shape_cast %get3A_717 : vector<16xf32> to vector<1x16xf32>
          tpu.vector_store %arg8[%swap3A_718, %swap3A_719], %swap3A_722 {add = true, strides = array<i32>} : memref<16x512xf32, #tpu.memory_space<vmem>>, vector<1x16xf32>,
          %get3A_723 = arith.index_cast %scan3A_460 : i32 to index
          %get3A_724 = arith.constant 320 : index
          %get3A_725 = tpu.vector_load %arg5[%get3A_723, %get3A_724] {strides = array<i32>} : memref<64x512xf32, #tpu.memory_space<vmem>>, vector<1x16xf32>,
          %get3A_726 = vector.shape_cast %get3A_725 : vector<1x16xf32> to vector<16xf32>
          %swap3A_727 = arith.index_cast %add3A_543 : i32 to index
          %swap3A_728 = arith.constant 320 : index
          %swap3A_729 = tpu.vector_load %arg8[%swap3A_727, %swap3A_728] {strides = array<i32>} : memref<16x512xf32, #tpu.memory_space<vmem>>, vector<1x16xf32>,
          %swap3A_730 = vector.shape_cast %swap3A_729 : vector<1x16xf32> to vector<16xf32>
          %swap3A_731 = vector.shape_cast %get3A_726 : vector<16xf32> to vector<1x16xf32>
          tpu.vector_store %arg8[%swap3A_727, %swap3A_728], %swap3A_731 {add = true, strides = array<i32>} : memref<16x512xf32, #tpu.memory_space<vmem>>, vector<1x16xf32>,
          %get3A_732 = arith.index_cast %scan3A_460 : i32 to index
          %get3A_733 = arith.constant 336 : index
          %get3A_734 = tpu.vector_load %arg5[%get3A_732, %get3A_733] {strides = array<i32>} : memref<64x512xf32, #tpu.memory_space<vmem>>, vector<1x16xf32>,
          %get3A_735 = vector.shape_cast %get3A_734 : vector<1x16xf32> to vector<16xf32>
          %swap3A_736 = arith.index_cast %add3A_543 : i32 to index
          %swap3A_737 = arith.constant 336 : index
          %swap3A_738 = tpu.vector_load %arg8[%swap3A_736, %swap3A_737] {strides = array<i32>} : memref<16x512xf32, #tpu.memory_space<vmem>>, vector<1x16xf32>,
          %swap3A_739 = vector.shape_cast %swap3A_738 : vector<1x16xf32> to vector<16xf32>
          %swap3A_740 = vector.shape_cast %get3A_735 : vector<16xf32> to vector<1x16xf32>
          tpu.vector_store %arg8[%swap3A_736, %swap3A_737], %swap3A_740 {add = true, strides = array<i32>} : memref<16x512xf32, #tpu.memory_space<vmem>>, vector<1x16xf32>,
          %get3A_741 = arith.index_cast %scan3A_460 : i32 to index
          %get3A_742 = arith.constant 352 : index
          %get3A_743 = tpu.vector_load %arg5[%get3A_741, %get3A_742] {strides = array<i32>} : memref<64x512xf32, #tpu.memory_space<vmem>>, vector<1x16xf32>,
          %get3A_744 = vector.shape_cast %get3A_743 : vector<1x16xf32> to vector<16xf32>
          %swap3A_745 = arith.index_cast %add3A_543 : i32 to index
          %swap3A_746 = arith.constant 352 : index
          %swap3A_747 = tpu.vector_load %arg8[%swap3A_745, %swap3A_746] {strides = array<i32>} : memref<16x512xf32, #tpu.memory_space<vmem>>, vector<1x16xf32>,
          %swap3A_748 = vector.shape_cast %swap3A_747 : vector<1x16xf32> to vector<16xf32>
          %swap3A_749 = vector.shape_cast %get3A_744 : vector<16xf32> to vector<1x16xf32>
          tpu.vector_store %arg8[%swap3A_745, %swap3A_746], %swap3A_749 {add = true, strides = array<i32>} : memref<16x512xf32, #tpu.memory_space<vmem>>, vector<1x16xf32>,
          %get3A_750 = arith.index_cast %scan3A_460 : i32 to index
          %get3A_751 = arith.constant 368 : index
          %get3A_752 = tpu.vector_load %arg5[%get3A_750, %get3A_751] {strides = array<i32>} : memref<64x512xf32, #tpu.memory_space<vmem>>, vector<1x16xf32>,
          %get3A_753 = vector.shape_cast %get3A_752 : vector<1x16xf32> to vector<16xf32>
          %swap3A_754 = arith.index_cast %add3A_543 : i32 to index
          %swap3A_755 = arith.constant 368 : index
          %swap3A_756 = tpu.vector_load %arg8[%swap3A_754, %swap3A_755] {strides = array<i32>} : memref<16x512xf32, #tpu.memory_space<vmem>>, vector<1x16xf32>,
          %swap3A_757 = vector.shape_cast %swap3A_756 : vector<1x16xf32> to vector<16xf32>
          %swap3A_758 = vector.shape_cast %get3A_753 : vector<16xf32> to vector<1x16xf32>
          tpu.vector_store %arg8[%swap3A_754, %swap3A_755], %swap3A_758 {add = true, strides = array<i32>} : memref<16x512xf32, #tpu.memory_space<vmem>>, vector<1x16xf32>,
          %get3A_759 = arith.index_cast %scan3A_460 : i32 to index
          %get3A_760 = arith.constant 384 : index
          %get3A_761 = tpu.vector_load %arg5[%get3A_759, %get3A_760] {strides = array<i32>} : memref<64x512xf32, #tpu.memory_space<vmem>>, vector<1x16xf32>,
          %get3A_762 = vector.shape_cast %get3A_761 : vector<1x16xf32> to vector<16xf32>
          %swap3A_763 = arith.index_cast %add3A_543 : i32 to index
          %swap3A_764 = arith.constant 384 : index
          %swap3A_765 = tpu.vector_load %arg8[%swap3A_763, %swap3A_764] {strides = array<i32>} : memref<16x512xf32, #tpu.memory_space<vmem>>, vector<1x16xf32>,
          %swap3A_766 = vector.shape_cast %swap3A_765 : vector<1x16xf32> to vector<16xf32>
          %swap3A_767 = vector.shape_cast %get3A_762 : vector<16xf32> to vector<1x16xf32>
          tpu.vector_store %arg8[%swap3A_763, %swap3A_764], %swap3A_767 {add = true, strides = array<i32>} : memref<16x512xf32, #tpu.memory_space<vmem>>, vector<1x16xf32>,
          %get3A_768 = arith.index_cast %scan3A_460 : i32 to index
          %get3A_769 = arith.constant 400 : index
          %get3A_770 = tpu.vector_load %arg5[%get3A_768, %get3A_769] {strides = array<i32>} : memref<64x512xf32, #tpu.memory_space<vmem>>, vector<1x16xf32>,
          %get3A_771 = vector.shape_cast %get3A_770 : vector<1x16xf32> to vector<16xf32>
          %swap3A_772 = arith.index_cast %add3A_543 : i32 to index
          %swap3A_773 = arith.constant 400 : index
          %swap3A_774 = tpu.vector_load %arg8[%swap3A_772, %swap3A_773] {strides = array<i32>} : memref<16x512xf32, #tpu.memory_space<vmem>>, vector<1x16xf32>,
          %swap3A_775 = vector.shape_cast %swap3A_774 : vector<1x16xf32> to vector<16xf32>
          %swap3A_776 = vector.shape_cast %get3A_771 : vector<16xf32> to vector<1x16xf32>
          tpu.vector_store %arg8[%swap3A_772, %swap3A_773], %swap3A_776 {add = true, strides = array<i32>} : memref<16x512xf32, #tpu.memory_space<vmem>>, vector<1x16xf32>,
          %get3A_777 = arith.index_cast %scan3A_460 : i32 to index
          %get3A_778 = arith.constant 416 : index
          %get3A_779 = tpu.vector_load %arg5[%get3A_777, %get3A_778] {strides = array<i32>} : memref<64x512xf32, #tpu.memory_space<vmem>>, vector<1x16xf32>,
          %get3A_780 = vector.shape_cast %get3A_779 : vector<1x16xf32> to vector<16xf32>
          %swap3A_781 = arith.index_cast %add3A_543 : i32 to index
          %swap3A_782 = arith.constant 416 : index
          %swap3A_783 = tpu.vector_load %arg8[%swap3A_781, %swap3A_782] {strides = array<i32>} : memref<16x512xf32, #tpu.memory_space<vmem>>, vector<1x16xf32>,
          %swap3A_784 = vector.shape_cast %swap3A_783 : vector<1x16xf32> to vector<16xf32>
          %swap3A_785 = vector.shape_cast %get3A_780 : vector<16xf32> to vector<1x16xf32>
          tpu.vector_store %arg8[%swap3A_781, %swap3A_782], %swap3A_785 {add = true, strides = array<i32>} : memref<16x512xf32, #tpu.memory_space<vmem>>, vector<1x16xf32>,
          %get3A_786 = arith.index_cast %scan3A_460 : i32 to index
          %get3A_787 = arith.constant 432 : index
          %get3A_788 = tpu.vector_load %arg5[%get3A_786, %get3A_787] {strides = array<i32>} : memref<64x512xf32, #tpu.memory_space<vmem>>, vector<1x16xf32>,
          %get3A_789 = vector.shape_cast %get3A_788 : vector<1x16xf32> to vector<16xf32>
          %swap3A_790 = arith.index_cast %add3A_543 : i32 to index
          %swap3A_791 = arith.constant 432 : index
          %swap3A_792 = tpu.vector_load %arg8[%swap3A_790, %swap3A_791] {strides = array<i32>} : memref<16x512xf32, #tpu.memory_space<vmem>>, vector<1x16xf32>,
          %swap3A_793 = vector.shape_cast %swap3A_792 : vector<1x16xf32> to vector<16xf32>
          %swap3A_794 = vector.shape_cast %get3A_789 : vector<16xf32> to vector<1x16xf32>
          tpu.vector_store %arg8[%swap3A_790, %swap3A_791], %swap3A_794 {add = true, strides = array<i32>} : memref<16x512xf32, #tpu.memory_space<vmem>>, vector<1x16xf32>,
          %get3A_795 = arith.index_cast %scan3A_460 : i32 to index
          %get3A_796 = arith.constant 448 : index
          %get3A_797 = tpu.vector_load %arg5[%get3A_795, %get3A_796] {strides = array<i32>} : memref<64x512xf32, #tpu.memory_space<vmem>>, vector<1x16xf32>,
          %get3A_798 = vector.shape_cast %get3A_797 : vector<1x16xf32> to vector<16xf32>
          %swap3A_799 = arith.index_cast %add3A_543 : i32 to index
          %swap3A_800 = arith.constant 448 : index
          %swap3A_801 = tpu.vector_load %arg8[%swap3A_799, %swap3A_800] {strides = array<i32>} : memref<16x512xf32, #tpu.memory_space<vmem>>, vector<1x16xf32>,
          %swap3A_802 = vector.shape_cast %swap3A_801 : vector<1x16xf32> to vector<16xf32>
          %swap3A_803 = vector.shape_cast %get3A_798 : vector<16xf32> to vector<1x16xf32>
          tpu.vector_store %arg8[%swap3A_799, %swap3A_800], %swap3A_803 {add = true, strides = array<i32>} : memref<16x512xf32, #tpu.memory_space<vmem>>, vector<1x16xf32>,
          %get3A_804 = arith.index_cast %scan3A_460 : i32 to index
          %get3A_805 = arith.constant 464 : index
          %get3A_806 = tpu.vector_load %arg5[%get3A_804, %get3A_805] {strides = array<i32>} : memref<64x512xf32, #tpu.memory_space<vmem>>, vector<1x16xf32>,
          %get3A_807 = vector.shape_cast %get3A_806 : vector<1x16xf32> to vector<16xf32>
          %swap3A_808 = arith.index_cast %add3A_543 : i32 to index
          %swap3A_809 = arith.constant 464 : index
          %swap3A_810 = tpu.vector_load %arg8[%swap3A_808, %swap3A_809] {strides = array<i32>} : memref<16x512xf32, #tpu.memory_space<vmem>>, vector<1x16xf32>,
          %swap3A_811 = vector.shape_cast %swap3A_810 : vector<1x16xf32> to vector<16xf32>
          %swap3A_812 = vector.shape_cast %get3A_807 : vector<16xf32> to vector<1x16xf32>
          tpu.vector_store %arg8[%swap3A_808, %swap3A_809], %swap3A_812 {add = true, strides = array<i32>} : memref<16x512xf32, #tpu.memory_space<vmem>>, vector<1x16xf32>,
          %get3A_813 = arith.index_cast %scan3A_460 : i32 to index
          %get3A_814 = arith.constant 480 : index
          %get3A_815 = tpu.vector_load %arg5[%get3A_813, %get3A_814] {strides = array<i32>} : memref<64x512xf32, #tpu.memory_space<vmem>>, vector<1x16xf32>,
          %get3A_816 = vector.shape_cast %get3A_815 : vector<1x16xf32> to vector<16xf32>
          %swap3A_817 = arith.index_cast %add3A_543 : i32 to index
          %swap3A_818 = arith.constant 480 : index
          %swap3A_819 = tpu.vector_load %arg8[%swap3A_817, %swap3A_818] {strides = array<i32>} : memref<16x512xf32, #tpu.memory_space<vmem>>, vector<1x16xf32>,
          %swap3A_820 = vector.shape_cast %swap3A_819 : vector<1x16xf32> to vector<16xf32>
          %swap3A_821 = vector.shape_cast %get3A_816 : vector<16xf32> to vector<1x16xf32>
          tpu.vector_store %arg8[%swap3A_817, %swap3A_818], %swap3A_821 {add = true, strides = array<i32>} : memref<16x512xf32, #tpu.memory_space<vmem>>, vector<1x16xf32>,
          %get3A_822 = arith.index_cast %scan3A_460 : i32 to index
          %get3A_823 = arith.constant 496 : index
          %get3A_824 = tpu.vector_load %arg5[%get3A_822, %get3A_823] {strides = array<i32>} : memref<64x512xf32, #tpu.memory_space<vmem>>, vector<1x16xf32>,
          %get3A_825 = vector.shape_cast %get3A_824 : vector<1x16xf32> to vector<16xf32>
          %swap3A_826 = arith.index_cast %add3A_543 : i32 to index
          %swap3A_827 = arith.constant 496 : index
          %swap3A_828 = tpu.vector_load %arg8[%swap3A_826, %swap3A_827] {strides = array<i32>} : memref<16x512xf32, #tpu.memory_space<vmem>>, vector<1x16xf32>,
          %swap3A_829 = vector.shape_cast %swap3A_828 : vector<1x16xf32> to vector<16xf32>
          %swap3A_830 = vector.shape_cast %get3A_825 : vector<16xf32> to vector<1x16xf32>
          tpu.vector_store %arg8[%swap3A_826, %swap3A_827], %swap3A_830 {add = true, strides = array<i32>} : memref<16x512xf32, #tpu.memory_space<vmem>>, vector<1x16xf32>,
          %scan3A_831 = arith.constant 0 : i32
          scf.yield %scan3A_831 : i32
        }
        %scan3A_458 = arith.constant 64 : i32
        %cond3A_459 = arith.constant 0 : i32
        scf.yield %cond3A_459 : i32
      }
      %add3A_253 = arith.constant 2 : i32
      %add3A_254 = arith.addi %add3A_79, %add3A_253 : i32
      %lt3A = arith.constant 16 : i32
      %lt3A_255 = arith.cmpi slt, %add3A_254, %lt3A : i32
      %convert_element_type3A_256 = arith.extui %lt3A_255 : i1 to i32
      %cond3A_257 = arith.constant 0 : i32
      %cond3A_258 = arith.cmpi ne, %convert_element_type3A_256, %cond3A_257 : i32
      scf.if %cond3A_258 {
        %add3A_452 = arith.constant 2 : i32
        %add3A_453 = arith.addi %add3A_79, %add3A_452 : i32
        %mul3A_454 = arith.constant 64 : i32
        %mul3A_455 = arith.muli %add3A_453, %mul3A_454 : i32
        %add3A_456 = arith.addi %mul3A_2, %mul3A_455 : i32
        %dma_start3A_457 = arith.constant 0 : i32
        %dma_start3A_458 = tpu.memref_slice %arg2[%add3A_456, %dma_start3A_457] : memref<32768x512xf32, #tpu.memory_space<hbm>> -> memref<64x512xf32, #tpu.memory_space<hbm>>
        %dma_start3A_459 = arith.constant 0 : i32
        %dma_start3A_460 = tpu.memref_slice %arg2[%add3A_456, %dma_start3A_459] : memref<32768x512xf32, #tpu.memory_space<hbm>> -> memref<64x512xf32, #tpu.memory_space<hbm>>
        tpu.enqueue_dma source(%dma_start3A_460 : memref<64x512xf32, #tpu.memory_space<hbm>>) target(%arg5 : memref<64x512xf32, #tpu.memory_space<vmem>>) target_semaphore(%arg9 : memref<!tpu.dma_semaphore, #tpu.memory_space<semaphore_mem>>)
      } else {
      }
      %mul3A_259 = arith.constant 2 : i32
      %mul3A_260 = arith.muli %mul3A_259, %scan3A_74 : i32
      %add3A_261 = arith.constant 1 : i32
      %add3A_262 = arith.addi %mul3A_260, %add3A_261 : i32
      %mul3A_263 = arith.constant 64 : i32
      %mul3A_264 = arith.muli %add3A_262, %mul3A_263 : i32
      %add3A_265 = arith.addi %mul3A_2, %mul3A_264 : i32
      %dma_wait3A_266 = arith.constant 0 : i32
      %dma_wait3A_267 = tpu.memref_slice %arg2[%add3A_265, %dma_wait3A_266] : memref<32768x512xf32, #tpu.memory_space<hbm>> -> memref<64x512xf32, #tpu.memory_space<hbm>>
      %dma_wait3A_268 = arith.constant 0 : i32
      %dma_wait3A_269 = tpu.memref_slice %arg2[%add3A_265, %dma_wait3A_268] : memref<32768x512xf32, #tpu.memory_space<hbm>> -> memref<64x512xf32, #tpu.memory_space<hbm>>
      tpu.wait_dma2 semaphore(%arg10 : memref<!tpu.dma_semaphore, #tpu.memory_space<semaphore_mem>>) src(%dma_wait3A_269 : memref<64x512xf32, #tpu.memory_space<hbm>>) dst(%arg6 : memref<64x512xf32, #tpu.memory_space<vmem>>)
      %mul3A_270 = arith.constant 64 : i32
      %mul3A_271 = arith.muli %add3A_262, %mul3A_270 : i32
      %add3A_272 = arith.addi %mul3A_2, %mul3A_271 : i32
      %le3A_273 = arith.cmpi sle, %add3A_6, %add3A_272 : i32
      %jit3A_274 = arith.constant 1 : i32
      %jit3A_275 = arith.constant 0 : i32
      %select_n3A_276 = arith.select %le3A_273, %jit3A_274, %jit3A_275 : i32
      %add3A_277 = arith.constant 0 : i32
      %add3A_278 = arith.addi %add3A_277, %select_n3A_276 : i32
      %le3A_279 = arith.cmpi sle, %add3A_9, %add3A_272 : i32
      %jit3A_280 = arith.constant 1 : i32
      %jit3A_281 = arith.constant 0 : i32
      %select_n3A_282 = arith.select %le3A_279, %jit3A_280, %jit3A_281 : i32
      %add3A_283 = arith.addi %add3A_278, %select_n3A_282 : i32
      %le3A_284 = arith.cmpi sle, %add3A_12, %add3A_272 : i32
      %jit3A_285 = arith.constant 1 : i32
      %jit3A_286 = arith.constant 0 : i32
      %select_n3A_287 = arith.select %le3A_284, %jit3A_285, %jit3A_286 : i32
      %add3A_288 = arith.addi %add3A_283, %select_n3A_287 : i32
      %le3A_289 = arith.cmpi sle, %add3A_15, %add3A_272 : i32
      %jit3A_290 = arith.constant 1 : i32
      %jit3A_291 = arith.constant 0 : i32
      %select_n3A_292 = arith.select %le3A_289, %jit3A_290, %jit3A_291 : i32
      %add3A_293 = arith.addi %add3A_288, %select_n3A_292 : i32
      %le3A_294 = arith.cmpi sle, %add3A_18, %add3A_272 : i32
      %jit3A_295 = arith.constant 1 : i32
      %jit3A_296 = arith.constant 0 : i32
      %select_n3A_297 = arith.select %le3A_294, %jit3A_295, %jit3A_296 : i32
      %add3A_298 = arith.addi %add3A_293, %select_n3A_297 : i32
      %le3A_299 = arith.cmpi sle, %add3A_21, %add3A_272 : i32
      %jit3A_300 = arith.constant 1 : i32
      %jit3A_301 = arith.constant 0 : i32
      %select_n3A_302 = arith.select %le3A_299, %jit3A_300, %jit3A_301 : i32
      %add3A_303 = arith.addi %add3A_298, %select_n3A_302 : i32
      %le3A_304 = arith.cmpi sle, %add3A_24, %add3A_272 : i32
      %jit3A_305 = arith.constant 1 : i32
      %jit3A_306 = arith.constant 0 : i32
      %select_n3A_307 = arith.select %le3A_304, %jit3A_305, %jit3A_306 : i32
      %add3A_308 = arith.addi %add3A_303, %select_n3A_307 : i32
      %le3A_309 = arith.cmpi sle, %add3A_27, %add3A_272 : i32
      %jit3A_310 = arith.constant 1 : i32
      %jit3A_311 = arith.constant 0 : i32
      %select_n3A_312 = arith.select %le3A_309, %jit3A_310, %jit3A_311 : i32
      %add3A_313 = arith.addi %add3A_308, %select_n3A_312 : i32
      %le3A_314 = arith.cmpi sle, %add3A_30, %add3A_272 : i32
      %jit3A_315 = arith.constant 1 : i32
      %jit3A_316 = arith.constant 0 : i32
      %select_n3A_317 = arith.select %le3A_314, %jit3A_315, %jit3A_316 : i32
      %add3A_318 = arith.addi %add3A_313, %select_n3A_317 : i32
      %le3A_319 = arith.cmpi sle, %add3A_33, %add3A_272 : i32
      %jit3A_320 = arith.constant 1 : i32
      %jit3A_321 = arith.constant 0 : i32
      %select_n3A_322 = arith.select %le3A_319, %jit3A_320, %jit3A_321 : i32
      %add3A_323 = arith.addi %add3A_318, %select_n3A_322 : i32
      %le3A_324 = arith.cmpi sle, %add3A_36, %add3A_272 : i32
      %jit3A_325 = arith.constant 1 : i32
      %jit3A_326 = arith.constant 0 : i32
      %select_n3A_327 = arith.select %le3A_324, %jit3A_325, %jit3A_326 : i32
      %add3A_328 = arith.addi %add3A_323, %select_n3A_327 : i32
      %le3A_329 = arith.cmpi sle, %add3A_39, %add3A_272 : i32
      %jit3A_330 = arith.constant 1 : i32
      %jit3A_331 = arith.constant 0 : i32
      %select_n3A_332 = arith.select %le3A_329, %jit3A_330, %jit3A_331 : i32
      %add3A_333 = arith.addi %add3A_328, %select_n3A_332 : i32
      %le3A_334 = arith.cmpi sle, %add3A_42, %add3A_272 : i32
      %jit3A_335 = arith.constant 1 : i32
      %jit3A_336 = arith.constant 0 : i32
      %select_n3A_337 = arith.select %le3A_334, %jit3A_335, %jit3A_336 : i32
      %add3A_338 = arith.addi %add3A_333, %select_n3A_337 : i32
      %le3A_339 = arith.cmpi sle, %add3A_45, %add3A_272 : i32
      %jit3A_340 = arith.constant 1 : i32
      %jit3A_341 = arith.constant 0 : i32
      %select_n3A_342 = arith.select %le3A_339, %jit3A_340, %jit3A_341 : i32
      %add3A_343 = arith.addi %add3A_338, %select_n3A_342 : i32
      %le3A_344 = arith.cmpi sle, %add3A_48, %add3A_272 : i32
      %jit3A_345 = arith.constant 1 : i32
      %jit3A_346 = arith.constant 0 : i32
      %select_n3A_347 = arith.select %le3A_344, %jit3A_345, %jit3A_346 : i32
      %add3A_348 = arith.addi %add3A_343, %select_n3A_347 : i32
      %le3A_349 = arith.cmpi sle, %add3A_51, %add3A_272 : i32
      %jit3A_350 = arith.constant 1 : i32
      %jit3A_351 = arith.constant 0 : i32
      %select_n3A_352 = arith.select %le3A_349, %jit3A_350, %jit3A_351 : i32
      %add3A_353 = arith.addi %add3A_348, %select_n3A_352 : i32
      %add3A_354 = arith.constant 64 : i32
      %add3A_355 = arith.addi %add3A_272, %add3A_354 : i32
      %sub3A_356 = arith.constant 1 : i32
      %sub3A_357 = arith.subi %add3A_355, %sub3A_356 : i32
      %le3A_358 = arith.cmpi sle, %add3A_6, %sub3A_357 : i32
      %jit3A_359 = arith.constant 1 : i32
      %jit3A_360 = arith.constant 0 : i32
      %select_n3A_361 = arith.select %le3A_358, %jit3A_359, %jit3A_360 : i32
      %add3A_362 = arith.constant 0 : i32
      %add3A_363 = arith.addi %add3A_362, %select_n3A_361 : i32
      %le3A_364 = arith.cmpi sle, %add3A_9, %sub3A_357 : i32
      %jit3A_365 = arith.constant 1 : i32
      %jit3A_366 = arith.constant 0 : i32
      %select_n3A_367 = arith.select %le3A_364, %jit3A_365, %jit3A_366 : i32
      %add3A_368 = arith.addi %add3A_363, %select_n3A_367 : i32
      %le3A_369 = arith.cmpi sle, %add3A_12, %sub3A_357 : i32
      %jit3A_370 = arith.constant 1 : i32
      %jit3A_371 = arith.constant 0 : i32
      %select_n3A_372 = arith.select %le3A_369, %jit3A_370, %jit3A_371 : i32
      %add3A_373 = arith.addi %add3A_368, %select_n3A_372 : i32
      %le3A_374 = arith.cmpi sle, %add3A_15, %sub3A_357 : i32
      %jit3A_375 = arith.constant 1 : i32
      %jit3A_376 = arith.constant 0 : i32
      %select_n3A_377 = arith.select %le3A_374, %jit3A_375, %jit3A_376 : i32
      %add3A_378 = arith.addi %add3A_373, %select_n3A_377 : i32
      %le3A_379 = arith.cmpi sle, %add3A_18, %sub3A_357 : i32
      %jit3A_380 = arith.constant 1 : i32
      %jit3A_381 = arith.constant 0 : i32
      %select_n3A_382 = arith.select %le3A_379, %jit3A_380, %jit3A_381 : i32
      %add3A_383 = arith.addi %add3A_378, %select_n3A_382 : i32
      %le3A_384 = arith.cmpi sle, %add3A_21, %sub3A_357 : i32
      %jit3A_385 = arith.constant 1 : i32
      %jit3A_386 = arith.constant 0 : i32
      %select_n3A_387 = arith.select %le3A_384, %jit3A_385, %jit3A_386 : i32
      %add3A_388 = arith.addi %add3A_383, %select_n3A_387 : i32
      %le3A_389 = arith.cmpi sle, %add3A_24, %sub3A_357 : i32
      %jit3A_390 = arith.constant 1 : i32
      %jit3A_391 = arith.constant 0 : i32
      %select_n3A_392 = arith.select %le3A_389, %jit3A_390, %jit3A_391 : i32
      %add3A_393 = arith.addi %add3A_388, %select_n3A_392 : i32
      %le3A_394 = arith.cmpi sle, %add3A_27, %sub3A_357 : i32
      %jit3A_395 = arith.constant 1 : i32
      %jit3A_396 = arith.constant 0 : i32
      %select_n3A_397 = arith.select %le3A_394, %jit3A_395, %jit3A_396 : i32
      %add3A_398 = arith.addi %add3A_393, %select_n3A_397 : i32
      %le3A_399 = arith.cmpi sle, %add3A_30, %sub3A_357 : i32
      %jit3A_400 = arith.constant 1 : i32
      %jit3A_401 = arith.constant 0 : i32
      %select_n3A_402 = arith.select %le3A_399, %jit3A_400, %jit3A_401 : i32
      %add3A_403 = arith.addi %add3A_398, %select_n3A_402 : i32
      %le3A_404 = arith.cmpi sle, %add3A_33, %sub3A_357 : i32
      %jit3A_405 = arith.constant 1 : i32
      %jit3A_406 = arith.constant 0 : i32
      %select_n3A_407 = arith.select %le3A_404, %jit3A_405, %jit3A_406 : i32
      %add3A_408 = arith.addi %add3A_403, %select_n3A_407 : i32
      %le3A_409 = arith.cmpi sle, %add3A_36, %sub3A_357 : i32
      %jit3A_410 = arith.constant 1 : i32
      %jit3A_411 = arith.constant 0 : i32
      %select_n3A_412 = arith.select %le3A_409, %jit3A_410, %jit3A_411 : i32
      %add3A_413 = arith.addi %add3A_408, %select_n3A_412 : i32
      %le3A_414 = arith.cmpi sle, %add3A_39, %sub3A_357 : i32
      %jit3A_415 = arith.constant 1 : i32
      %jit3A_416 = arith.constant 0 : i32
      %select_n3A_417 = arith.select %le3A_414, %jit3A_415, %jit3A_416 : i32
      %add3A_418 = arith.addi %add3A_413, %select_n3A_417 : i32
      %le3A_419 = arith.cmpi sle, %add3A_42, %sub3A_357 : i32
      %jit3A_420 = arith.constant 1 : i32
      %jit3A_421 = arith.constant 0 : i32
      %select_n3A_422 = arith.select %le3A_419, %jit3A_420, %jit3A_421 : i32
      %add3A_423 = arith.addi %add3A_418, %select_n3A_422 : i32
      %le3A_424 = arith.cmpi sle, %add3A_45, %sub3A_357 : i32
      %jit3A_425 = arith.constant 1 : i32
      %jit3A_426 = arith.constant 0 : i32
      %select_n3A_427 = arith.select %le3A_424, %jit3A_425, %jit3A_426 : i32
      %add3A_428 = arith.addi %add3A_423, %select_n3A_427 : i32
      %le3A_429 = arith.cmpi sle, %add3A_48, %sub3A_357 : i32
      %jit3A_430 = arith.constant 1 : i32
      %jit3A_431 = arith.constant 0 : i32
      %select_n3A_432 = arith.select %le3A_429, %jit3A_430, %jit3A_431 : i32
      %add3A_433 = arith.addi %add3A_428, %select_n3A_432 : i32
      %le3A_434 = arith.cmpi sle, %add3A_51, %sub3A_357 : i32
      %jit3A_435 = arith.constant 1 : i32
      %jit3A_436 = arith.constant 0 : i32
      %select_n3A_437 = arith.select %le3A_434, %jit3A_435, %jit3A_436 : i32
      %add3A_438 = arith.addi %add3A_433, %select_n3A_437 : i32
      %eq3A_439 = arith.cmpi eq, %add3A_353, %add3A_438 : i32
      %convert_element_type3A_440 = arith.extui %eq3A_439 : i1 to i32
      %cond3A_441 = arith.constant 0 : i32
      %cond3A_442 = arith.cmpi ne, %convert_element_type3A_440, %cond3A_441 : i32
      %cond3A_443 = scf.if %cond3A_442 -> (i32) {
        %scan3A_452 = arith.constant 0 : i32
        %scan3A_453 = arith.constant 0 : i32
        %scan3A_454 = arith.constant 64 : i32
        %scan3A_455 = arith.addi %scan3A_453, %scan3A_454 : i32
        %scan3A_456 = arith.constant 1 : i32
        %scan3A_457 = scf.for %scan3A_460 = %scan3A_453 to %scan3A_455 step %scan3A_456 iter_args(%scan3A_461 = %scan3A_452) -> (i32)  : i32 {
          %get3A_462 = arith.index_cast %scan3A_460 : i32 to index
          %get3A_463 = arith.constant 0 : index
          %get3A_464 = tpu.vector_load %arg6[%get3A_462, %get3A_463] {strides = array<i32>} : memref<64x512xf32, #tpu.memory_space<vmem>>, vector<1x16xf32>,
          %get3A_465 = vector.shape_cast %get3A_464 : vector<1x16xf32> to vector<16xf32>
          %swap3A = arith.index_cast %add3A_353 : i32 to index
          %swap3A_466 = arith.constant 0 : index
          %swap3A_467 = tpu.vector_load %arg8[%swap3A, %swap3A_466] {strides = array<i32>} : memref<16x512xf32, #tpu.memory_space<vmem>>, vector<1x16xf32>,
          %swap3A_468 = vector.shape_cast %swap3A_467 : vector<1x16xf32> to vector<16xf32>
          %swap3A_469 = vector.shape_cast %get3A_465 : vector<16xf32> to vector<1x16xf32>
          tpu.vector_store %arg8[%swap3A, %swap3A_466], %swap3A_469 {add = true, strides = array<i32>} : memref<16x512xf32, #tpu.memory_space<vmem>>, vector<1x16xf32>,
          %get3A_470 = arith.index_cast %scan3A_460 : i32 to index
          %get3A_471 = arith.constant 16 : index
          %get3A_472 = tpu.vector_load %arg6[%get3A_470, %get3A_471] {strides = array<i32>} : memref<64x512xf32, #tpu.memory_space<vmem>>, vector<1x16xf32>,
          %get3A_473 = vector.shape_cast %get3A_472 : vector<1x16xf32> to vector<16xf32>
          %swap3A_474 = arith.index_cast %add3A_353 : i32 to index
          %swap3A_475 = arith.constant 16 : index
          %swap3A_476 = tpu.vector_load %arg8[%swap3A_474, %swap3A_475] {strides = array<i32>} : memref<16x512xf32, #tpu.memory_space<vmem>>, vector<1x16xf32>,
          %swap3A_477 = vector.shape_cast %swap3A_476 : vector<1x16xf32> to vector<16xf32>
          %swap3A_478 = vector.shape_cast %get3A_473 : vector<16xf32> to vector<1x16xf32>
          tpu.vector_store %arg8[%swap3A_474, %swap3A_475], %swap3A_478 {add = true, strides = array<i32>} : memref<16x512xf32, #tpu.memory_space<vmem>>, vector<1x16xf32>,
          %get3A_479 = arith.index_cast %scan3A_460 : i32 to index
          %get3A_480 = arith.constant 32 : index
          %get3A_481 = tpu.vector_load %arg6[%get3A_479, %get3A_480] {strides = array<i32>} : memref<64x512xf32, #tpu.memory_space<vmem>>, vector<1x16xf32>,
          %get3A_482 = vector.shape_cast %get3A_481 : vector<1x16xf32> to vector<16xf32>
          %swap3A_483 = arith.index_cast %add3A_353 : i32 to index
          %swap3A_484 = arith.constant 32 : index
          %swap3A_485 = tpu.vector_load %arg8[%swap3A_483, %swap3A_484] {strides = array<i32>} : memref<16x512xf32, #tpu.memory_space<vmem>>, vector<1x16xf32>,
          %swap3A_486 = vector.shape_cast %swap3A_485 : vector<1x16xf32> to vector<16xf32>
          %swap3A_487 = vector.shape_cast %get3A_482 : vector<16xf32> to vector<1x16xf32>
          tpu.vector_store %arg8[%swap3A_483, %swap3A_484], %swap3A_487 {add = true, strides = array<i32>} : memref<16x512xf32, #tpu.memory_space<vmem>>, vector<1x16xf32>,
          %get3A_488 = arith.index_cast %scan3A_460 : i32 to index
          %get3A_489 = arith.constant 48 : index
          %get3A_490 = tpu.vector_load %arg6[%get3A_488, %get3A_489] {strides = array<i32>} : memref<64x512xf32, #tpu.memory_space<vmem>>, vector<1x16xf32>,
          %get3A_491 = vector.shape_cast %get3A_490 : vector<1x16xf32> to vector<16xf32>
          %swap3A_492 = arith.index_cast %add3A_353 : i32 to index
          %swap3A_493 = arith.constant 48 : index
          %swap3A_494 = tpu.vector_load %arg8[%swap3A_492, %swap3A_493] {strides = array<i32>} : memref<16x512xf32, #tpu.memory_space<vmem>>, vector<1x16xf32>,
          %swap3A_495 = vector.shape_cast %swap3A_494 : vector<1x16xf32> to vector<16xf32>
          %swap3A_496 = vector.shape_cast %get3A_491 : vector<16xf32> to vector<1x16xf32>
          tpu.vector_store %arg8[%swap3A_492, %swap3A_493], %swap3A_496 {add = true, strides = array<i32>} : memref<16x512xf32, #tpu.memory_space<vmem>>, vector<1x16xf32>,
          %get3A_497 = arith.index_cast %scan3A_460 : i32 to index
          %get3A_498 = arith.constant 64 : index
          %get3A_499 = tpu.vector_load %arg6[%get3A_497, %get3A_498] {strides = array<i32>} : memref<64x512xf32, #tpu.memory_space<vmem>>, vector<1x16xf32>,
          %get3A_500 = vector.shape_cast %get3A_499 : vector<1x16xf32> to vector<16xf32>
          %swap3A_501 = arith.index_cast %add3A_353 : i32 to index
          %swap3A_502 = arith.constant 64 : index
          %swap3A_503 = tpu.vector_load %arg8[%swap3A_501, %swap3A_502] {strides = array<i32>} : memref<16x512xf32, #tpu.memory_space<vmem>>, vector<1x16xf32>,
          %swap3A_504 = vector.shape_cast %swap3A_503 : vector<1x16xf32> to vector<16xf32>
          %swap3A_505 = vector.shape_cast %get3A_500 : vector<16xf32> to vector<1x16xf32>
          tpu.vector_store %arg8[%swap3A_501, %swap3A_502], %swap3A_505 {add = true, strides = array<i32>} : memref<16x512xf32, #tpu.memory_space<vmem>>, vector<1x16xf32>,
          %get3A_506 = arith.index_cast %scan3A_460 : i32 to index
          %get3A_507 = arith.constant 80 : index
          %get3A_508 = tpu.vector_load %arg6[%get3A_506, %get3A_507] {strides = array<i32>} : memref<64x512xf32, #tpu.memory_space<vmem>>, vector<1x16xf32>,
          %get3A_509 = vector.shape_cast %get3A_508 : vector<1x16xf32> to vector<16xf32>
          %swap3A_510 = arith.index_cast %add3A_353 : i32 to index
          %swap3A_511 = arith.constant 80 : index
          %swap3A_512 = tpu.vector_load %arg8[%swap3A_510, %swap3A_511] {strides = array<i32>} : memref<16x512xf32, #tpu.memory_space<vmem>>, vector<1x16xf32>,
          %swap3A_513 = vector.shape_cast %swap3A_512 : vector<1x16xf32> to vector<16xf32>
          %swap3A_514 = vector.shape_cast %get3A_509 : vector<16xf32> to vector<1x16xf32>
          tpu.vector_store %arg8[%swap3A_510, %swap3A_511], %swap3A_514 {add = true, strides = array<i32>} : memref<16x512xf32, #tpu.memory_space<vmem>>, vector<1x16xf32>,
          %get3A_515 = arith.index_cast %scan3A_460 : i32 to index
          %get3A_516 = arith.constant 96 : index
          %get3A_517 = tpu.vector_load %arg6[%get3A_515, %get3A_516] {strides = array<i32>} : memref<64x512xf32, #tpu.memory_space<vmem>>, vector<1x16xf32>,
          %get3A_518 = vector.shape_cast %get3A_517 : vector<1x16xf32> to vector<16xf32>
          %swap3A_519 = arith.index_cast %add3A_353 : i32 to index
          %swap3A_520 = arith.constant 96 : index
          %swap3A_521 = tpu.vector_load %arg8[%swap3A_519, %swap3A_520] {strides = array<i32>} : memref<16x512xf32, #tpu.memory_space<vmem>>, vector<1x16xf32>,
          %swap3A_522 = vector.shape_cast %swap3A_521 : vector<1x16xf32> to vector<16xf32>
          %swap3A_523 = vector.shape_cast %get3A_518 : vector<16xf32> to vector<1x16xf32>
          tpu.vector_store %arg8[%swap3A_519, %swap3A_520], %swap3A_523 {add = true, strides = array<i32>} : memref<16x512xf32, #tpu.memory_space<vmem>>, vector<1x16xf32>,
          %get3A_524 = arith.index_cast %scan3A_460 : i32 to index
          %get3A_525 = arith.constant 112 : index
          %get3A_526 = tpu.vector_load %arg6[%get3A_524, %get3A_525] {strides = array<i32>} : memref<64x512xf32, #tpu.memory_space<vmem>>, vector<1x16xf32>,
          %get3A_527 = vector.shape_cast %get3A_526 : vector<1x16xf32> to vector<16xf32>
          %swap3A_528 = arith.index_cast %add3A_353 : i32 to index
          %swap3A_529 = arith.constant 112 : index
          %swap3A_530 = tpu.vector_load %arg8[%swap3A_528, %swap3A_529] {strides = array<i32>} : memref<16x512xf32, #tpu.memory_space<vmem>>, vector<1x16xf32>,
          %swap3A_531 = vector.shape_cast %swap3A_530 : vector<1x16xf32> to vector<16xf32>
          %swap3A_532 = vector.shape_cast %get3A_527 : vector<16xf32> to vector<1x16xf32>
          tpu.vector_store %arg8[%swap3A_528, %swap3A_529], %swap3A_532 {add = true, strides = array<i32>} : memref<16x512xf32, #tpu.memory_space<vmem>>, vector<1x16xf32>,
          %get3A_533 = arith.index_cast %scan3A_460 : i32 to index
          %get3A_534 = arith.constant 128 : index
          %get3A_535 = tpu.vector_load %arg6[%get3A_533, %get3A_534] {strides = array<i32>} : memref<64x512xf32, #tpu.memory_space<vmem>>, vector<1x16xf32>,
          %get3A_536 = vector.shape_cast %get3A_535 : vector<1x16xf32> to vector<16xf32>
          %swap3A_537 = arith.index_cast %add3A_353 : i32 to index
          %swap3A_538 = arith.constant 128 : index
          %swap3A_539 = tpu.vector_load %arg8[%swap3A_537, %swap3A_538] {strides = array<i32>} : memref<16x512xf32, #tpu.memory_space<vmem>>, vector<1x16xf32>,
          %swap3A_540 = vector.shape_cast %swap3A_539 : vector<1x16xf32> to vector<16xf32>
          %swap3A_541 = vector.shape_cast %get3A_536 : vector<16xf32> to vector<1x16xf32>
          tpu.vector_store %arg8[%swap3A_537, %swap3A_538], %swap3A_541 {add = true, strides = array<i32>} : memref<16x512xf32, #tpu.memory_space<vmem>>, vector<1x16xf32>,
          %get3A_542 = arith.index_cast %scan3A_460 : i32 to index
          %get3A_543 = arith.constant 144 : index
          %get3A_544 = tpu.vector_load %arg6[%get3A_542, %get3A_543] {strides = array<i32>} : memref<64x512xf32, #tpu.memory_space<vmem>>, vector<1x16xf32>,
          %get3A_545 = vector.shape_cast %get3A_544 : vector<1x16xf32> to vector<16xf32>
          %swap3A_546 = arith.index_cast %add3A_353 : i32 to index
          %swap3A_547 = arith.constant 144 : index
          %swap3A_548 = tpu.vector_load %arg8[%swap3A_546, %swap3A_547] {strides = array<i32>} : memref<16x512xf32, #tpu.memory_space<vmem>>, vector<1x16xf32>,
          %swap3A_549 = vector.shape_cast %swap3A_548 : vector<1x16xf32> to vector<16xf32>
          %swap3A_550 = vector.shape_cast %get3A_545 : vector<16xf32> to vector<1x16xf32>
          tpu.vector_store %arg8[%swap3A_546, %swap3A_547], %swap3A_550 {add = true, strides = array<i32>} : memref<16x512xf32, #tpu.memory_space<vmem>>, vector<1x16xf32>,
          %get3A_551 = arith.index_cast %scan3A_460 : i32 to index
          %get3A_552 = arith.constant 160 : index
          %get3A_553 = tpu.vector_load %arg6[%get3A_551, %get3A_552] {strides = array<i32>} : memref<64x512xf32, #tpu.memory_space<vmem>>, vector<1x16xf32>,
          %get3A_554 = vector.shape_cast %get3A_553 : vector<1x16xf32> to vector<16xf32>
          %swap3A_555 = arith.index_cast %add3A_353 : i32 to index
          %swap3A_556 = arith.constant 160 : index
          %swap3A_557 = tpu.vector_load %arg8[%swap3A_555, %swap3A_556] {strides = array<i32>} : memref<16x512xf32, #tpu.memory_space<vmem>>, vector<1x16xf32>,
          %swap3A_558 = vector.shape_cast %swap3A_557 : vector<1x16xf32> to vector<16xf32>
          %swap3A_559 = vector.shape_cast %get3A_554 : vector<16xf32> to vector<1x16xf32>
          tpu.vector_store %arg8[%swap3A_555, %swap3A_556], %swap3A_559 {add = true, strides = array<i32>} : memref<16x512xf32, #tpu.memory_space<vmem>>, vector<1x16xf32>,
          %get3A_560 = arith.index_cast %scan3A_460 : i32 to index
          %get3A_561 = arith.constant 176 : index
          %get3A_562 = tpu.vector_load %arg6[%get3A_560, %get3A_561] {strides = array<i32>} : memref<64x512xf32, #tpu.memory_space<vmem>>, vector<1x16xf32>,
          %get3A_563 = vector.shape_cast %get3A_562 : vector<1x16xf32> to vector<16xf32>
          %swap3A_564 = arith.index_cast %add3A_353 : i32 to index
          %swap3A_565 = arith.constant 176 : index
          %swap3A_566 = tpu.vector_load %arg8[%swap3A_564, %swap3A_565] {strides = array<i32>} : memref<16x512xf32, #tpu.memory_space<vmem>>, vector<1x16xf32>,
          %swap3A_567 = vector.shape_cast %swap3A_566 : vector<1x16xf32> to vector<16xf32>
          %swap3A_568 = vector.shape_cast %get3A_563 : vector<16xf32> to vector<1x16xf32>
          tpu.vector_store %arg8[%swap3A_564, %swap3A_565], %swap3A_568 {add = true, strides = array<i32>} : memref<16x512xf32, #tpu.memory_space<vmem>>, vector<1x16xf32>,
          %get3A_569 = arith.index_cast %scan3A_460 : i32 to index
          %get3A_570 = arith.constant 192 : index
          %get3A_571 = tpu.vector_load %arg6[%get3A_569, %get3A_570] {strides = array<i32>} : memref<64x512xf32, #tpu.memory_space<vmem>>, vector<1x16xf32>,
          %get3A_572 = vector.shape_cast %get3A_571 : vector<1x16xf32> to vector<16xf32>
          %swap3A_573 = arith.index_cast %add3A_353 : i32 to index
          %swap3A_574 = arith.constant 192 : index
          %swap3A_575 = tpu.vector_load %arg8[%swap3A_573, %swap3A_574] {strides = array<i32>} : memref<16x512xf32, #tpu.memory_space<vmem>>, vector<1x16xf32>,
          %swap3A_576 = vector.shape_cast %swap3A_575 : vector<1x16xf32> to vector<16xf32>
          %swap3A_577 = vector.shape_cast %get3A_572 : vector<16xf32> to vector<1x16xf32>
          tpu.vector_store %arg8[%swap3A_573, %swap3A_574], %swap3A_577 {add = true, strides = array<i32>} : memref<16x512xf32, #tpu.memory_space<vmem>>, vector<1x16xf32>,
          %get3A_578 = arith.index_cast %scan3A_460 : i32 to index
          %get3A_579 = arith.constant 208 : index
          %get3A_580 = tpu.vector_load %arg6[%get3A_578, %get3A_579] {strides = array<i32>} : memref<64x512xf32, #tpu.memory_space<vmem>>, vector<1x16xf32>,
          %get3A_581 = vector.shape_cast %get3A_580 : vector<1x16xf32> to vector<16xf32>
          %swap3A_582 = arith.index_cast %add3A_353 : i32 to index
          %swap3A_583 = arith.constant 208 : index
          %swap3A_584 = tpu.vector_load %arg8[%swap3A_582, %swap3A_583] {strides = array<i32>} : memref<16x512xf32, #tpu.memory_space<vmem>>, vector<1x16xf32>,
          %swap3A_585 = vector.shape_cast %swap3A_584 : vector<1x16xf32> to vector<16xf32>
          %swap3A_586 = vector.shape_cast %get3A_581 : vector<16xf32> to vector<1x16xf32>
          tpu.vector_store %arg8[%swap3A_582, %swap3A_583], %swap3A_586 {add = true, strides = array<i32>} : memref<16x512xf32, #tpu.memory_space<vmem>>, vector<1x16xf32>,
          %get3A_587 = arith.index_cast %scan3A_460 : i32 to index
          %get3A_588 = arith.constant 224 : index
          %get3A_589 = tpu.vector_load %arg6[%get3A_587, %get3A_588] {strides = array<i32>} : memref<64x512xf32, #tpu.memory_space<vmem>>, vector<1x16xf32>,
          %get3A_590 = vector.shape_cast %get3A_589 : vector<1x16xf32> to vector<16xf32>
          %swap3A_591 = arith.index_cast %add3A_353 : i32 to index
          %swap3A_592 = arith.constant 224 : index
          %swap3A_593 = tpu.vector_load %arg8[%swap3A_591, %swap3A_592] {strides = array<i32>} : memref<16x512xf32, #tpu.memory_space<vmem>>, vector<1x16xf32>,
          %swap3A_594 = vector.shape_cast %swap3A_593 : vector<1x16xf32> to vector<16xf32>
          %swap3A_595 = vector.shape_cast %get3A_590 : vector<16xf32> to vector<1x16xf32>
          tpu.vector_store %arg8[%swap3A_591, %swap3A_592], %swap3A_595 {add = true, strides = array<i32>} : memref<16x512xf32, #tpu.memory_space<vmem>>, vector<1x16xf32>,
          %get3A_596 = arith.index_cast %scan3A_460 : i32 to index
          %get3A_597 = arith.constant 240 : index
          %get3A_598 = tpu.vector_load %arg6[%get3A_596, %get3A_597] {strides = array<i32>} : memref<64x512xf32, #tpu.memory_space<vmem>>, vector<1x16xf32>,
          %get3A_599 = vector.shape_cast %get3A_598 : vector<1x16xf32> to vector<16xf32>
          %swap3A_600 = arith.index_cast %add3A_353 : i32 to index
          %swap3A_601 = arith.constant 240 : index
          %swap3A_602 = tpu.vector_load %arg8[%swap3A_600, %swap3A_601] {strides = array<i32>} : memref<16x512xf32, #tpu.memory_space<vmem>>, vector<1x16xf32>,
          %swap3A_603 = vector.shape_cast %swap3A_602 : vector<1x16xf32> to vector<16xf32>
          %swap3A_604 = vector.shape_cast %get3A_599 : vector<16xf32> to vector<1x16xf32>
          tpu.vector_store %arg8[%swap3A_600, %swap3A_601], %swap3A_604 {add = true, strides = array<i32>} : memref<16x512xf32, #tpu.memory_space<vmem>>, vector<1x16xf32>,
          %get3A_605 = arith.index_cast %scan3A_460 : i32 to index
          %get3A_606 = arith.constant 256 : index
          %get3A_607 = tpu.vector_load %arg6[%get3A_605, %get3A_606] {strides = array<i32>} : memref<64x512xf32, #tpu.memory_space<vmem>>, vector<1x16xf32>,
          %get3A_608 = vector.shape_cast %get3A_607 : vector<1x16xf32> to vector<16xf32>
          %swap3A_609 = arith.index_cast %add3A_353 : i32 to index
          %swap3A_610 = arith.constant 256 : index
          %swap3A_611 = tpu.vector_load %arg8[%swap3A_609, %swap3A_610] {strides = array<i32>} : memref<16x512xf32, #tpu.memory_space<vmem>>, vector<1x16xf32>,
          %swap3A_612 = vector.shape_cast %swap3A_611 : vector<1x16xf32> to vector<16xf32>
          %swap3A_613 = vector.shape_cast %get3A_608 : vector<16xf32> to vector<1x16xf32>
          tpu.vector_store %arg8[%swap3A_609, %swap3A_610], %swap3A_613 {add = true, strides = array<i32>} : memref<16x512xf32, #tpu.memory_space<vmem>>, vector<1x16xf32>,
          %get3A_614 = arith.index_cast %scan3A_460 : i32 to index
          %get3A_615 = arith.constant 272 : index
          %get3A_616 = tpu.vector_load %arg6[%get3A_614, %get3A_615] {strides = array<i32>} : memref<64x512xf32, #tpu.memory_space<vmem>>, vector<1x16xf32>,
          %get3A_617 = vector.shape_cast %get3A_616 : vector<1x16xf32> to vector<16xf32>
          %swap3A_618 = arith.index_cast %add3A_353 : i32 to index
          %swap3A_619 = arith.constant 272 : index
          %swap3A_620 = tpu.vector_load %arg8[%swap3A_618, %swap3A_619] {strides = array<i32>} : memref<16x512xf32, #tpu.memory_space<vmem>>, vector<1x16xf32>,
          %swap3A_621 = vector.shape_cast %swap3A_620 : vector<1x16xf32> to vector<16xf32>
          %swap3A_622 = vector.shape_cast %get3A_617 : vector<16xf32> to vector<1x16xf32>
          tpu.vector_store %arg8[%swap3A_618, %swap3A_619], %swap3A_622 {add = true, strides = array<i32>} : memref<16x512xf32, #tpu.memory_space<vmem>>, vector<1x16xf32>,
          %get3A_623 = arith.index_cast %scan3A_460 : i32 to index
          %get3A_624 = arith.constant 288 : index
          %get3A_625 = tpu.vector_load %arg6[%get3A_623, %get3A_624] {strides = array<i32>} : memref<64x512xf32, #tpu.memory_space<vmem>>, vector<1x16xf32>,
          %get3A_626 = vector.shape_cast %get3A_625 : vector<1x16xf32> to vector<16xf32>
          %swap3A_627 = arith.index_cast %add3A_353 : i32 to index
          %swap3A_628 = arith.constant 288 : index
          %swap3A_629 = tpu.vector_load %arg8[%swap3A_627, %swap3A_628] {strides = array<i32>} : memref<16x512xf32, #tpu.memory_space<vmem>>, vector<1x16xf32>,
          %swap3A_630 = vector.shape_cast %swap3A_629 : vector<1x16xf32> to vector<16xf32>
          %swap3A_631 = vector.shape_cast %get3A_626 : vector<16xf32> to vector<1x16xf32>
          tpu.vector_store %arg8[%swap3A_627, %swap3A_628], %swap3A_631 {add = true, strides = array<i32>} : memref<16x512xf32, #tpu.memory_space<vmem>>, vector<1x16xf32>,
          %get3A_632 = arith.index_cast %scan3A_460 : i32 to index
          %get3A_633 = arith.constant 304 : index
          %get3A_634 = tpu.vector_load %arg6[%get3A_632, %get3A_633] {strides = array<i32>} : memref<64x512xf32, #tpu.memory_space<vmem>>, vector<1x16xf32>,
          %get3A_635 = vector.shape_cast %get3A_634 : vector<1x16xf32> to vector<16xf32>
          %swap3A_636 = arith.index_cast %add3A_353 : i32 to index
          %swap3A_637 = arith.constant 304 : index
          %swap3A_638 = tpu.vector_load %arg8[%swap3A_636, %swap3A_637] {strides = array<i32>} : memref<16x512xf32, #tpu.memory_space<vmem>>, vector<1x16xf32>,
          %swap3A_639 = vector.shape_cast %swap3A_638 : vector<1x16xf32> to vector<16xf32>
          %swap3A_640 = vector.shape_cast %get3A_635 : vector<16xf32> to vector<1x16xf32>
          tpu.vector_store %arg8[%swap3A_636, %swap3A_637], %swap3A_640 {add = true, strides = array<i32>} : memref<16x512xf32, #tpu.memory_space<vmem>>, vector<1x16xf32>,
          %get3A_641 = arith.index_cast %scan3A_460 : i32 to index
          %get3A_642 = arith.constant 320 : index
          %get3A_643 = tpu.vector_load %arg6[%get3A_641, %get3A_642] {strides = array<i32>} : memref<64x512xf32, #tpu.memory_space<vmem>>, vector<1x16xf32>,
          %get3A_644 = vector.shape_cast %get3A_643 : vector<1x16xf32> to vector<16xf32>
          %swap3A_645 = arith.index_cast %add3A_353 : i32 to index
          %swap3A_646 = arith.constant 320 : index
          %swap3A_647 = tpu.vector_load %arg8[%swap3A_645, %swap3A_646] {strides = array<i32>} : memref<16x512xf32, #tpu.memory_space<vmem>>, vector<1x16xf32>,
          %swap3A_648 = vector.shape_cast %swap3A_647 : vector<1x16xf32> to vector<16xf32>
          %swap3A_649 = vector.shape_cast %get3A_644 : vector<16xf32> to vector<1x16xf32>
          tpu.vector_store %arg8[%swap3A_645, %swap3A_646], %swap3A_649 {add = true, strides = array<i32>} : memref<16x512xf32, #tpu.memory_space<vmem>>, vector<1x16xf32>,
          %get3A_650 = arith.index_cast %scan3A_460 : i32 to index
          %get3A_651 = arith.constant 336 : index
          %get3A_652 = tpu.vector_load %arg6[%get3A_650, %get3A_651] {strides = array<i32>} : memref<64x512xf32, #tpu.memory_space<vmem>>, vector<1x16xf32>,
          %get3A_653 = vector.shape_cast %get3A_652 : vector<1x16xf32> to vector<16xf32>
          %swap3A_654 = arith.index_cast %add3A_353 : i32 to index
          %swap3A_655 = arith.constant 336 : index
          %swap3A_656 = tpu.vector_load %arg8[%swap3A_654, %swap3A_655] {strides = array<i32>} : memref<16x512xf32, #tpu.memory_space<vmem>>, vector<1x16xf32>,
          %swap3A_657 = vector.shape_cast %swap3A_656 : vector<1x16xf32> to vector<16xf32>
          %swap3A_658 = vector.shape_cast %get3A_653 : vector<16xf32> to vector<1x16xf32>
          tpu.vector_store %arg8[%swap3A_654, %swap3A_655], %swap3A_658 {add = true, strides = array<i32>} : memref<16x512xf32, #tpu.memory_space<vmem>>, vector<1x16xf32>,
          %get3A_659 = arith.index_cast %scan3A_460 : i32 to index
          %get3A_660 = arith.constant 352 : index
          %get3A_661 = tpu.vector_load %arg6[%get3A_659, %get3A_660] {strides = array<i32>} : memref<64x512xf32, #tpu.memory_space<vmem>>, vector<1x16xf32>,
          %get3A_662 = vector.shape_cast %get3A_661 : vector<1x16xf32> to vector<16xf32>
          %swap3A_663 = arith.index_cast %add3A_353 : i32 to index
          %swap3A_664 = arith.constant 352 : index
          %swap3A_665 = tpu.vector_load %arg8[%swap3A_663, %swap3A_664] {strides = array<i32>} : memref<16x512xf32, #tpu.memory_space<vmem>>, vector<1x16xf32>,
          %swap3A_666 = vector.shape_cast %swap3A_665 : vector<1x16xf32> to vector<16xf32>
          %swap3A_667 = vector.shape_cast %get3A_662 : vector<16xf32> to vector<1x16xf32>
          tpu.vector_store %arg8[%swap3A_663, %swap3A_664], %swap3A_667 {add = true, strides = array<i32>} : memref<16x512xf32, #tpu.memory_space<vmem>>, vector<1x16xf32>,
          %get3A_668 = arith.index_cast %scan3A_460 : i32 to index
          %get3A_669 = arith.constant 368 : index
          %get3A_670 = tpu.vector_load %arg6[%get3A_668, %get3A_669] {strides = array<i32>} : memref<64x512xf32, #tpu.memory_space<vmem>>, vector<1x16xf32>,
          %get3A_671 = vector.shape_cast %get3A_670 : vector<1x16xf32> to vector<16xf32>
          %swap3A_672 = arith.index_cast %add3A_353 : i32 to index
          %swap3A_673 = arith.constant 368 : index
          %swap3A_674 = tpu.vector_load %arg8[%swap3A_672, %swap3A_673] {strides = array<i32>} : memref<16x512xf32, #tpu.memory_space<vmem>>, vector<1x16xf32>,
          %swap3A_675 = vector.shape_cast %swap3A_674 : vector<1x16xf32> to vector<16xf32>
          %swap3A_676 = vector.shape_cast %get3A_671 : vector<16xf32> to vector<1x16xf32>
          tpu.vector_store %arg8[%swap3A_672, %swap3A_673], %swap3A_676 {add = true, strides = array<i32>} : memref<16x512xf32, #tpu.memory_space<vmem>>, vector<1x16xf32>,
          %get3A_677 = arith.index_cast %scan3A_460 : i32 to index
          %get3A_678 = arith.constant 384 : index
          %get3A_679 = tpu.vector_load %arg6[%get3A_677, %get3A_678] {strides = array<i32>} : memref<64x512xf32, #tpu.memory_space<vmem>>, vector<1x16xf32>,
          %get3A_680 = vector.shape_cast %get3A_679 : vector<1x16xf32> to vector<16xf32>
          %swap3A_681 = arith.index_cast %add3A_353 : i32 to index
          %swap3A_682 = arith.constant 384 : index
          %swap3A_683 = tpu.vector_load %arg8[%swap3A_681, %swap3A_682] {strides = array<i32>} : memref<16x512xf32, #tpu.memory_space<vmem>>, vector<1x16xf32>,
          %swap3A_684 = vector.shape_cast %swap3A_683 : vector<1x16xf32> to vector<16xf32>
          %swap3A_685 = vector.shape_cast %get3A_680 : vector<16xf32> to vector<1x16xf32>
          tpu.vector_store %arg8[%swap3A_681, %swap3A_682], %swap3A_685 {add = true, strides = array<i32>} : memref<16x512xf32, #tpu.memory_space<vmem>>, vector<1x16xf32>,
          %get3A_686 = arith.index_cast %scan3A_460 : i32 to index
          %get3A_687 = arith.constant 400 : index
          %get3A_688 = tpu.vector_load %arg6[%get3A_686, %get3A_687] {strides = array<i32>} : memref<64x512xf32, #tpu.memory_space<vmem>>, vector<1x16xf32>,
          %get3A_689 = vector.shape_cast %get3A_688 : vector<1x16xf32> to vector<16xf32>
          %swap3A_690 = arith.index_cast %add3A_353 : i32 to index
          %swap3A_691 = arith.constant 400 : index
          %swap3A_692 = tpu.vector_load %arg8[%swap3A_690, %swap3A_691] {strides = array<i32>} : memref<16x512xf32, #tpu.memory_space<vmem>>, vector<1x16xf32>,
          %swap3A_693 = vector.shape_cast %swap3A_692 : vector<1x16xf32> to vector<16xf32>
          %swap3A_694 = vector.shape_cast %get3A_689 : vector<16xf32> to vector<1x16xf32>
          tpu.vector_store %arg8[%swap3A_690, %swap3A_691], %swap3A_694 {add = true, strides = array<i32>} : memref<16x512xf32, #tpu.memory_space<vmem>>, vector<1x16xf32>,
          %get3A_695 = arith.index_cast %scan3A_460 : i32 to index
          %get3A_696 = arith.constant 416 : index
          %get3A_697 = tpu.vector_load %arg6[%get3A_695, %get3A_696] {strides = array<i32>} : memref<64x512xf32, #tpu.memory_space<vmem>>, vector<1x16xf32>,
          %get3A_698 = vector.shape_cast %get3A_697 : vector<1x16xf32> to vector<16xf32>
          %swap3A_699 = arith.index_cast %add3A_353 : i32 to index
          %swap3A_700 = arith.constant 416 : index
          %swap3A_701 = tpu.vector_load %arg8[%swap3A_699, %swap3A_700] {strides = array<i32>} : memref<16x512xf32, #tpu.memory_space<vmem>>, vector<1x16xf32>,
          %swap3A_702 = vector.shape_cast %swap3A_701 : vector<1x16xf32> to vector<16xf32>
          %swap3A_703 = vector.shape_cast %get3A_698 : vector<16xf32> to vector<1x16xf32>
          tpu.vector_store %arg8[%swap3A_699, %swap3A_700], %swap3A_703 {add = true, strides = array<i32>} : memref<16x512xf32, #tpu.memory_space<vmem>>, vector<1x16xf32>,
          %get3A_704 = arith.index_cast %scan3A_460 : i32 to index
          %get3A_705 = arith.constant 432 : index
          %get3A_706 = tpu.vector_load %arg6[%get3A_704, %get3A_705] {strides = array<i32>} : memref<64x512xf32, #tpu.memory_space<vmem>>, vector<1x16xf32>,
          %get3A_707 = vector.shape_cast %get3A_706 : vector<1x16xf32> to vector<16xf32>
          %swap3A_708 = arith.index_cast %add3A_353 : i32 to index
          %swap3A_709 = arith.constant 432 : index
          %swap3A_710 = tpu.vector_load %arg8[%swap3A_708, %swap3A_709] {strides = array<i32>} : memref<16x512xf32, #tpu.memory_space<vmem>>, vector<1x16xf32>,
          %swap3A_711 = vector.shape_cast %swap3A_710 : vector<1x16xf32> to vector<16xf32>
          %swap3A_712 = vector.shape_cast %get3A_707 : vector<16xf32> to vector<1x16xf32>
          tpu.vector_store %arg8[%swap3A_708, %swap3A_709], %swap3A_712 {add = true, strides = array<i32>} : memref<16x512xf32, #tpu.memory_space<vmem>>, vector<1x16xf32>,
          %get3A_713 = arith.index_cast %scan3A_460 : i32 to index
          %get3A_714 = arith.constant 448 : index
          %get3A_715 = tpu.vector_load %arg6[%get3A_713, %get3A_714] {strides = array<i32>} : memref<64x512xf32, #tpu.memory_space<vmem>>, vector<1x16xf32>,
          %get3A_716 = vector.shape_cast %get3A_715 : vector<1x16xf32> to vector<16xf32>
          %swap3A_717 = arith.index_cast %add3A_353 : i32 to index
          %swap3A_718 = arith.constant 448 : index
          %swap3A_719 = tpu.vector_load %arg8[%swap3A_717, %swap3A_718] {strides = array<i32>} : memref<16x512xf32, #tpu.memory_space<vmem>>, vector<1x16xf32>,
          %swap3A_720 = vector.shape_cast %swap3A_719 : vector<1x16xf32> to vector<16xf32>
          %swap3A_721 = vector.shape_cast %get3A_716 : vector<16xf32> to vector<1x16xf32>
          tpu.vector_store %arg8[%swap3A_717, %swap3A_718], %swap3A_721 {add = true, strides = array<i32>} : memref<16x512xf32, #tpu.memory_space<vmem>>, vector<1x16xf32>,
          %get3A_722 = arith.index_cast %scan3A_460 : i32 to index
          %get3A_723 = arith.constant 464 : index
          %get3A_724 = tpu.vector_load %arg6[%get3A_722, %get3A_723] {strides = array<i32>} : memref<64x512xf32, #tpu.memory_space<vmem>>, vector<1x16xf32>,
          %get3A_725 = vector.shape_cast %get3A_724 : vector<1x16xf32> to vector<16xf32>
          %swap3A_726 = arith.index_cast %add3A_353 : i32 to index
          %swap3A_727 = arith.constant 464 : index
          %swap3A_728 = tpu.vector_load %arg8[%swap3A_726, %swap3A_727] {strides = array<i32>} : memref<16x512xf32, #tpu.memory_space<vmem>>, vector<1x16xf32>,
          %swap3A_729 = vector.shape_cast %swap3A_728 : vector<1x16xf32> to vector<16xf32>
          %swap3A_730 = vector.shape_cast %get3A_725 : vector<16xf32> to vector<1x16xf32>
          tpu.vector_store %arg8[%swap3A_726, %swap3A_727], %swap3A_730 {add = true, strides = array<i32>} : memref<16x512xf32, #tpu.memory_space<vmem>>, vector<1x16xf32>,
          %get3A_731 = arith.index_cast %scan3A_460 : i32 to index
          %get3A_732 = arith.constant 480 : index
          %get3A_733 = tpu.vector_load %arg6[%get3A_731, %get3A_732] {strides = array<i32>} : memref<64x512xf32, #tpu.memory_space<vmem>>, vector<1x16xf32>,
          %get3A_734 = vector.shape_cast %get3A_733 : vector<1x16xf32> to vector<16xf32>
          %swap3A_735 = arith.index_cast %add3A_353 : i32 to index
          %swap3A_736 = arith.constant 480 : index
          %swap3A_737 = tpu.vector_load %arg8[%swap3A_735, %swap3A_736] {strides = array<i32>} : memref<16x512xf32, #tpu.memory_space<vmem>>, vector<1x16xf32>,
          %swap3A_738 = vector.shape_cast %swap3A_737 : vector<1x16xf32> to vector<16xf32>
          %swap3A_739 = vector.shape_cast %get3A_734 : vector<16xf32> to vector<1x16xf32>
          tpu.vector_store %arg8[%swap3A_735, %swap3A_736], %swap3A_739 {add = true, strides = array<i32>} : memref<16x512xf32, #tpu.memory_space<vmem>>, vector<1x16xf32>,
          %get3A_740 = arith.index_cast %scan3A_460 : i32 to index
          %get3A_741 = arith.constant 496 : index
          %get3A_742 = tpu.vector_load %arg6[%get3A_740, %get3A_741] {strides = array<i32>} : memref<64x512xf32, #tpu.memory_space<vmem>>, vector<1x16xf32>,
          %get3A_743 = vector.shape_cast %get3A_742 : vector<1x16xf32> to vector<16xf32>
          %swap3A_744 = arith.index_cast %add3A_353 : i32 to index
          %swap3A_745 = arith.constant 496 : index
          %swap3A_746 = tpu.vector_load %arg8[%swap3A_744, %swap3A_745] {strides = array<i32>} : memref<16x512xf32, #tpu.memory_space<vmem>>, vector<1x16xf32>,
          %swap3A_747 = vector.shape_cast %swap3A_746 : vector<1x16xf32> to vector<16xf32>
          %swap3A_748 = vector.shape_cast %get3A_743 : vector<16xf32> to vector<1x16xf32>
          tpu.vector_store %arg8[%swap3A_744, %swap3A_745], %swap3A_748 {add = true, strides = array<i32>} : memref<16x512xf32, #tpu.memory_space<vmem>>, vector<1x16xf32>,
          %scan3A_749 = arith.constant 0 : i32
          scf.yield %scan3A_749 : i32
        }
        %scan3A_458 = arith.constant 64 : i32
        %cond3A_459 = arith.constant 0 : i32
        scf.yield %cond3A_459 : i32
      } else {
        %scan3A_452 = arith.constant 0 : i32
        %scan3A_453 = arith.constant 0 : i32
        %scan3A_454 = arith.constant 64 : i32
        %scan3A_455 = arith.addi %scan3A_453, %scan3A_454 : i32
        %scan3A_456 = arith.constant 1 : i32
        %scan3A_457 = scf.for %scan3A_460 = %scan3A_453 to %scan3A_455 step %scan3A_456 iter_args(%scan3A_461 = %scan3A_452) -> (i32)  : i32 {
          %add3A_462 = arith.addi %add3A_272, %scan3A_460 : i32
          %le3A_463 = arith.cmpi sle, %add3A_6, %add3A_462 : i32
          %jit3A_464 = arith.constant 1 : i32
          %jit3A_465 = arith.constant 0 : i32
          %select_n3A_466 = arith.select %le3A_463, %jit3A_464, %jit3A_465 : i32
          %add3A_467 = arith.constant 0 : i32
          %add3A_468 = arith.addi %add3A_467, %select_n3A_466 : i32
          %le3A_469 = arith.cmpi sle, %add3A_9, %add3A_462 : i32
          %jit3A_470 = arith.constant 1 : i32
          %jit3A_471 = arith.constant 0 : i32
          %select_n3A_472 = arith.select %le3A_469, %jit3A_470, %jit3A_471 : i32
          %add3A_473 = arith.addi %add3A_468, %select_n3A_472 : i32
          %le3A_474 = arith.cmpi sle, %add3A_12, %add3A_462 : i32
          %jit3A_475 = arith.constant 1 : i32
          %jit3A_476 = arith.constant 0 : i32
          %select_n3A_477 = arith.select %le3A_474, %jit3A_475, %jit3A_476 : i32
          %add3A_478 = arith.addi %add3A_473, %select_n3A_477 : i32
          %le3A_479 = arith.cmpi sle, %add3A_15, %add3A_462 : i32
          %jit3A_480 = arith.constant 1 : i32
          %jit3A_481 = arith.constant 0 : i32
          %select_n3A_482 = arith.select %le3A_479, %jit3A_480, %jit3A_481 : i32
          %add3A_483 = arith.addi %add3A_478, %select_n3A_482 : i32
          %le3A_484 = arith.cmpi sle, %add3A_18, %add3A_462 : i32
          %jit3A_485 = arith.constant 1 : i32
          %jit3A_486 = arith.constant 0 : i32
          %select_n3A_487 = arith.select %le3A_484, %jit3A_485, %jit3A_486 : i32
          %add3A_488 = arith.addi %add3A_483, %select_n3A_487 : i32
          %le3A_489 = arith.cmpi sle, %add3A_21, %add3A_462 : i32
          %jit3A_490 = arith.constant 1 : i32
          %jit3A_491 = arith.constant 0 : i32
          %select_n3A_492 = arith.select %le3A_489, %jit3A_490, %jit3A_491 : i32
          %add3A_493 = arith.addi %add3A_488, %select_n3A_492 : i32
          %le3A_494 = arith.cmpi sle, %add3A_24, %add3A_462 : i32
          %jit3A_495 = arith.constant 1 : i32
          %jit3A_496 = arith.constant 0 : i32
          %select_n3A_497 = arith.select %le3A_494, %jit3A_495, %jit3A_496 : i32
          %add3A_498 = arith.addi %add3A_493, %select_n3A_497 : i32
          %le3A_499 = arith.cmpi sle, %add3A_27, %add3A_462 : i32
          %jit3A_500 = arith.constant 1 : i32
          %jit3A_501 = arith.constant 0 : i32
          %select_n3A_502 = arith.select %le3A_499, %jit3A_500, %jit3A_501 : i32
          %add3A_503 = arith.addi %add3A_498, %select_n3A_502 : i32
          %le3A_504 = arith.cmpi sle, %add3A_30, %add3A_462 : i32
          %jit3A_505 = arith.constant 1 : i32
          %jit3A_506 = arith.constant 0 : i32
          %select_n3A_507 = arith.select %le3A_504, %jit3A_505, %jit3A_506 : i32
          %add3A_508 = arith.addi %add3A_503, %select_n3A_507 : i32
          %le3A_509 = arith.cmpi sle, %add3A_33, %add3A_462 : i32
          %jit3A_510 = arith.constant 1 : i32
          %jit3A_511 = arith.constant 0 : i32
          %select_n3A_512 = arith.select %le3A_509, %jit3A_510, %jit3A_511 : i32
          %add3A_513 = arith.addi %add3A_508, %select_n3A_512 : i32
          %le3A_514 = arith.cmpi sle, %add3A_36, %add3A_462 : i32
          %jit3A_515 = arith.constant 1 : i32
          %jit3A_516 = arith.constant 0 : i32
          %select_n3A_517 = arith.select %le3A_514, %jit3A_515, %jit3A_516 : i32
          %add3A_518 = arith.addi %add3A_513, %select_n3A_517 : i32
          %le3A_519 = arith.cmpi sle, %add3A_39, %add3A_462 : i32
          %jit3A_520 = arith.constant 1 : i32
          %jit3A_521 = arith.constant 0 : i32
          %select_n3A_522 = arith.select %le3A_519, %jit3A_520, %jit3A_521 : i32
          %add3A_523 = arith.addi %add3A_518, %select_n3A_522 : i32
          %le3A_524 = arith.cmpi sle, %add3A_42, %add3A_462 : i32
          %jit3A_525 = arith.constant 1 : i32
          %jit3A_526 = arith.constant 0 : i32
          %select_n3A_527 = arith.select %le3A_524, %jit3A_525, %jit3A_526 : i32
          %add3A_528 = arith.addi %add3A_523, %select_n3A_527 : i32
          %le3A_529 = arith.cmpi sle, %add3A_45, %add3A_462 : i32
          %jit3A_530 = arith.constant 1 : i32
          %jit3A_531 = arith.constant 0 : i32
          %select_n3A_532 = arith.select %le3A_529, %jit3A_530, %jit3A_531 : i32
          %add3A_533 = arith.addi %add3A_528, %select_n3A_532 : i32
          %le3A_534 = arith.cmpi sle, %add3A_48, %add3A_462 : i32
          %jit3A_535 = arith.constant 1 : i32
          %jit3A_536 = arith.constant 0 : i32
          %select_n3A_537 = arith.select %le3A_534, %jit3A_535, %jit3A_536 : i32
          %add3A_538 = arith.addi %add3A_533, %select_n3A_537 : i32
          %le3A_539 = arith.cmpi sle, %add3A_51, %add3A_462 : i32
          %jit3A_540 = arith.constant 1 : i32
          %jit3A_541 = arith.constant 0 : i32
          %select_n3A_542 = arith.select %le3A_539, %jit3A_540, %jit3A_541 : i32
          %add3A_543 = arith.addi %add3A_538, %select_n3A_542 : i32
          %get3A_544 = arith.index_cast %scan3A_460 : i32 to index
          %get3A_545 = arith.constant 0 : index
          %get3A_546 = tpu.vector_load %arg6[%get3A_544, %get3A_545] {strides = array<i32>} : memref<64x512xf32, #tpu.memory_space<vmem>>, vector<1x16xf32>,
          %get3A_547 = vector.shape_cast %get3A_546 : vector<1x16xf32> to vector<16xf32>
          %swap3A = arith.index_cast %add3A_543 : i32 to index
          %swap3A_548 = arith.constant 0 : index
          %swap3A_549 = tpu.vector_load %arg8[%swap3A, %swap3A_548] {strides = array<i32>} : memref<16x512xf32, #tpu.memory_space<vmem>>, vector<1x16xf32>,
          %swap3A_550 = vector.shape_cast %swap3A_549 : vector<1x16xf32> to vector<16xf32>
          %swap3A_551 = vector.shape_cast %get3A_547 : vector<16xf32> to vector<1x16xf32>
          tpu.vector_store %arg8[%swap3A, %swap3A_548], %swap3A_551 {add = true, strides = array<i32>} : memref<16x512xf32, #tpu.memory_space<vmem>>, vector<1x16xf32>,
          %get3A_552 = arith.index_cast %scan3A_460 : i32 to index
          %get3A_553 = arith.constant 16 : index
          %get3A_554 = tpu.vector_load %arg6[%get3A_552, %get3A_553] {strides = array<i32>} : memref<64x512xf32, #tpu.memory_space<vmem>>, vector<1x16xf32>,
          %get3A_555 = vector.shape_cast %get3A_554 : vector<1x16xf32> to vector<16xf32>
          %swap3A_556 = arith.index_cast %add3A_543 : i32 to index
          %swap3A_557 = arith.constant 16 : index
          %swap3A_558 = tpu.vector_load %arg8[%swap3A_556, %swap3A_557] {strides = array<i32>} : memref<16x512xf32, #tpu.memory_space<vmem>>, vector<1x16xf32>,
          %swap3A_559 = vector.shape_cast %swap3A_558 : vector<1x16xf32> to vector<16xf32>
          %swap3A_560 = vector.shape_cast %get3A_555 : vector<16xf32> to vector<1x16xf32>
          tpu.vector_store %arg8[%swap3A_556, %swap3A_557], %swap3A_560 {add = true, strides = array<i32>} : memref<16x512xf32, #tpu.memory_space<vmem>>, vector<1x16xf32>,
          %get3A_561 = arith.index_cast %scan3A_460 : i32 to index
          %get3A_562 = arith.constant 32 : index
          %get3A_563 = tpu.vector_load %arg6[%get3A_561, %get3A_562] {strides = array<i32>} : memref<64x512xf32, #tpu.memory_space<vmem>>, vector<1x16xf32>,
          %get3A_564 = vector.shape_cast %get3A_563 : vector<1x16xf32> to vector<16xf32>
          %swap3A_565 = arith.index_cast %add3A_543 : i32 to index
          %swap3A_566 = arith.constant 32 : index
          %swap3A_567 = tpu.vector_load %arg8[%swap3A_565, %swap3A_566] {strides = array<i32>} : memref<16x512xf32, #tpu.memory_space<vmem>>, vector<1x16xf32>,
          %swap3A_568 = vector.shape_cast %swap3A_567 : vector<1x16xf32> to vector<16xf32>
          %swap3A_569 = vector.shape_cast %get3A_564 : vector<16xf32> to vector<1x16xf32>
          tpu.vector_store %arg8[%swap3A_565, %swap3A_566], %swap3A_569 {add = true, strides = array<i32>} : memref<16x512xf32, #tpu.memory_space<vmem>>, vector<1x16xf32>,
          %get3A_570 = arith.index_cast %scan3A_460 : i32 to index
          %get3A_571 = arith.constant 48 : index
          %get3A_572 = tpu.vector_load %arg6[%get3A_570, %get3A_571] {strides = array<i32>} : memref<64x512xf32, #tpu.memory_space<vmem>>, vector<1x16xf32>,
          %get3A_573 = vector.shape_cast %get3A_572 : vector<1x16xf32> to vector<16xf32>
          %swap3A_574 = arith.index_cast %add3A_543 : i32 to index
          %swap3A_575 = arith.constant 48 : index
          %swap3A_576 = tpu.vector_load %arg8[%swap3A_574, %swap3A_575] {strides = array<i32>} : memref<16x512xf32, #tpu.memory_space<vmem>>, vector<1x16xf32>,
          %swap3A_577 = vector.shape_cast %swap3A_576 : vector<1x16xf32> to vector<16xf32>
          %swap3A_578 = vector.shape_cast %get3A_573 : vector<16xf32> to vector<1x16xf32>
          tpu.vector_store %arg8[%swap3A_574, %swap3A_575], %swap3A_578 {add = true, strides = array<i32>} : memref<16x512xf32, #tpu.memory_space<vmem>>, vector<1x16xf32>,
          %get3A_579 = arith.index_cast %scan3A_460 : i32 to index
          %get3A_580 = arith.constant 64 : index
          %get3A_581 = tpu.vector_load %arg6[%get3A_579, %get3A_580] {strides = array<i32>} : memref<64x512xf32, #tpu.memory_space<vmem>>, vector<1x16xf32>,
          %get3A_582 = vector.shape_cast %get3A_581 : vector<1x16xf32> to vector<16xf32>
          %swap3A_583 = arith.index_cast %add3A_543 : i32 to index
          %swap3A_584 = arith.constant 64 : index
          %swap3A_585 = tpu.vector_load %arg8[%swap3A_583, %swap3A_584] {strides = array<i32>} : memref<16x512xf32, #tpu.memory_space<vmem>>, vector<1x16xf32>,
          %swap3A_586 = vector.shape_cast %swap3A_585 : vector<1x16xf32> to vector<16xf32>
          %swap3A_587 = vector.shape_cast %get3A_582 : vector<16xf32> to vector<1x16xf32>
          tpu.vector_store %arg8[%swap3A_583, %swap3A_584], %swap3A_587 {add = true, strides = array<i32>} : memref<16x512xf32, #tpu.memory_space<vmem>>, vector<1x16xf32>,
          %get3A_588 = arith.index_cast %scan3A_460 : i32 to index
          %get3A_589 = arith.constant 80 : index
          %get3A_590 = tpu.vector_load %arg6[%get3A_588, %get3A_589] {strides = array<i32>} : memref<64x512xf32, #tpu.memory_space<vmem>>, vector<1x16xf32>,
          %get3A_591 = vector.shape_cast %get3A_590 : vector<1x16xf32> to vector<16xf32>
          %swap3A_592 = arith.index_cast %add3A_543 : i32 to index
          %swap3A_593 = arith.constant 80 : index
          %swap3A_594 = tpu.vector_load %arg8[%swap3A_592, %swap3A_593] {strides = array<i32>} : memref<16x512xf32, #tpu.memory_space<vmem>>, vector<1x16xf32>,
          %swap3A_595 = vector.shape_cast %swap3A_594 : vector<1x16xf32> to vector<16xf32>
          %swap3A_596 = vector.shape_cast %get3A_591 : vector<16xf32> to vector<1x16xf32>
          tpu.vector_store %arg8[%swap3A_592, %swap3A_593], %swap3A_596 {add = true, strides = array<i32>} : memref<16x512xf32, #tpu.memory_space<vmem>>, vector<1x16xf32>,
          %get3A_597 = arith.index_cast %scan3A_460 : i32 to index
          %get3A_598 = arith.constant 96 : index
          %get3A_599 = tpu.vector_load %arg6[%get3A_597, %get3A_598] {strides = array<i32>} : memref<64x512xf32, #tpu.memory_space<vmem>>, vector<1x16xf32>,
          %get3A_600 = vector.shape_cast %get3A_599 : vector<1x16xf32> to vector<16xf32>
          %swap3A_601 = arith.index_cast %add3A_543 : i32 to index
          %swap3A_602 = arith.constant 96 : index
          %swap3A_603 = tpu.vector_load %arg8[%swap3A_601, %swap3A_602] {strides = array<i32>} : memref<16x512xf32, #tpu.memory_space<vmem>>, vector<1x16xf32>,
          %swap3A_604 = vector.shape_cast %swap3A_603 : vector<1x16xf32> to vector<16xf32>
          %swap3A_605 = vector.shape_cast %get3A_600 : vector<16xf32> to vector<1x16xf32>
          tpu.vector_store %arg8[%swap3A_601, %swap3A_602], %swap3A_605 {add = true, strides = array<i32>} : memref<16x512xf32, #tpu.memory_space<vmem>>, vector<1x16xf32>,
          %get3A_606 = arith.index_cast %scan3A_460 : i32 to index
          %get3A_607 = arith.constant 112 : index
          %get3A_608 = tpu.vector_load %arg6[%get3A_606, %get3A_607] {strides = array<i32>} : memref<64x512xf32, #tpu.memory_space<vmem>>, vector<1x16xf32>,
          %get3A_609 = vector.shape_cast %get3A_608 : vector<1x16xf32> to vector<16xf32>
          %swap3A_610 = arith.index_cast %add3A_543 : i32 to index
          %swap3A_611 = arith.constant 112 : index
          %swap3A_612 = tpu.vector_load %arg8[%swap3A_610, %swap3A_611] {strides = array<i32>} : memref<16x512xf32, #tpu.memory_space<vmem>>, vector<1x16xf32>,
          %swap3A_613 = vector.shape_cast %swap3A_612 : vector<1x16xf32> to vector<16xf32>
          %swap3A_614 = vector.shape_cast %get3A_609 : vector<16xf32> to vector<1x16xf32>
          tpu.vector_store %arg8[%swap3A_610, %swap3A_611], %swap3A_614 {add = true, strides = array<i32>} : memref<16x512xf32, #tpu.memory_space<vmem>>, vector<1x16xf32>,
          %get3A_615 = arith.index_cast %scan3A_460 : i32 to index
          %get3A_616 = arith.constant 128 : index
          %get3A_617 = tpu.vector_load %arg6[%get3A_615, %get3A_616] {strides = array<i32>} : memref<64x512xf32, #tpu.memory_space<vmem>>, vector<1x16xf32>,
          %get3A_618 = vector.shape_cast %get3A_617 : vector<1x16xf32> to vector<16xf32>
          %swap3A_619 = arith.index_cast %add3A_543 : i32 to index
          %swap3A_620 = arith.constant 128 : index
          %swap3A_621 = tpu.vector_load %arg8[%swap3A_619, %swap3A_620] {strides = array<i32>} : memref<16x512xf32, #tpu.memory_space<vmem>>, vector<1x16xf32>,
          %swap3A_622 = vector.shape_cast %swap3A_621 : vector<1x16xf32> to vector<16xf32>
          %swap3A_623 = vector.shape_cast %get3A_618 : vector<16xf32> to vector<1x16xf32>
          tpu.vector_store %arg8[%swap3A_619, %swap3A_620], %swap3A_623 {add = true, strides = array<i32>} : memref<16x512xf32, #tpu.memory_space<vmem>>, vector<1x16xf32>,
          %get3A_624 = arith.index_cast %scan3A_460 : i32 to index
          %get3A_625 = arith.constant 144 : index
          %get3A_626 = tpu.vector_load %arg6[%get3A_624, %get3A_625] {strides = array<i32>} : memref<64x512xf32, #tpu.memory_space<vmem>>, vector<1x16xf32>,
          %get3A_627 = vector.shape_cast %get3A_626 : vector<1x16xf32> to vector<16xf32>
          %swap3A_628 = arith.index_cast %add3A_543 : i32 to index
          %swap3A_629 = arith.constant 144 : index
          %swap3A_630 = tpu.vector_load %arg8[%swap3A_628, %swap3A_629] {strides = array<i32>} : memref<16x512xf32, #tpu.memory_space<vmem>>, vector<1x16xf32>,
          %swap3A_631 = vector.shape_cast %swap3A_630 : vector<1x16xf32> to vector<16xf32>
          %swap3A_632 = vector.shape_cast %get3A_627 : vector<16xf32> to vector<1x16xf32>
          tpu.vector_store %arg8[%swap3A_628, %swap3A_629], %swap3A_632 {add = true, strides = array<i32>} : memref<16x512xf32, #tpu.memory_space<vmem>>, vector<1x16xf32>,
          %get3A_633 = arith.index_cast %scan3A_460 : i32 to index
          %get3A_634 = arith.constant 160 : index
          %get3A_635 = tpu.vector_load %arg6[%get3A_633, %get3A_634] {strides = array<i32>} : memref<64x512xf32, #tpu.memory_space<vmem>>, vector<1x16xf32>,
          %get3A_636 = vector.shape_cast %get3A_635 : vector<1x16xf32> to vector<16xf32>
          %swap3A_637 = arith.index_cast %add3A_543 : i32 to index
          %swap3A_638 = arith.constant 160 : index
          %swap3A_639 = tpu.vector_load %arg8[%swap3A_637, %swap3A_638] {strides = array<i32>} : memref<16x512xf32, #tpu.memory_space<vmem>>, vector<1x16xf32>,
          %swap3A_640 = vector.shape_cast %swap3A_639 : vector<1x16xf32> to vector<16xf32>
          %swap3A_641 = vector.shape_cast %get3A_636 : vector<16xf32> to vector<1x16xf32>
          tpu.vector_store %arg8[%swap3A_637, %swap3A_638], %swap3A_641 {add = true, strides = array<i32>} : memref<16x512xf32, #tpu.memory_space<vmem>>, vector<1x16xf32>,
          %get3A_642 = arith.index_cast %scan3A_460 : i32 to index
          %get3A_643 = arith.constant 176 : index
          %get3A_644 = tpu.vector_load %arg6[%get3A_642, %get3A_643] {strides = array<i32>} : memref<64x512xf32, #tpu.memory_space<vmem>>, vector<1x16xf32>,
          %get3A_645 = vector.shape_cast %get3A_644 : vector<1x16xf32> to vector<16xf32>
          %swap3A_646 = arith.index_cast %add3A_543 : i32 to index
          %swap3A_647 = arith.constant 176 : index
          %swap3A_648 = tpu.vector_load %arg8[%swap3A_646, %swap3A_647] {strides = array<i32>} : memref<16x512xf32, #tpu.memory_space<vmem>>, vector<1x16xf32>,
          %swap3A_649 = vector.shape_cast %swap3A_648 : vector<1x16xf32> to vector<16xf32>
          %swap3A_650 = vector.shape_cast %get3A_645 : vector<16xf32> to vector<1x16xf32>
          tpu.vector_store %arg8[%swap3A_646, %swap3A_647], %swap3A_650 {add = true, strides = array<i32>} : memref<16x512xf32, #tpu.memory_space<vmem>>, vector<1x16xf32>,
          %get3A_651 = arith.index_cast %scan3A_460 : i32 to index
          %get3A_652 = arith.constant 192 : index
          %get3A_653 = tpu.vector_load %arg6[%get3A_651, %get3A_652] {strides = array<i32>} : memref<64x512xf32, #tpu.memory_space<vmem>>, vector<1x16xf32>,
          %get3A_654 = vector.shape_cast %get3A_653 : vector<1x16xf32> to vector<16xf32>
          %swap3A_655 = arith.index_cast %add3A_543 : i32 to index
          %swap3A_656 = arith.constant 192 : index
          %swap3A_657 = tpu.vector_load %arg8[%swap3A_655, %swap3A_656] {strides = array<i32>} : memref<16x512xf32, #tpu.memory_space<vmem>>, vector<1x16xf32>,
          %swap3A_658 = vector.shape_cast %swap3A_657 : vector<1x16xf32> to vector<16xf32>
          %swap3A_659 = vector.shape_cast %get3A_654 : vector<16xf32> to vector<1x16xf32>
          tpu.vector_store %arg8[%swap3A_655, %swap3A_656], %swap3A_659 {add = true, strides = array<i32>} : memref<16x512xf32, #tpu.memory_space<vmem>>, vector<1x16xf32>,
          %get3A_660 = arith.index_cast %scan3A_460 : i32 to index
          %get3A_661 = arith.constant 208 : index
          %get3A_662 = tpu.vector_load %arg6[%get3A_660, %get3A_661] {strides = array<i32>} : memref<64x512xf32, #tpu.memory_space<vmem>>, vector<1x16xf32>,
          %get3A_663 = vector.shape_cast %get3A_662 : vector<1x16xf32> to vector<16xf32>
          %swap3A_664 = arith.index_cast %add3A_543 : i32 to index
          %swap3A_665 = arith.constant 208 : index
          %swap3A_666 = tpu.vector_load %arg8[%swap3A_664, %swap3A_665] {strides = array<i32>} : memref<16x512xf32, #tpu.memory_space<vmem>>, vector<1x16xf32>,
          %swap3A_667 = vector.shape_cast %swap3A_666 : vector<1x16xf32> to vector<16xf32>
          %swap3A_668 = vector.shape_cast %get3A_663 : vector<16xf32> to vector<1x16xf32>
          tpu.vector_store %arg8[%swap3A_664, %swap3A_665], %swap3A_668 {add = true, strides = array<i32>} : memref<16x512xf32, #tpu.memory_space<vmem>>, vector<1x16xf32>,
          %get3A_669 = arith.index_cast %scan3A_460 : i32 to index
          %get3A_670 = arith.constant 224 : index
          %get3A_671 = tpu.vector_load %arg6[%get3A_669, %get3A_670] {strides = array<i32>} : memref<64x512xf32, #tpu.memory_space<vmem>>, vector<1x16xf32>,
          %get3A_672 = vector.shape_cast %get3A_671 : vector<1x16xf32> to vector<16xf32>
          %swap3A_673 = arith.index_cast %add3A_543 : i32 to index
          %swap3A_674 = arith.constant 224 : index
          %swap3A_675 = tpu.vector_load %arg8[%swap3A_673, %swap3A_674] {strides = array<i32>} : memref<16x512xf32, #tpu.memory_space<vmem>>, vector<1x16xf32>,
          %swap3A_676 = vector.shape_cast %swap3A_675 : vector<1x16xf32> to vector<16xf32>
          %swap3A_677 = vector.shape_cast %get3A_672 : vector<16xf32> to vector<1x16xf32>
          tpu.vector_store %arg8[%swap3A_673, %swap3A_674], %swap3A_677 {add = true, strides = array<i32>} : memref<16x512xf32, #tpu.memory_space<vmem>>, vector<1x16xf32>,
          %get3A_678 = arith.index_cast %scan3A_460 : i32 to index
          %get3A_679 = arith.constant 240 : index
          %get3A_680 = tpu.vector_load %arg6[%get3A_678, %get3A_679] {strides = array<i32>} : memref<64x512xf32, #tpu.memory_space<vmem>>, vector<1x16xf32>,
          %get3A_681 = vector.shape_cast %get3A_680 : vector<1x16xf32> to vector<16xf32>
          %swap3A_682 = arith.index_cast %add3A_543 : i32 to index
          %swap3A_683 = arith.constant 240 : index
          %swap3A_684 = tpu.vector_load %arg8[%swap3A_682, %swap3A_683] {strides = array<i32>} : memref<16x512xf32, #tpu.memory_space<vmem>>, vector<1x16xf32>,
          %swap3A_685 = vector.shape_cast %swap3A_684 : vector<1x16xf32> to vector<16xf32>
          %swap3A_686 = vector.shape_cast %get3A_681 : vector<16xf32> to vector<1x16xf32>
          tpu.vector_store %arg8[%swap3A_682, %swap3A_683], %swap3A_686 {add = true, strides = array<i32>} : memref<16x512xf32, #tpu.memory_space<vmem>>, vector<1x16xf32>,
          %get3A_687 = arith.index_cast %scan3A_460 : i32 to index
          %get3A_688 = arith.constant 256 : index
          %get3A_689 = tpu.vector_load %arg6[%get3A_687, %get3A_688] {strides = array<i32>} : memref<64x512xf32, #tpu.memory_space<vmem>>, vector<1x16xf32>,
          %get3A_690 = vector.shape_cast %get3A_689 : vector<1x16xf32> to vector<16xf32>
          %swap3A_691 = arith.index_cast %add3A_543 : i32 to index
          %swap3A_692 = arith.constant 256 : index
          %swap3A_693 = tpu.vector_load %arg8[%swap3A_691, %swap3A_692] {strides = array<i32>} : memref<16x512xf32, #tpu.memory_space<vmem>>, vector<1x16xf32>,
          %swap3A_694 = vector.shape_cast %swap3A_693 : vector<1x16xf32> to vector<16xf32>
          %swap3A_695 = vector.shape_cast %get3A_690 : vector<16xf32> to vector<1x16xf32>
          tpu.vector_store %arg8[%swap3A_691, %swap3A_692], %swap3A_695 {add = true, strides = array<i32>} : memref<16x512xf32, #tpu.memory_space<vmem>>, vector<1x16xf32>,
          %get3A_696 = arith.index_cast %scan3A_460 : i32 to index
          %get3A_697 = arith.constant 272 : index
          %get3A_698 = tpu.vector_load %arg6[%get3A_696, %get3A_697] {strides = array<i32>} : memref<64x512xf32, #tpu.memory_space<vmem>>, vector<1x16xf32>,
          %get3A_699 = vector.shape_cast %get3A_698 : vector<1x16xf32> to vector<16xf32>
          %swap3A_700 = arith.index_cast %add3A_543 : i32 to index
          %swap3A_701 = arith.constant 272 : index
          %swap3A_702 = tpu.vector_load %arg8[%swap3A_700, %swap3A_701] {strides = array<i32>} : memref<16x512xf32, #tpu.memory_space<vmem>>, vector<1x16xf32>,
          %swap3A_703 = vector.shape_cast %swap3A_702 : vector<1x16xf32> to vector<16xf32>
          %swap3A_704 = vector.shape_cast %get3A_699 : vector<16xf32> to vector<1x16xf32>
          tpu.vector_store %arg8[%swap3A_700, %swap3A_701], %swap3A_704 {add = true, strides = array<i32>} : memref<16x512xf32, #tpu.memory_space<vmem>>, vector<1x16xf32>,
          %get3A_705 = arith.index_cast %scan3A_460 : i32 to index
          %get3A_706 = arith.constant 288 : index
          %get3A_707 = tpu.vector_load %arg6[%get3A_705, %get3A_706] {strides = array<i32>} : memref<64x512xf32, #tpu.memory_space<vmem>>, vector<1x16xf32>,
          %get3A_708 = vector.shape_cast %get3A_707 : vector<1x16xf32> to vector<16xf32>
          %swap3A_709 = arith.index_cast %add3A_543 : i32 to index
          %swap3A_710 = arith.constant 288 : index
          %swap3A_711 = tpu.vector_load %arg8[%swap3A_709, %swap3A_710] {strides = array<i32>} : memref<16x512xf32, #tpu.memory_space<vmem>>, vector<1x16xf32>,
          %swap3A_712 = vector.shape_cast %swap3A_711 : vector<1x16xf32> to vector<16xf32>
          %swap3A_713 = vector.shape_cast %get3A_708 : vector<16xf32> to vector<1x16xf32>
          tpu.vector_store %arg8[%swap3A_709, %swap3A_710], %swap3A_713 {add = true, strides = array<i32>} : memref<16x512xf32, #tpu.memory_space<vmem>>, vector<1x16xf32>,
          %get3A_714 = arith.index_cast %scan3A_460 : i32 to index
          %get3A_715 = arith.constant 304 : index
          %get3A_716 = tpu.vector_load %arg6[%get3A_714, %get3A_715] {strides = array<i32>} : memref<64x512xf32, #tpu.memory_space<vmem>>, vector<1x16xf32>,
          %get3A_717 = vector.shape_cast %get3A_716 : vector<1x16xf32> to vector<16xf32>
          %swap3A_718 = arith.index_cast %add3A_543 : i32 to index
          %swap3A_719 = arith.constant 304 : index
          %swap3A_720 = tpu.vector_load %arg8[%swap3A_718, %swap3A_719] {strides = array<i32>} : memref<16x512xf32, #tpu.memory_space<vmem>>, vector<1x16xf32>,
          %swap3A_721 = vector.shape_cast %swap3A_720 : vector<1x16xf32> to vector<16xf32>
          %swap3A_722 = vector.shape_cast %get3A_717 : vector<16xf32> to vector<1x16xf32>
          tpu.vector_store %arg8[%swap3A_718, %swap3A_719], %swap3A_722 {add = true, strides = array<i32>} : memref<16x512xf32, #tpu.memory_space<vmem>>, vector<1x16xf32>,
          %get3A_723 = arith.index_cast %scan3A_460 : i32 to index
          %get3A_724 = arith.constant 320 : index
          %get3A_725 = tpu.vector_load %arg6[%get3A_723, %get3A_724] {strides = array<i32>} : memref<64x512xf32, #tpu.memory_space<vmem>>, vector<1x16xf32>,
          %get3A_726 = vector.shape_cast %get3A_725 : vector<1x16xf32> to vector<16xf32>
          %swap3A_727 = arith.index_cast %add3A_543 : i32 to index
          %swap3A_728 = arith.constant 320 : index
          %swap3A_729 = tpu.vector_load %arg8[%swap3A_727, %swap3A_728] {strides = array<i32>} : memref<16x512xf32, #tpu.memory_space<vmem>>, vector<1x16xf32>,
          %swap3A_730 = vector.shape_cast %swap3A_729 : vector<1x16xf32> to vector<16xf32>
          %swap3A_731 = vector.shape_cast %get3A_726 : vector<16xf32> to vector<1x16xf32>
          tpu.vector_store %arg8[%swap3A_727, %swap3A_728], %swap3A_731 {add = true, strides = array<i32>} : memref<16x512xf32, #tpu.memory_space<vmem>>, vector<1x16xf32>,
          %get3A_732 = arith.index_cast %scan3A_460 : i32 to index
          %get3A_733 = arith.constant 336 : index
          %get3A_734 = tpu.vector_load %arg6[%get3A_732, %get3A_733] {strides = array<i32>} : memref<64x512xf32, #tpu.memory_space<vmem>>, vector<1x16xf32>,
          %get3A_735 = vector.shape_cast %get3A_734 : vector<1x16xf32> to vector<16xf32>
          %swap3A_736 = arith.index_cast %add3A_543 : i32 to index
          %swap3A_737 = arith.constant 336 : index
          %swap3A_738 = tpu.vector_load %arg8[%swap3A_736, %swap3A_737] {strides = array<i32>} : memref<16x512xf32, #tpu.memory_space<vmem>>, vector<1x16xf32>,
          %swap3A_739 = vector.shape_cast %swap3A_738 : vector<1x16xf32> to vector<16xf32>
          %swap3A_740 = vector.shape_cast %get3A_735 : vector<16xf32> to vector<1x16xf32>
          tpu.vector_store %arg8[%swap3A_736, %swap3A_737], %swap3A_740 {add = true, strides = array<i32>} : memref<16x512xf32, #tpu.memory_space<vmem>>, vector<1x16xf32>,
          %get3A_741 = arith.index_cast %scan3A_460 : i32 to index
          %get3A_742 = arith.constant 352 : index
          %get3A_743 = tpu.vector_load %arg6[%get3A_741, %get3A_742] {strides = array<i32>} : memref<64x512xf32, #tpu.memory_space<vmem>>, vector<1x16xf32>,
          %get3A_744 = vector.shape_cast %get3A_743 : vector<1x16xf32> to vector<16xf32>
          %swap3A_745 = arith.index_cast %add3A_543 : i32 to index
          %swap3A_746 = arith.constant 352 : index
          %swap3A_747 = tpu.vector_load %arg8[%swap3A_745, %swap3A_746] {strides = array<i32>} : memref<16x512xf32, #tpu.memory_space<vmem>>, vector<1x16xf32>,
          %swap3A_748 = vector.shape_cast %swap3A_747 : vector<1x16xf32> to vector<16xf32>
          %swap3A_749 = vector.shape_cast %get3A_744 : vector<16xf32> to vector<1x16xf32>
          tpu.vector_store %arg8[%swap3A_745, %swap3A_746], %swap3A_749 {add = true, strides = array<i32>} : memref<16x512xf32, #tpu.memory_space<vmem>>, vector<1x16xf32>,
          %get3A_750 = arith.index_cast %scan3A_460 : i32 to index
          %get3A_751 = arith.constant 368 : index
          %get3A_752 = tpu.vector_load %arg6[%get3A_750, %get3A_751] {strides = array<i32>} : memref<64x512xf32, #tpu.memory_space<vmem>>, vector<1x16xf32>,
          %get3A_753 = vector.shape_cast %get3A_752 : vector<1x16xf32> to vector<16xf32>
          %swap3A_754 = arith.index_cast %add3A_543 : i32 to index
          %swap3A_755 = arith.constant 368 : index
          %swap3A_756 = tpu.vector_load %arg8[%swap3A_754, %swap3A_755] {strides = array<i32>} : memref<16x512xf32, #tpu.memory_space<vmem>>, vector<1x16xf32>,
          %swap3A_757 = vector.shape_cast %swap3A_756 : vector<1x16xf32> to vector<16xf32>
          %swap3A_758 = vector.shape_cast %get3A_753 : vector<16xf32> to vector<1x16xf32>
          tpu.vector_store %arg8[%swap3A_754, %swap3A_755], %swap3A_758 {add = true, strides = array<i32>} : memref<16x512xf32, #tpu.memory_space<vmem>>, vector<1x16xf32>,
          %get3A_759 = arith.index_cast %scan3A_460 : i32 to index
          %get3A_760 = arith.constant 384 : index
          %get3A_761 = tpu.vector_load %arg6[%get3A_759, %get3A_760] {strides = array<i32>} : memref<64x512xf32, #tpu.memory_space<vmem>>, vector<1x16xf32>,
          %get3A_762 = vector.shape_cast %get3A_761 : vector<1x16xf32> to vector<16xf32>
          %swap3A_763 = arith.index_cast %add3A_543 : i32 to index
          %swap3A_764 = arith.constant 384 : index
          %swap3A_765 = tpu.vector_load %arg8[%swap3A_763, %swap3A_764] {strides = array<i32>} : memref<16x512xf32, #tpu.memory_space<vmem>>, vector<1x16xf32>,
          %swap3A_766 = vector.shape_cast %swap3A_765 : vector<1x16xf32> to vector<16xf32>
          %swap3A_767 = vector.shape_cast %get3A_762 : vector<16xf32> to vector<1x16xf32>
          tpu.vector_store %arg8[%swap3A_763, %swap3A_764], %swap3A_767 {add = true, strides = array<i32>} : memref<16x512xf32, #tpu.memory_space<vmem>>, vector<1x16xf32>,
          %get3A_768 = arith.index_cast %scan3A_460 : i32 to index
          %get3A_769 = arith.constant 400 : index
          %get3A_770 = tpu.vector_load %arg6[%get3A_768, %get3A_769] {strides = array<i32>} : memref<64x512xf32, #tpu.memory_space<vmem>>, vector<1x16xf32>,
          %get3A_771 = vector.shape_cast %get3A_770 : vector<1x16xf32> to vector<16xf32>
          %swap3A_772 = arith.index_cast %add3A_543 : i32 to index
          %swap3A_773 = arith.constant 400 : index
          %swap3A_774 = tpu.vector_load %arg8[%swap3A_772, %swap3A_773] {strides = array<i32>} : memref<16x512xf32, #tpu.memory_space<vmem>>, vector<1x16xf32>,
          %swap3A_775 = vector.shape_cast %swap3A_774 : vector<1x16xf32> to vector<16xf32>
          %swap3A_776 = vector.shape_cast %get3A_771 : vector<16xf32> to vector<1x16xf32>
          tpu.vector_store %arg8[%swap3A_772, %swap3A_773], %swap3A_776 {add = true, strides = array<i32>} : memref<16x512xf32, #tpu.memory_space<vmem>>, vector<1x16xf32>,
          %get3A_777 = arith.index_cast %scan3A_460 : i32 to index
          %get3A_778 = arith.constant 416 : index
          %get3A_779 = tpu.vector_load %arg6[%get3A_777, %get3A_778] {strides = array<i32>} : memref<64x512xf32, #tpu.memory_space<vmem>>, vector<1x16xf32>,
          %get3A_780 = vector.shape_cast %get3A_779 : vector<1x16xf32> to vector<16xf32>
          %swap3A_781 = arith.index_cast %add3A_543 : i32 to index
          %swap3A_782 = arith.constant 416 : index
          %swap3A_783 = tpu.vector_load %arg8[%swap3A_781, %swap3A_782] {strides = array<i32>} : memref<16x512xf32, #tpu.memory_space<vmem>>, vector<1x16xf32>,
          %swap3A_784 = vector.shape_cast %swap3A_783 : vector<1x16xf32> to vector<16xf32>
          %swap3A_785 = vector.shape_cast %get3A_780 : vector<16xf32> to vector<1x16xf32>
          tpu.vector_store %arg8[%swap3A_781, %swap3A_782], %swap3A_785 {add = true, strides = array<i32>} : memref<16x512xf32, #tpu.memory_space<vmem>>, vector<1x16xf32>,
          %get3A_786 = arith.index_cast %scan3A_460 : i32 to index
          %get3A_787 = arith.constant 432 : index
          %get3A_788 = tpu.vector_load %arg6[%get3A_786, %get3A_787] {strides = array<i32>} : memref<64x512xf32, #tpu.memory_space<vmem>>, vector<1x16xf32>,
          %get3A_789 = vector.shape_cast %get3A_788 : vector<1x16xf32> to vector<16xf32>
          %swap3A_790 = arith.index_cast %add3A_543 : i32 to index
          %swap3A_791 = arith.constant 432 : index
          %swap3A_792 = tpu.vector_load %arg8[%swap3A_790, %swap3A_791] {strides = array<i32>} : memref<16x512xf32, #tpu.memory_space<vmem>>, vector<1x16xf32>,
          %swap3A_793 = vector.shape_cast %swap3A_792 : vector<1x16xf32> to vector<16xf32>
          %swap3A_794 = vector.shape_cast %get3A_789 : vector<16xf32> to vector<1x16xf32>
          tpu.vector_store %arg8[%swap3A_790, %swap3A_791], %swap3A_794 {add = true, strides = array<i32>} : memref<16x512xf32, #tpu.memory_space<vmem>>, vector<1x16xf32>,
          %get3A_795 = arith.index_cast %scan3A_460 : i32 to index
          %get3A_796 = arith.constant 448 : index
          %get3A_797 = tpu.vector_load %arg6[%get3A_795, %get3A_796] {strides = array<i32>} : memref<64x512xf32, #tpu.memory_space<vmem>>, vector<1x16xf32>,
          %get3A_798 = vector.shape_cast %get3A_797 : vector<1x16xf32> to vector<16xf32>
          %swap3A_799 = arith.index_cast %add3A_543 : i32 to index
          %swap3A_800 = arith.constant 448 : index
          %swap3A_801 = tpu.vector_load %arg8[%swap3A_799, %swap3A_800] {strides = array<i32>} : memref<16x512xf32, #tpu.memory_space<vmem>>, vector<1x16xf32>,
          %swap3A_802 = vector.shape_cast %swap3A_801 : vector<1x16xf32> to vector<16xf32>
          %swap3A_803 = vector.shape_cast %get3A_798 : vector<16xf32> to vector<1x16xf32>
          tpu.vector_store %arg8[%swap3A_799, %swap3A_800], %swap3A_803 {add = true, strides = array<i32>} : memref<16x512xf32, #tpu.memory_space<vmem>>, vector<1x16xf32>,
          %get3A_804 = arith.index_cast %scan3A_460 : i32 to index
          %get3A_805 = arith.constant 464 : index
          %get3A_806 = tpu.vector_load %arg6[%get3A_804, %get3A_805] {strides = array<i32>} : memref<64x512xf32, #tpu.memory_space<vmem>>, vector<1x16xf32>,
          %get3A_807 = vector.shape_cast %get3A_806 : vector<1x16xf32> to vector<16xf32>
          %swap3A_808 = arith.index_cast %add3A_543 : i32 to index
          %swap3A_809 = arith.constant 464 : index
          %swap3A_810 = tpu.vector_load %arg8[%swap3A_808, %swap3A_809] {strides = array<i32>} : memref<16x512xf32, #tpu.memory_space<vmem>>, vector<1x16xf32>,
          %swap3A_811 = vector.shape_cast %swap3A_810 : vector<1x16xf32> to vector<16xf32>
          %swap3A_812 = vector.shape_cast %get3A_807 : vector<16xf32> to vector<1x16xf32>
          tpu.vector_store %arg8[%swap3A_808, %swap3A_809], %swap3A_812 {add = true, strides = array<i32>} : memref<16x512xf32, #tpu.memory_space<vmem>>, vector<1x16xf32>,
          %get3A_813 = arith.index_cast %scan3A_460 : i32 to index
          %get3A_814 = arith.constant 480 : index
          %get3A_815 = tpu.vector_load %arg6[%get3A_813, %get3A_814] {strides = array<i32>} : memref<64x512xf32, #tpu.memory_space<vmem>>, vector<1x16xf32>,
          %get3A_816 = vector.shape_cast %get3A_815 : vector<1x16xf32> to vector<16xf32>
          %swap3A_817 = arith.index_cast %add3A_543 : i32 to index
          %swap3A_818 = arith.constant 480 : index
          %swap3A_819 = tpu.vector_load %arg8[%swap3A_817, %swap3A_818] {strides = array<i32>} : memref<16x512xf32, #tpu.memory_space<vmem>>, vector<1x16xf32>,
          %swap3A_820 = vector.shape_cast %swap3A_819 : vector<1x16xf32> to vector<16xf32>
          %swap3A_821 = vector.shape_cast %get3A_816 : vector<16xf32> to vector<1x16xf32>
          tpu.vector_store %arg8[%swap3A_817, %swap3A_818], %swap3A_821 {add = true, strides = array<i32>} : memref<16x512xf32, #tpu.memory_space<vmem>>, vector<1x16xf32>,
          %get3A_822 = arith.index_cast %scan3A_460 : i32 to index
          %get3A_823 = arith.constant 496 : index
          %get3A_824 = tpu.vector_load %arg6[%get3A_822, %get3A_823] {strides = array<i32>} : memref<64x512xf32, #tpu.memory_space<vmem>>, vector<1x16xf32>,
          %get3A_825 = vector.shape_cast %get3A_824 : vector<1x16xf32> to vector<16xf32>
          %swap3A_826 = arith.index_cast %add3A_543 : i32 to index
          %swap3A_827 = arith.constant 496 : index
          %swap3A_828 = tpu.vector_load %arg8[%swap3A_826, %swap3A_827] {strides = array<i32>} : memref<16x512xf32, #tpu.memory_space<vmem>>, vector<1x16xf32>,
          %swap3A_829 = vector.shape_cast %swap3A_828 : vector<1x16xf32> to vector<16xf32>
          %swap3A_830 = vector.shape_cast %get3A_825 : vector<16xf32> to vector<1x16xf32>
          tpu.vector_store %arg8[%swap3A_826, %swap3A_827], %swap3A_830 {add = true, strides = array<i32>} : memref<16x512xf32, #tpu.memory_space<vmem>>, vector<1x16xf32>,
          %scan3A_831 = arith.constant 0 : i32
          scf.yield %scan3A_831 : i32
        }
        %scan3A_458 = arith.constant 64 : i32
        %cond3A_459 = arith.constant 0 : i32
        scf.yield %cond3A_459 : i32
      }
      %add3A_444 = arith.constant 2 : i32
      %add3A_445 = arith.addi %add3A_262, %add3A_444 : i32
      %lt3A_446 = arith.constant 16 : i32
      %lt3A_447 = arith.cmpi slt, %add3A_445, %lt3A_446 : i32
      %convert_element_type3A_448 = arith.extui %lt3A_447 : i1 to i32
      %cond3A_449 = arith.constant 0 : i32
      %cond3A_450 = arith.cmpi ne, %convert_element_type3A_448, %cond3A_449 : i32
      scf.if %cond3A_450 {
        %add3A_452 = arith.constant 2 : i32
        %add3A_453 = arith.addi %add3A_262, %add3A_452 : i32
        %mul3A_454 = arith.constant 64 : i32
        %mul3A_455 = arith.muli %add3A_453, %mul3A_454 : i32
        %add3A_456 = arith.addi %mul3A_2, %mul3A_455 : i32
        %dma_start3A_457 = arith.constant 0 : i32
        %dma_start3A_458 = tpu.memref_slice %arg2[%add3A_456, %dma_start3A_457] : memref<32768x512xf32, #tpu.memory_space<hbm>> -> memref<64x512xf32, #tpu.memory_space<hbm>>
        %dma_start3A_459 = arith.constant 0 : i32
        %dma_start3A_460 = tpu.memref_slice %arg2[%add3A_456, %dma_start3A_459] : memref<32768x512xf32, #tpu.memory_space<hbm>> -> memref<64x512xf32, #tpu.memory_space<hbm>>
        tpu.enqueue_dma source(%dma_start3A_460 : memref<64x512xf32, #tpu.memory_space<hbm>>) target(%arg6 : memref<64x512xf32, #tpu.memory_space<vmem>>) target_semaphore(%arg10 : memref<!tpu.dma_semaphore, #tpu.memory_space<semaphore_mem>>)
      } else {
      }
      %scan3A_451 = arith.constant 0 : i32
      scf.yield %scan3A_451 : i32
    }
    %scan3A_73 = arith.constant 8 : i32
    "tpu.region"() ({
      %run_scoped3A = tpu.sem_alloc : memref<!tpu.dma_semaphore, #tpu.memory_space<semaphore_mem>>
      %dma_start3A_74 = arith.constant 0 : i32
      %dma_start3A_75 = arith.constant 0 : i32
      %dma_start3A_76 = tpu.memref_slice %arg4[%add3A, %dma_start3A_74, %dma_start3A_75] : memref<32x16x512xf32, #tpu.memory_space<hbm>> -> memref<1x16x512xf32, #tpu.memory_space<hbm>>
      %dma_start3A_77 = tpu.memref_squeeze %dma_start3A_76 : memref<1x16x512xf32, #tpu.memory_space<hbm>> -> memref<16x512xf32, #tpu.memory_space<hbm>>
      %dma_start3A_78 = arith.constant 0 : i32
      %dma_start3A_79 = arith.constant 0 : i32
      %dma_start3A_80 = tpu.memref_slice %arg4[%add3A, %dma_start3A_78, %dma_start3A_79] : memref<32x16x512xf32, #tpu.memory_space<hbm>> -> memref<1x16x512xf32, #tpu.memory_space<hbm>>
      %dma_start3A_81 = tpu.memref_squeeze %dma_start3A_80 : memref<1x16x512xf32, #tpu.memory_space<hbm>> -> memref<16x512xf32, #tpu.memory_space<hbm>>
      tpu.enqueue_dma source(%arg8 : memref<16x512xf32, #tpu.memory_space<vmem>>) target(%dma_start3A_81 : memref<16x512xf32, #tpu.memory_space<hbm>>) target_semaphore(%run_scoped3A : memref<!tpu.dma_semaphore, #tpu.memory_space<semaphore_mem>>)
      %dma_wait3A = arith.constant 0 : i32
      %dma_wait3A_82 = arith.constant 0 : i32
      %dma_wait3A_83 = tpu.memref_slice %arg4[%add3A, %dma_wait3A, %dma_wait3A_82] : memref<32x16x512xf32, #tpu.memory_space<hbm>> -> memref<1x16x512xf32, #tpu.memory_space<hbm>>
      %dma_wait3A_84 = tpu.memref_squeeze %dma_wait3A_83 : memref<1x16x512xf32, #tpu.memory_space<hbm>> -> memref<16x512xf32, #tpu.memory_space<hbm>>
      %dma_wait3A_85 = arith.constant 0 : i32
      %dma_wait3A_86 = arith.constant 0 : i32
      %dma_wait3A_87 = tpu.memref_slice %arg4[%add3A, %dma_wait3A_85, %dma_wait3A_86] : memref<32x16x512xf32, #tpu.memory_space<hbm>> -> memref<1x16x512xf32, #tpu.memory_space<hbm>>
      %dma_wait3A_88 = tpu.memref_squeeze %dma_wait3A_87 : memref<1x16x512xf32, #tpu.memory_space<hbm>> -> memref<16x512xf32, #tpu.memory_space<hbm>>
      tpu.wait_dma2 semaphore(%run_scoped3A : memref<!tpu.dma_semaphore, #tpu.memory_space<semaphore_mem>>) src(%arg8 : memref<16x512xf32, #tpu.memory_space<vmem>>) dst(%dma_wait3A_88 : memref<16x512xf32, #tpu.memory_space<hbm>>)
      tpu.yield
    }) : () -> ()
    return
  }
}

module attributes {stable_mosaic.version = 14 : i64} {
  func.func @_head_kernel(%arg0: memref<32x16x512xf32, #tpu.memory_space<vmem>>, %arg1: memref<16x1xi32, #tpu.memory_space<vmem>>, %arg2: memref<512x512xf32, #tpu.memory_space<vmem>>, %arg3: memref<1x512xf32, #tpu.memory_space<vmem>>, %arg4: memref<16x512xf32, #tpu.memory_space<vmem>>) attributes {dimension_semantics = [], scalar_prefetch = 0 : i64, scratch_operands = 0 : i64, tpu.core_type = #tpu.core_type<tc>} {
    %get3A = arith.constant 0 : index
    %get3A_0 = arith.constant 0 : index
    %get3A_1 = arith.constant 0 : index
    %get3A_2 = vector.load %arg0[%get3A, %get3A_0, %get3A_1] : memref<32x16x512xf32, #tpu.memory_space<vmem>>, vector<32x16x512xf32>
    %reduce_sum3A = arith.constant dense<0.000000e+00> : vector<16x512xf32>
    %reduce_sum3A_3 = vector.multi_reduction <add>, %get3A_2, %reduce_sum3A [0] : vector<32x16x512xf32> to vector<16x512xf32>
    %get3A_4 = arith.constant 0 : index
    %get3A_5 = arith.constant 0 : index
    %get3A_6 = vector.load %arg1[%get3A_4, %get3A_5] : memref<16x1xi32, #tpu.memory_space<vmem>>, vector<16x1xi32>
    %max3A = arith.constant 1 : i32
    %max3A_7 = vector.broadcast %max3A : i32 to vector<16x1xi32>
    %max3A_8 = arith.maxsi %get3A_6, %max3A_7 : vector<16x1xi32>
    %convert_element_type3A = arith.sitofp %max3A_8 : vector<16x1xi32> to vector<16x1xf32>
    %div3A = arith.constant 1.000000e+00 : f32
    %div3A_9 = vector.broadcast %div3A : f32 to vector<16x1xf32>
    %div3A_10 = arith.divf %div3A_9, %convert_element_type3A : vector<16x1xf32>
    %mul3A = vector.broadcast %div3A_10 : vector<16x1xf32> to vector<16x512xf32>
    %mul3A_11 = arith.mulf %reduce_sum3A_3, %mul3A : vector<16x512xf32>
    %get3A_12 = arith.constant 0 : index
    %get3A_13 = arith.constant 0 : index
    %get3A_14 = vector.load %arg2[%get3A_12, %get3A_13] : memref<512x512xf32, #tpu.memory_space<vmem>>, vector<512x512xf32>
    %dot_general3A = arith.constant dense<0.000000e+00> : vector<16x512xf32>
    %dot_general3A_15 = tpu.matmul %mul3A_11, %get3A_14, %dot_general3A {dimension_numbers = #tpu.dot_dimension_numbers<[1], [0], [0], [1], [0, 0, 1, 1], [], []>, transpose_lhs_hint = false} : vector<16x512xf32>, vector<512x512xf32>, vector<16x512xf32> -> vector<16x512xf32>
    %get3A_16 = arith.constant 0 : index
    %get3A_17 = arith.constant 0 : index
    %get3A_18 = vector.load %arg3[%get3A_16, %get3A_17] : memref<1x512xf32, #tpu.memory_space<vmem>>, vector<1x512xf32>
    %add3A = vector.broadcast %get3A_18 : vector<1x512xf32> to vector<16x512xf32>
    %add3A_19 = arith.addf %dot_general3A_15, %add3A : vector<16x512xf32>
    %swap3A = arith.constant 0 : index
    %swap3A_20 = arith.constant 0 : index
    %swap3A_21 = vector.load %arg4[%swap3A, %swap3A_20] : memref<16x512xf32, #tpu.memory_space<vmem>>, vector<16x512xf32>
    tpu.vector_store %arg4[%swap3A, %swap3A_20], %add3A_19 {strides = array<i32>} : memref<16x512xf32, #tpu.memory_space<vmem>>, vector<16x512xf32>,
    return
  }
}

</mosaic_0001>

<sc_bundles>
// kernel: kernel.4.cloned.1.call-start
scs
__scs_entry_jumppad:
0x0: {  	(pc) =	sbr.rel $0x88, $3  }
0x1: {  	(tag) =	ssettag $0x0;
	lr =	simm.s32 $0x1  }
0x2: {  	[smem:$0x3F9D] =	sst lr;
	_ =	strace $0xD0000000  }
0x3: {  	_ = 	snop  }
0x4: {  	_ = 	snop  }
0x5: {  	_ = 	snop  }
0x6: {  	_ = 	snop  }
0x7: {  	_ = 	snop  }
__scs_overlays_trampoline_lowered:
0x8: {  	[smem:$0x3FAC] =	sst s0  }
0x9: {  	[smem:$0x3FAD] =	sst s1  }
0xa: {  	[smem:$0x3FAE] =	sst s2  }
0xb: {  	[smem:$0x3FAF] =	sst s3  }
0xc: {  	[smem:$0x3FB0] =	sst s4  }
0xd: {  	[smem:$0x3FB1] =	sst s5  }
0xe: {  	[smem:$0x3FB2] =	sst s6  }
0xf: {  	[smem:$0x3FB3] =	sst s7  }
0x10: {  	[smem:$0x3FB4] =	sst s8  }
0x11: {  	[smem:$0x3FB5] =	sst s9;
	s0 =	simm.s32 @!p0 $0x0  }
0x12: {  	s1 =	sld [smem:$0x3F9B];
	s0 =	simm.s32 @p0 $0x1  }
0x13: {  	[smem:$0x3FB6] =	sst s0;
	s0 =	simm.s32 @!p1 $0x0  }
0x14: {  	s2 =	sld [smem:$0x3F9A];
	s0 =	simm.s32 @p1 $0x1  }
0x15: {  	[smem:$0x3FB7] =	sst s0;
	s0 =	simm.s32 @!p2 $0x0  }
0x16: {  	s3 =	sld [smem:$0x3FDB];
	s0 =	simm.s32 @p2 $0x1  }
0x17: {  	s4 =	simm.s32 $0x1BF5;
	[smem:$0x3FB9] =	sst s0  }
0x18: {  	s0 =	sld [smem:$0x3F9C];
	_ =	swait.ge [sflag:s4], $0x0  }
0x19: {  	s7 =	sld [smem:$0x3F9D]  }
0x1a: {  	s8 =	sadd.s32 $0xFFFFE003, lr  }
0x1b: {  	s9 =	sadd.s32 $0xFFFFFEF7, lr;
	s5 =	simm.s32 $0xFFFFFFFF;
	p2 =	slt.u32 s8, $0xFFFFF086  }
0x1c: {  	p1 =	slt.u32 s9, $0xF7A;
	s5 =	simm.s32 @!p2 $0x0  }
0x1d: {  	s5 =	simm.s32 @p1 $0x1;
	p0 =	seq.s32 s7, s2  }
0x1e: {  	s7 =	smul.u32 @!p0 $0xF7A, s2;
	p2 =	seq.s32 @!p0 s5, $0x0  }
0x1f: {  	s9 =	smul.u32 $0xF7A, s1;
	s8 =	simm.s32 @!p0 $0x1BF5;
	p2 =	por !p2, p0  }
0x20: {  	[sflag:s8] =	ssyncset.s32 @!p0 $0xFFFFF086;
	s6 =	sadd.s32 @!p0 s3, s7;
	s7 =	simm.s32 @!p0 $0x108  }
0x21: {  	s3 =	sadd.s32 s3, s9;
	s6 =	sadd.s32 @!p0 $0x88, s6;
	s7 =	simm.s32 @p2 $0x1082  }
0x22: {  	[simem:s7], [sflag:s8] =	dma.local @!p0 [hbm:s6], $0xF7A  }
0x23: {  	s9 =	sor.u32 $0xD0000000, s2;
	s6 =	simm.s32 $0x108;
	_ =	swait.ge @!p0 [sflag:s8], $0x0  }
0x24: {  	s3 =	sadd.s32 $0x88, s3;
	s6 =	simm.s32 @!p1 $0x1082;
	[sflag:s4] =	ssyncset.s32 $0xFFFFF086  }
0x25: {  	[simem:s6], [sflag:s4] =	dma.local [hbm:s3], $0xF7A  }
0x26: {  	[smem:$0x3F9D] =	sst s1;
	(tag) =	ssettag s2;
	_ =	strace s9  }
0x27: {  	s1 =	sld [smem:$0x3FAD]  }
0x28: {  	s2 =	sld [smem:$0x3FAE]  }
0x29: {  	s4 =	sld [smem:$0x3FB0]  }
0x2a: {  	p0 =	seq.s32 s5, $0x0;
	s5 =	sld [smem:$0x3FB1]  }
0x2b: {  	s6 =	sld [smem:$0x3FB2]  }
0x2c: {  	s7 =	sld [smem:$0x3FB3]  }
0x2d: {  	s3 =	simm.s32 $0x108;
	s8 =	sld [smem:$0x3FB4]  }
0x2e: {  	s3 =	simm.s32 @!p0 $0x1082;
	s9 =	sld [smem:$0x3FB5]  }
0x2f: {  	lr =	sadd.s32 s0, s3;
	s0 =	sld [smem:$0x3FAC]  }
0x30: {  	s3 =	sld [smem:$0x3FAF]  }
0x31: {  	[smem:$0x3FB8] =	sst s10  }
0x32: {  	s10 =	sld [smem:$0x3FB6];
	_ =	sdelay $0x3  }
0x33: {  	p0 =	seq.s32 s10, $0x1;
	s10 =	sld [smem:$0x3FB8];
	_ =	sdelay $0x3  }
0x34: {  	[smem:$0x3FB8] =	sst s10  }
0x35: {  	s10 =	sld [smem:$0x3FB7];
	_ =	sdelay $0x3  }
0x36: {  	p1 =	seq.s32 s10, $0x1;
	s10 =	sld [smem:$0x3FB8];
	_ =	sdelay $0x3  }
0x37: {  	[smem:$0x3FB8] =	sst s10  }
0x38: {  	s10 =	sld [smem:$0x3FB9]  }
0x39: {  	_ = 	snop;
	(pc) =	sbr.ind lr, $3  }
0x3a: {  	_ = 	snop  }
0x3b: {  	_ = 	snop  }
0x3c: {  	p2 =	seq.s32 s10, $0x1;
	s10 =	sld [smem:$0x3FB8]  }
0x3d: {  	_ =	shalt  }
0x3e: {  	_ =	shalt  }
0x3f: {  	_ =	shalt  }
0x40: {  	_ =	shalt  }
0x41: {  	_ =	shalt  }
0x42: {  	_ =	shalt  }
0x43: {  	_ =	shalt  }
0x44: {  	_ =	shalt  }
0x45: {  	_ =	shalt  }
0x46: {  	_ =	shalt  }
0x47: {  	_ =	shalt  }
0x48: {  	_ =	shalt  }
0x49: {  	_ =	shalt  }
0x4a: {  	_ =	shalt  }
0x4b: {  	_ =	shalt  }
0x4c: {  	_ =	shalt  }
0x4d: {  	_ =	shalt  }
0x4e: {  	_ =	shalt  }
0x4f: {  	_ =	shalt  }
0x50: {  	_ =	shalt  }
0x51: {  	_ =	shalt  }
0x52: {  	_ =	shalt  }
0x53: {  	_ =	shalt  }
0x54: {  	_ =	shalt  }
0x55: {  	_ =	shalt  }
0x56: {  	_ =	shalt  }
0x57: {  	_ =	shalt  }
0x58: {  	_ =	shalt  }
0x59: {  	_ =	shalt  }
0x5a: {  	_ =	shalt  }
0x5b: {  	_ =	shalt  }
0x5c: {  	_ =	shalt  }
0x5d: {  	_ =	shalt  }
0x5e: {  	_ =	shalt  }
0x5f: {  	_ =	shalt  }
0x60: {  	_ =	shalt  }
0x61: {  	_ =	shalt  }
0x62: {  	_ =	shalt  }
0x63: {  	_ =	shalt  }
0x64: {  	_ =	shalt  }
0x65: {  	_ =	shalt  }
0x66: {  	_ =	shalt  }
0x67: {  	_ =	shalt  }
0x68: {  	_ =	shalt  }
0x69: {  	_ =	shalt  }
0x6a: {  	_ =	shalt  }
0x6b: {  	_ =	shalt  }
0x6c: {  	_ =	shalt  }
0x6d: {  	_ =	shalt  }
0x6e: {  	_ =	shalt  }
0x6f: {  	_ =	shalt  }
0x70: {  	_ =	shalt  }
0x71: {  	_ =	shalt  }
0x72: {  	_ =	shalt  }
0x73: {  	_ =	shalt  }
0x74: {  	_ =	shalt  }
0x75: {  	_ =	shalt  }
0x76: {  	_ =	shalt  }
0x77: {  	_ =	shalt  }
0x78: {  	_ =	shalt  }
0x79: {  	_ =	shalt  }
0x7a: {  	_ =	shalt  }
0x7b: {  	_ =	shalt  }
0x7c: {  	_ =	shalt  }
0x7d: {  	_ =	shalt  }
0x7e: {  	_ =	shalt  }
0x7f: {  	_ =	shalt  }
0x80: {  	_ =	shalt  }
0x81: {  	_ =	shalt  }
0x82: {  	_ =	shalt  }
0x83: {  	_ =	shalt  }
0x84: {  	_ =	shalt  }
0x85: {  	_ =	shalt  }
0x86: {  	_ =	shalt  }
0x87: {  	_ =	shalt  }
.Lfunc_end0:
.L_simem_size_0:
called_computation_lowered:
.L_overlay_start_0:
0x88: {  	s2 =	sld [smem:$0x3FD9]  }
0x89: {  	s3 =	sld [smem:$0x3FFE];
	_ =	sdelay $0x1  }
0x8a: {  	s1 =	srdreg.scid  }
0x8b: {  	s0 =	sand.u32 $0x1, s1  }
0x8c: {  	s17 =	sshll.u32 s0, $0xA;
	s2 =	sadd.s32 s3, s2  }
0x8d: {  	s2 =	sadd.s32 s2, s17  }
0x8e: {  	[smem:$0x3FC4] =	sst s2  }
0x8f: {  	_ = 	snop  }
0x90: {  	s2 =	sld [smem:$0x3FC9]  }
0x91: {  	s18 =	sld [smem:$0x3FC8];
	(tm) =	ssettm $0x1  }
0x92: {  	s4 =	sld [smem:$0x3FFB];
	_ =	sdelay $0x3  }
0x93: {  	_ =	strace s4  }
0x94: {  	s4 =	sld [smem:$0x3FFC];
	_ =	sdelay $0x3  }
0x95: {  	_ =	strace s4  }
0x96: {  	s4 =	sld [smem:$0x3FFD];
	_ =	sdelay $0x3  }
0x97: {  	_ =	strace s4  }
0x98: {  	_ =	strace $0x8FFFFFFF  }
0x99: {  	s19 =	sld [smem:$0x3FDB];
	_ =	sdelay $0x1  }
0x9a: {  	s5 =	simm.s32 $_scs_section_size  }
0x9b: {  	s6 =	simm.s32 $_size__tile_overlayer_lowered;
	s7 =	simm.s32 $_tile_overlayer_lowered  }
0x9c: {  	s22 =	simm.s32 $0x1BFF;
	s21 =	sshll.u32 s7, $0x1;
	s4 =	sadd.s32 s5, s19  }
0x9d: {  	s8 =	simm.s32 $0x0;
	s20 =	sshll.u32 s6, $0x1;
	s6 =	sadd.s32 s21, s4  }
0x9e: {  	[timem:s8], [sflag:s22] =	dma.local [hbm:s6], s20  }
0x9f: {  	_ =	swait.ge [sflag:s22], s20  }
0xa0: {  	s5 =	ssub.s32 $0x0, s20;
	[sflag:s22] =	ssyncset.done $0x0  }
0xa1: {  	[sflag:s22] =	ssyncadd.s32 s5;
	_ =	sdelay $0x1  }
0xa2: {  	s23 =	simm.s32 $0x1B8B  }
0xa3: {  	_ =	swait.ge [sflag:s23], $0x1  }
0xa4: {  	[sflag:s23] =	ssyncset.done $0x0  }
0xa5: {  	s25 =	simm.s32 $0x1B8E;
	s24 =	sld [smem:$0x3FFE];
	[sflag:s23] =	ssyncadd.s32 $0xFFFFFFFF  }
0xa6: {  	s26 =	simm.s32 $execute0_lowered;
	[smem:$0x3FD2] =	sst s25  }
0xa7: {  	s6 =	sshll.u32 s26, $0x1;
	_ =	strace $0x80000046;
	[dreg:$0x1] =	wrdreg $0xFFFFFFFF  }
0xa8: {  	s28 =	simm.s32 $_size_execute0_lowered;
	s4 =	sadd.s32 s4, s6;
	[dreg:$0x0] =	wrdreg $0x0  }
0xa9: {  	s6 =	sshll.u32 s28, $0x1;
	[dreg:$0x2] =	wrdreg s4  }
0xaa: {  	[dreg:$0x3] =	wrdreg s6  }
0xab: {  	[dreg:$0x4] =	wrdreg $0xC0  }
0xac: {  	_ =	task [dreg:s8], $0x5FFFF  }
0xad: {  	[dreg:$0x1] =	wrdreg $0xFFFFFFFF  }
0xae: {  	[dreg:$0x0] =	wrdreg $0x60  }
0xaf: {  	[dreg:$0x2] =	wrdreg s2  }
0xb0: {  	[dreg:$0x3] =	wrdreg s18  }
0xb1: {  	[dreg:$0x4] =	wrdreg s24  }
0xb2: {  	[dreg:$0x5] =	wrdreg $0x9  }
0xb3: {  	_ =	task.clear_ibuf [dreg:s8], $0x6FFFF;
	_ =	strace $0x90000046  }
0xb4: {  	s29 =	simm.s32 $0x9;
	_ =	strace $0x80000048  }
0xb5: {  	_ =	swait.ge [sflag:s29], $0x1  }
0xb6: {  	[sflag:s29] =	ssyncadd.s32 $0xFFFFFFFF  }
0xb7: {  	_ =	strace $0x90000048  }
0xb8: {  	_ =	sfence  }
0xb9: {  	s30 =	sld [smem:$0x0];
	_ =	sdelay $0x2  }
0xba: {  	s31 =	sshll.u32 s1, $0xD;
	s1 =	sshrl.u32 s1, $0x2  }
0xbb: {  	s3 =	sand.u32 $0x4000, s31;
	s1 =	sadd.s32 s1, s30  }
0xbc: {  	s0 =	sor.u32 s3, s0;
	s1 =	sshll.u32 s1, $0x11  }
0xbd: {  	s0 =	sor.u32 s1, s0  }
0xbe: {  	s0 =	sadd.s32 $0x8F2B, s0  }
0xbf: {  	[sflag:s0] =	ssyncadd.remote.s32 $0x1  }
0xc0: {  	_ =	sfence.sel $0xFFFF  }
0xc1: {  	[dreg:$0x0] =	wrdreg $0xFFFFFFFF;
	(pc) =	sbr.abs _section_cstart, $3  }
0xc2: {  	[dreg:$0x1] =	wrdreg $0xFFFFFFFF  }
0xc3: {  	_ =	task.clear_ibuf [dreg:s8], $0x2FFFF;
	_ =	strace $0x9FFFFFFF  }
0xc4: {  	(tm) =	ssettm $0x7FFFFFFF  }
0xc5: {  	_ =	shalt  }
tec
execute0_lowered:
.L_overlay_start_1:
0x0: {  	(tag) =	ssettag $0x1  }
0x1: {  	s0 =	rddreg [dreg:$0x0]  }
0x2: {  	s1 =	rddreg [dreg:$0x2]  }
0x3: {  	s2 =	srdreg.scid;
	s6 =	stileid.u32;
	s17 =	simm.s32 $0x0  }
0x4: {  	s2 =	sand.u32 $0x1, s2;
	s3 =	sshll.u32 s6, $0x1;
	[smem:$0x7FF] =	sst s17  }
0x5: {  	s29 =	sshll.u32 s6, $0xB;
	s3 =	sor.u32 s2, s3;
	_ =	strace $0x80000047  }
0x6: {  	s4 =	ssub.s32 $0x2, s2;
	s2 =	sshll.u32 s2, $0xA;
	s7 =	sshll.u32 s3, $0xA  }
0x7: {  	s5 =	sshll.u32 s3, $0x10;
	s31 =	sor.u32 s2, s29;
	[dreg:$0x4] =	wrdreg s7  }
0x8: {  	s5 =	sadd.s32 s0, s5;
	[dreg:$0xa] =	wrdreg s31  }
0x9: {  	s23 =	sshrl.u32 s4, $0x1;
	s26 =	sadd.s32 $0x1000, s5;
	[dreg:$0x5] =	wrdreg s5  }
0xa: {  	s24 =	sadd.s32 s7, s1;
	s28 =	sadd.s32 $0x2000, s5;
	[dreg:$0x6] =	wrdreg s26  }
.Ltmp0:
0xb: {  	s30 =	sadd.s32 $0x3000, s5;
	[dreg:$0x7] =	wrdreg s28;
	(pc) =	sbr.rel .LBB2_1-.Ltmp0, $4  }
0xc: {  	s25 =	ssub.s32 s4, s23;
	s0 =	sadd.s32 $0xC00, s24;
	[dreg:$0x8] =	wrdreg s30  }
0xd: {  	s1 =	smax.u32 s25, $0x1;
	[dreg:$0x9] =	wrdreg s0  }
0xe: {  	[dreg:$0xb] =	wrdreg s1;
	s0 =	sor.u32 $0x40, s31  }
0xf: {  	v0 =	vimm.f32 $0.0e+00;
	s3 =	simm.s32 $0x3;
	s1 =	simm.s32 $0x0;
	[dreg:$0xc] =	wrdreg s0  }
.LBB2_20:
0x10: {  	s0 =	rddreg [dreg:$0x9];
	s1 =	simm.s32 $0x10080;
	s3 =	simm.s32 $0x3  }
0x11: {  	[hbm4b:s0+s17] =	stream.linear.scatter [tilespmem:s1], [sflag:$0x3], $0x2000, $0x38;
	[tilespmem:$0x12080] =	vst v63  }
0x12: {  	_ =	swait.ge [sflag:s3], $0x2000  }
0x13: {  	s30 =	rddreg [dreg:$0xd]  }
0x14: {  	s31 =	rddreg [dreg:$0xb];
	s1 =	sadd.s32 $0x1, s30  }
0x15: {  	p0 =	sne.s32 s1, s31  }
.Ltmp1:
0x16: {  	_ = 	snop;
	(pc) =	sbr.rel @!p0 .LBB2_21-.Ltmp1, $3  }
0x17: {  	_ =	sdelay $0x1  }
0x18: {  	[sflag:s3] =	ssyncset.done $0x0  }
0x19: {  	[sflag:s3] =	ssyncadd.s32 $0xFFFFE000  }
.LBB2_1:
0x1a: {  	[dreg:$0xd] =	wrdreg s1  }
0x1b: {  	s0 =	rddreg [dreg:$0x1];
	s28 =	simm.s32 $0x10000;
	s29 =	simm.s32 $0x0  }
0x1c: {  	[tilespmem:s28], [sflag:$0x3] =	stream.linear.gather [hbm4b:s0+s17], $0x80, $0x38;
	[tilespmem:$0x12080] =	vst v63  }
0x1d: {  	s30 =	sand.u32 $0xC00, s17;
	s2 =	simm.s32 $0x0;
	s0 =	sand.u32 $0x1000, s29  }
0x1e: {  	s2 =	sand.u32 $0x380, s2;
	_ =	swait.ge [sflag:s3], $0x80;
	s0 =	sor.u32 s30, s0  }
0x1f: {  	s31 =	sand.u32 $0x70, s17;
	[sflag:s3] =	ssyncset.done $0x0;
	s0 =	sor.u32 s0, s2  }
0x20: {  	[sflag:s3] =	ssyncadd.s32 $0xFFFFFF80;
	s1 =	sor.u32 s31, s0  }
0x21: {  	s2 =	simm.s32 $0x0;
	s0 =	simm.s32 $0x1;
	v1 =	vld [tilespmem:$0x10000];
	[tilespmem:s1+$0x10080] =	vst v0;
	s1 =	simm.s32 $0x80  }
.LBB2_2:
0x22: {  	s3 =	sshll.u32 s0, $0x4;
	p0 =	sne.s32 s0, $0x1FF  }
0x23: {  	s4 =	smov.u32 s0;
	s0 =	sadd.s32 $0x1, s0;
	s5 =	sand.u32 $0xC00, s1  }
.Ltmp2:
0x24: {  	s3 =	sand.u32 $0x1000, s3;
	s4 =	sshll.u32 s4, $0x2;
	(pc) =	sbr.rel @p0 .LBB2_2-.Ltmp2, $4  }
0x25: {  	s2 =	sadd.s32 $0x10, s2;
	s4 =	sand.u32 $0x380, s4;
	s3 =	sor.u32 s5, s3  }
0x26: {  	s5 =	sand.u32 $0x70, s2;
	s3 =	sor.u32 s3, s4  }
0x27: {  	s3 =	sor.u32 s5, s3  }
0x28: {  	s1 =	sadd.s32 $0x80, s1;
	[tilespmem:s3+$0x10080] =	vst v0  }
0x29: {  	(v2sf) =	vpush v1, $0x0  }
0x2a: {  	(v2sf) =	vpush v1, $0x1;
	_ =	sdelay $0x1  }
0x2b: {  	(v2sf) =	vpush v1, $0x2  }
0x2c: {  	(v2sf) =	vpush v1, $0x3  }
0x2d: {  	(v2sf) =	vpush v1, $0x4  }
0x2e: {  	(v2sf) =	vpush v1, $0x5  }
0x2f: {  	(v2sf) =	vpush v1, $0x6  }
0x30: {  	(v2sf) =	vpush v1, $0x7  }
0x31: {  	(v2sf) =	vpush v1, $0x8  }
0x32: {  	(v2sf) =	vpush v1, $0x9  }
0x33: {  	(v2sf) =	vpush v1, $0xA  }
0x34: {  	(v2sf) =	vpush v1, $0xB  }
0x35: {  	s5 =	simm.s32 $0x0;
	s15 =	rddreg [dreg:$0x5];
	(v2sf) =	vpush v1, $0xC  }
0x36: {  	[tilespmem:s5], [sflag:$0x1] =	stream.linear.gather [hbm4b:s15+s5], $0x8000, $0x38;
	(v2sf) =	vpush v1, $0xD;
	[tilespmem:$0x12080] =	vst v63  }
0x37: {  	s20 =	spop (v2sf);
	(v2sf) =	vpush v1, $0xE  }
0x38: {  	s18 =	rddreg [dreg:$0x6];
	s4 =	simm.s32 $0x8000;
	s0 =	spop (v2sf);
	(v2sf) =	vpush v1, $0xF  }
0x39: {  	[tilespmem:s4], [sflag:$0x2] =	stream.linear.gather [hbm4b:s18+s5], $0x8000, $0x38;
	[tilespmem:$0x12080] =	vst v63  }
0x3a: {  	s21 =	sadd.s32 s0, s20;
	s6 =	spop (v2sf)  }
0x3b: {  	s1 =	spop (v2sf);
	s22 =	sadd.s32 s6, s21  }
0x3c: {  	s7 =	spop (v2sf);
	s23 =	sadd.s32 s1, s22  }
0x3d: {  	s8 =	spop (v2sf);
	s24 =	sadd.s32 s7, s23  }
0x3e: {  	s9 =	spop (v2sf);
	s25 =	sadd.s32 s8, s24  }
0x3f: {  	s10 =	spop (v2sf);
	s26 =	sadd.s32 s9, s25  }
0x40: {  	s11 =	spop (v2sf);
	s28 =	sadd.s32 s10, s26  }
0x41: {  	s12 =	spop (v2sf);
	s29 =	sadd.s32 s11, s28  }
0x42: {  	s13 =	spop (v2sf);
	s30 =	sadd.s32 s12, s29  }
0x43: {  	s14 =	spop (v2sf);
	s31 =	sadd.s32 s13, s30  }
0x44: {  	s2 =	spop (v2sf);
	s0 =	sadd.s32 s14, s31  }
0x45: {  	s3 =	spop (v2sf);
	s1 =	sadd.s32 s2, s0  }
0x46: {  	s13 =	sadd.s32 s3, s1;
	s16 =	spop (v2sf)  }
0x47: {  	s10 =	rddreg [dreg:$0xa];
	s18 =	sadd.s32 s16, s13;
	s19 =	spop (v2sf)  }
0x48: {  	s9 =	simm.s32 $0x0;
	s12 =	rddreg [dreg:$0xc];
	s6 =	sadd.s32 s19, s18  }
.LBB2_4:
0x49: {  	s2 =	sshll.u32 s9, $0x7;
	s3 =	rddreg [dreg:$0x4]  }
0x4a: {  	s11 =	sor.u32 s3, s2  }
0x4b: {  	s2 =	simm.s32 $0x1;
	p0 =	sle.s32 s20, s11  }
0x4c: {  	s3 =	simm.s32 $0x1;
	s2 =	simm.s32 @!p0 $0x0;
	p0 =	sle.s32 s21, s11  }
0x4d: {  	s4 =	simm.s32 $0x1;
	s3 =	simm.s32 @!p0 $0x0;
	p0 =	sle.s32 s22, s11  }
0x4e: {  	s5 =	simm.s32 $0x1;
	s2 =	sadd.s32 s3, s2;
	s4 =	simm.s32 @!p0 $0x0  }
0x4f: {  	p0 =	sle.s32 s23, s11;
	s3 =	simm.s32 $0x1;
	s2 =	sadd.s32 s4, s2  }
0x50: {  	s3 =	simm.s32 @!p0 $0x0;
	p0 =	sle.s32 s24, s11;
	s4 =	simm.s32 $0x1  }
0x51: {  	s7 =	simm.s32 $0x1;
	s2 =	sadd.s32 s3, s2;
	s4 =	simm.s32 @!p0 $0x0  }
0x52: {  	p0 =	sle.s32 s25, s11;
	s3 =	simm.s32 $0x1;
	s2 =	sadd.s32 s4, s2  }
0x53: {  	s3 =	simm.s32 @!p0 $0x0;
	p0 =	sle.s32 s26, s11;
	s4 =	simm.s32 $0x1  }
0x54: {  	s8 =	simm.s32 $0x1;
	s2 =	sadd.s32 s3, s2;
	s4 =	simm.s32 @!p0 $0x0  }
0x55: {  	p0 =	sle.s32 s28, s11;
	s3 =	simm.s32 $0x1;
	s2 =	sadd.s32 s4, s2  }
0x56: {  	s3 =	simm.s32 @!p0 $0x0;
	p0 =	sle.s32 s29, s11;
	s4 =	simm.s32 $0x1  }
0x57: {  	s16 =	sor.u32 $0x3F, s11;
	s2 =	sadd.s32 s3, s2;
	s4 =	simm.s32 @!p0 $0x0  }
0x58: {  	p0 =	sle.s32 s30, s11;
	s3 =	simm.s32 $0x1;
	s2 =	sadd.s32 s4, s2  }
0x59: {  	s3 =	simm.s32 @!p0 $0x0;
	p0 =	sle.s32 s31, s11;
	s4 =	simm.s32 $0x1  }
0x5a: {  	p1 =	sle.s32 s21, s16;
	s2 =	sadd.s32 s3, s2;
	s4 =	simm.s32 @!p0 $0x0  }
0x5b: {  	p0 =	sle.s32 s0, s11;
	s3 =	simm.s32 $0x1;
	s2 =	sadd.s32 s4, s2  }
0x5c: {  	s3 =	simm.s32 @!p0 $0x0;
	p0 =	sle.s32 s1, s11;
	s4 =	simm.s32 $0x1  }
0x5d: {  	s7 =	simm.s32 @!p1 $0x0;
	s3 =	sadd.s32 s3, s2;
	s4 =	simm.s32 @!p0 $0x0  }
0x5e: {  	p1 =	sle.s32 s23, s16;
	p0 =	sle.s32 s13, s11;
	s3 =	sadd.s32 s4, s3  }
0x5f: {  	s5 =	simm.s32 @!p0 $0x0;
	p0 =	sle.s32 s20, s16;
	s4 =	simm.s32 $0x1  }
0x60: {  	s2 =	simm.s32 $0x1;
	s3 =	sadd.s32 s5, s3;
	s4 =	simm.s32 @!p0 $0x0  }
0x61: {  	p0 =	sle.s32 s22, s16;
	s5 =	simm.s32 $0x1;
	s4 =	sadd.s32 s7, s4  }
0x62: {  	s5 =	simm.s32 @!p0 $0x0;
	s7 =	simm.s32 $0x1;
	p0 =	sle.s32 s18, s11  }
0x63: {  	s4 =	sadd.s32 s5, s4;
	s7 =	simm.s32 @!p1 $0x0;
	p1 =	sle.s32 s24, s16  }
0x64: {  	s5 =	simm.s32 $0x1;
	s8 =	simm.s32 @!p0 $0x0;
	s4 =	sadd.s32 s7, s4  }
0x65: {  	s5 =	simm.s32 @!p1 $0x0;
	p1 =	sle.s32 s25, s16;
	s7 =	simm.s32 $0x1  }
0x66: {  	p0 =	sle.s32 s29, s16;
	s4 =	sadd.s32 s5, s4;
	s7 =	simm.s32 @!p1 $0x0  }
0x67: {  	p1 =	sle.s32 s26, s16;
	s5 =	simm.s32 $0x1;
	s4 =	sadd.s32 s7, s4  }
0x68: {  	s5 =	simm.s32 @!p1 $0x0;
	p1 =	sle.s32 s28, s16;
	s7 =	simm.s32 $0x1  }
0x69: {  	s4 =	sadd.s32 s5, s4;
	s7 =	simm.s32 @!p1 $0x0;
	s5 =	simm.s32 $0x1  }
0x6a: {  	p1 =	sle.s32 s0, s16;
	s4 =	sadd.s32 s7, s4;
	s5 =	simm.s32 @!p0 $0x0  }
0x6b: {  	p0 =	sle.s32 s30, s16;
	s7 =	simm.s32 $0x1;
	s4 =	sadd.s32 s5, s4  }
0x6c: {  	s7 =	simm.s32 @!p0 $0x0;
	p0 =	sle.s32 s31, s16;
	s5 =	simm.s32 $0x1  }
0x6d: {  	s4 =	sadd.s32 s7, s4;
	s5 =	simm.s32 @!p0 $0x0;
	s7 =	simm.s32 $0x1  }
0x6e: {  	s3 =	sadd.s32 s8, s3;
	s4 =	sadd.s32 s5, s4;
	s7 =	simm.s32 @!p1 $0x0  }
0x6f: {  	p1 =	sle.s32 s1, s16;
	s5 =	simm.s32 $0x1;
	s4 =	sadd.s32 s7, s4  }
0x70: {  	s5 =	simm.s32 @!p1 $0x0;
	p1 =	sle.s32 s13, s16;
	s7 =	simm.s32 $0x1  }
0x71: {  	p0 =	sle.s32 s6, s11;
	s4 =	sadd.s32 s5, s4;
	s7 =	simm.s32 @!p1 $0x0  }
0x72: {  	p1 =	sle.s32 s18, s16;
	s4 =	sadd.s32 s7, s4;
	s7 =	simm.s32 $0x1  }
0x73: {  	s5 =	simm.s32 $0x1;
	s7 =	simm.s32 @!p1 $0x0;
	p1 =	sle.s32 s6, s16  }
0x74: {  	s5 =	simm.s32 @!p0 $0x0;
	s4 =	sadd.s32 s7, s4;
	s2 =	simm.s32 @!p1 $0x0  }
0x75: {  	s3 =	sadd.s32 s5, s3;
	s2 =	sadd.s32 s2, s4  }
0x76: {  	p0 =	sne.s32 s3, s2  }
.Ltmp3:
0x77: {  	_ = 	snop;
	(pc) =	sbr.rel @p0 .LBB2_8-.Ltmp3, $4  }
0x78: {  	s19 =	simm.s32 $0x1  }
0x79: {  	_ =	swait.ge [sflag:s19], $0x8000  }
0x7a: {  	[sflag:s19] =	ssyncset.done $0x0  }
0x7b: {  	[sflag:s19] =	ssyncadd.s32 $0xFFFF8000  }
0x7c: {  	s2 =	simm.s32 $0x0  }
0x7d: {  	s4 =	sand.u32 $0x7000, s2;
	s2 =	sand.u32 $0x380, s2  }
0x7e: {  	s2 =	sor.u32 s2, s4  }
0x7f: {  	v1 =	vld [tilespmem:s2+$0x0];
	_ =	sdelay $0x1  }
0x80: {  	s15 =	sshll.u32 s3, $0x9;
	s16 =	sshll.u32 s3, $0x7  }
0x81: {  	s3 =	sand.u32 $0x380, s16;
	s4 =	sand.u32 $0x7FFFF000, s15  }
0x82: {  	s5 =	sor.u32 s3, s4  }
0x83: {  	[tilespmem:s5+$0x10080] =	vst.add.f32.msk $0xffff, v1  }
0x84: {  	v1 =	vld [tilespmem:s2+$0x10];
	_ =	sdelay $0x4  }
0x85: {  	[tilespmem:s5+$0x10090] =	vst.add.f32.msk $0xffff, v1  }
0x86: {  	v1 =	vld [tilespmem:s2+$0x20];
	_ =	sdelay $0x4  }
0x87: {  	[tilespmem:s5+$0x100A0] =	vst.add.f32.msk $0xffff, v1  }
0x88: {  	v1 =	vld [tilespmem:s2+$0x30];
	_ =	sdelay $0x4  }
0x89: {  	[tilespmem:s5+$0x100B0] =	vst.add.f32.msk $0xffff, v1  }
0x8a: {  	v1 =	vld [tilespmem:s2+$0x40];
	_ =	sdelay $0x4  }
0x8b: {  	[tilespmem:s5+$0x100C0] =	vst.add.f32.msk $0xffff, v1  }
0x8c: {  	v1 =	vld [tilespmem:s2+$0x50];
	_ =	sdelay $0x4  }
0x8d: {  	[tilespmem:s5+$0x100D0] =	vst.add.f32.msk $0xffff, v1  }
0x8e: {  	v1 =	vld [tilespmem:s2+$0x60];
	_ =	sdelay $0x4  }
0x8f: {  	[tilespmem:s5+$0x100E0] =	vst.add.f32.msk $0xffff, v1  }
0x90: {  	v1 =	vld [tilespmem:s2+$0x70];
	_ =	sdelay $0x4  }
0x91: {  	[tilespmem:s5+$0x100F0] =	vst.add.f32.msk $0xffff, v1  }
0x92: {  	v1 =	vld [tilespmem:s2+$0x400];
	_ =	sdelay $0x4  }
0x93: {  	[tilespmem:s5+$0x10480] =	vst.add.f32.msk $0xffff, v1  }
0x94: {  	v1 =	vld [tilespmem:s2+$0x410];
	_ =	sdelay $0x4  }
0x95: {  	[tilespmem:s5+$0x10490] =	vst.add.f32.msk $0xffff, v1  }
0x96: {  	v1 =	vld [tilespmem:s2+$0x420];
	_ =	sdelay $0x4  }
0x97: {  	[tilespmem:s5+$0x104A0] =	vst.add.f32.msk $0xffff, v1  }
0x98: {  	v1 =	vld [tilespmem:s2+$0x430];
	_ =	sdelay $0x4  }
0x99: {  	[tilespmem:s5+$0x104B0] =	vst.add.f32.msk $0xffff, v1  }
0x9a: {  	v1 =	vld [tilespmem:s2+$0x440];
	_ =	sdelay $0x4  }
0x9b: {  	[tilespmem:s5+$0x104C0] =	vst.add.f32.msk $0xffff, v1  }
0x9c: {  	v1 =	vld [tilespmem:s2+$0x450];
	_ =	sdelay $0x4  }
0x9d: {  	[tilespmem:s5+$0x104D0] =	vst.add.f32.msk $0xffff, v1  }
0x9e: {  	v1 =	vld [tilespmem:s2+$0x460];
	_ =	sdelay $0x4  }
0x9f: {  	[tilespmem:s5+$0x104E0] =	vst.add.f32.msk $0xffff, v1  }
0xa0: {  	v1 =	vld [tilespmem:s2+$0x470];
	_ =	sdelay $0x4  }
0xa1: {  	[tilespmem:s5+$0x104F0] =	vst.add.f32.msk $0xffff, v1  }
0xa2: {  	v1 =	vld [tilespmem:s2+$0x800];
	_ =	sdelay $0x4  }
0xa3: {  	[tilespmem:s5+$0x10880] =	vst.add.f32.msk $0xffff, v1  }
0xa4: {  	v1 =	vld [tilespmem:s2+$0x810];
	_ =	sdelay $0x4  }
0xa5: {  	[tilespmem:s5+$0x10890] =	vst.add.f32.msk $0xffff, v1  }
0xa6: {  	v1 =	vld [tilespmem:s2+$0x820];
	_ =	sdelay $0x4  }
0xa7: {  	[tilespmem:s5+$0x108A0] =	vst.add.f32.msk $0xffff, v1  }
0xa8: {  	v1 =	vld [tilespmem:s2+$0x830];
	_ =	sdelay $0x4  }
0xa9: {  	[tilespmem:s5+$0x108B0] =	vst.add.f32.msk $0xffff, v1  }
0xaa: {  	v1 =	vld [tilespmem:s2+$0x840];
	_ =	sdelay $0x4  }
0xab: {  	[tilespmem:s5+$0x108C0] =	vst.add.f32.msk $0xffff, v1  }
0xac: {  	v1 =	vld [tilespmem:s2+$0x850];
	_ =	sdelay $0x4  }
0xad: {  	[tilespmem:s5+$0x108D0] =	vst.add.f32.msk $0xffff, v1  }
0xae: {  	v1 =	vld [tilespmem:s2+$0x860];
	_ =	sdelay $0x4  }
0xaf: {  	[tilespmem:s5+$0x108E0] =	vst.add.f32.msk $0xffff, v1  }
0xb0: {  	v1 =	vld [tilespmem:s2+$0x870];
	_ =	sdelay $0x4  }
0xb1: {  	[tilespmem:s5+$0x108F0] =	vst.add.f32.msk $0xffff, v1  }
0xb2: {  	v1 =	vld [tilespmem:s2+$0xC00];
	_ =	sdelay $0x4  }
0xb3: {  	[tilespmem:s5+$0x10C80] =	vst.add.f32.msk $0xffff, v1  }
0xb4: {  	v1 =	vld [tilespmem:s2+$0xC10];
	_ =	sdelay $0x4  }
0xb5: {  	[tilespmem:s5+$0x10C90] =	vst.add.f32.msk $0xffff, v1  }
0xb6: {  	v1 =	vld [tilespmem:s2+$0xC20];
	_ =	sdelay $0x4  }
0xb7: {  	[tilespmem:s5+$0x10CA0] =	vst.add.f32.msk $0xffff, v1  }
0xb8: {  	v1 =	vld [tilespmem:s2+$0xC30];
	_ =	sdelay $0x4  }
0xb9: {  	[tilespmem:s5+$0x10CB0] =	vst.add.f32.msk $0xffff, v1  }
0xba: {  	v1 =	vld [tilespmem:s2+$0xC40];
	_ =	sdelay $0x4  }
0xbb: {  	[tilespmem:s5+$0x10CC0] =	vst.add.f32.msk $0xffff, v1  }
0xbc: {  	v1 =	vld [tilespmem:s2+$0xC50];
	_ =	sdelay $0x4  }
0xbd: {  	[tilespmem:s5+$0x10CD0] =	vst.add.f32.msk $0xffff, v1  }
0xbe: {  	v1 =	vld [tilespmem:s2+$0xC60];
	_ =	sdelay $0x4  }
0xbf: {  	[tilespmem:s5+$0x10CE0] =	vst.add.f32.msk $0xffff, v1  }
0xc0: {  	v1 =	vld [tilespmem:s2+$0xC70];
	_ =	sdelay $0x2  }
0xc1: {  	s19 =	simm.s32 $0x200;
	s3 =	simm.s32 $0x80  }
0xc2: {  	s4 =	sand.u32 $0x7000, s19;
	s7 =	sand.u32 $0x380, s3;
	s2 =	simm.s32 $0x400  }
.LBB2_6:
0xc3: {  	p0 =	seq.s32 s2, $0x7E00;
	s14 =	sor.u32 s7, s4;
	[tilespmem:s5+$0x10CF0] =	vst.add.f32.msk $0xffff, v1  }
0xc4: {  	v1 =	vld [tilespmem:s14+$0x0];
	_ =	sdelay $0x4  }
0xc5: {  	[tilespmem:s5+$0x10080] =	vst.add.f32.msk $0xffff, v1  }
0xc6: {  	v1 =	vld [tilespmem:s14+$0x10];
	_ =	sdelay $0x4  }
0xc7: {  	[tilespmem:s5+$0x10090] =	vst.add.f32.msk $0xffff, v1  }
0xc8: {  	v1 =	vld [tilespmem:s14+$0x20];
	_ =	sdelay $0x4  }
0xc9: {  	[tilespmem:s5+$0x100A0] =	vst.add.f32.msk $0xffff, v1  }
0xca: {  	v1 =	vld [tilespmem:s14+$0x30];
	_ =	sdelay $0x4  }
0xcb: {  	[tilespmem:s5+$0x100B0] =	vst.add.f32.msk $0xffff, v1  }
0xcc: {  	v1 =	vld [tilespmem:s14+$0x40];
	_ =	sdelay $0x4  }
0xcd: {  	[tilespmem:s5+$0x100C0] =	vst.add.f32.msk $0xffff, v1  }
0xce: {  	v1 =	vld [tilespmem:s14+$0x50];
	_ =	sdelay $0x4  }
0xcf: {  	[tilespmem:s5+$0x100D0] =	vst.add.f32.msk $0xffff, v1  }
0xd0: {  	v1 =	vld [tilespmem:s14+$0x60];
	_ =	sdelay $0x4  }
0xd1: {  	[tilespmem:s5+$0x100E0] =	vst.add.f32.msk $0xffff, v1  }
0xd2: {  	v1 =	vld [tilespmem:s14+$0x70];
	_ =	sdelay $0x4  }
0xd3: {  	[tilespmem:s5+$0x100F0] =	vst.add.f32.msk $0xffff, v1  }
0xd4: {  	v1 =	vld [tilespmem:s14+$0x400];
	_ =	sdelay $0x4  }
0xd5: {  	[tilespmem:s5+$0x10480] =	vst.add.f32.msk $0xffff, v1  }
0xd6: {  	v1 =	vld [tilespmem:s14+$0x410];
	_ =	sdelay $0x4  }
0xd7: {  	[tilespmem:s5+$0x10490] =	vst.add.f32.msk $0xffff, v1  }
0xd8: {  	v1 =	vld [tilespmem:s14+$0x420];
	_ =	sdelay $0x4  }
0xd9: {  	[tilespmem:s5+$0x104A0] =	vst.add.f32.msk $0xffff, v1  }
0xda: {  	v1 =	vld [tilespmem:s14+$0x430];
	_ =	sdelay $0x4  }
0xdb: {  	[tilespmem:s5+$0x104B0] =	vst.add.f32.msk $0xffff, v1  }
0xdc: {  	v1 =	vld [tilespmem:s14+$0x440];
	_ =	sdelay $0x4  }
0xdd: {  	[tilespmem:s5+$0x104C0] =	vst.add.f32.msk $0xffff, v1  }
0xde: {  	v1 =	vld [tilespmem:s14+$0x450];
	_ =	sdelay $0x4  }
0xdf: {  	[tilespmem:s5+$0x104D0] =	vst.add.f32.msk $0xffff, v1  }
0xe0: {  	v1 =	vld [tilespmem:s14+$0x460];
	_ =	sdelay $0x4  }
0xe1: {  	[tilespmem:s5+$0x104E0] =	vst.add.f32.msk $0xffff, v1  }
0xe2: {  	v1 =	vld [tilespmem:s14+$0x470];
	_ =	sdelay $0x4  }
0xe3: {  	[tilespmem:s5+$0x104F0] =	vst.add.f32.msk $0xffff, v1  }
0xe4: {  	v1 =	vld [tilespmem:s14+$0x800];
	_ =	sdelay $0x4  }
0xe5: {  	[tilespmem:s5+$0x10880] =	vst.add.f32.msk $0xffff, v1  }
0xe6: {  	v1 =	vld [tilespmem:s14+$0x810];
	_ =	sdelay $0x4  }
0xe7: {  	[tilespmem:s5+$0x10890] =	vst.add.f32.msk $0xffff, v1  }
0xe8: {  	v1 =	vld [tilespmem:s14+$0x820];
	_ =	sdelay $0x4  }
0xe9: {  	[tilespmem:s5+$0x108A0] =	vst.add.f32.msk $0xffff, v1  }
0xea: {  	v1 =	vld [tilespmem:s14+$0x830];
	_ =	sdelay $0x4  }
0xeb: {  	[tilespmem:s5+$0x108B0] =	vst.add.f32.msk $0xffff, v1  }
0xec: {  	v1 =	vld [tilespmem:s14+$0x840];
	_ =	sdelay $0x4  }
0xed: {  	[tilespmem:s5+$0x108C0] =	vst.add.f32.msk $0xffff, v1  }
0xee: {  	v1 =	vld [tilespmem:s14+$0x850];
	_ =	sdelay $0x4  }
0xef: {  	[tilespmem:s5+$0x108D0] =	vst.add.f32.msk $0xffff, v1  }
0xf0: {  	v1 =	vld [tilespmem:s14+$0x860];
	_ =	sdelay $0x4  }
0xf1: {  	[tilespmem:s5+$0x108E0] =	vst.add.f32.msk $0xffff, v1  }
0xf2: {  	v1 =	vld [tilespmem:s14+$0x870];
	_ =	sdelay $0x4  }
0xf3: {  	[tilespmem:s5+$0x108F0] =	vst.add.f32.msk $0xffff, v1  }
0xf4: {  	v1 =	vld [tilespmem:s14+$0xC00];
	_ =	sdelay $0x4  }
0xf5: {  	[tilespmem:s5+$0x10C80] =	vst.add.f32.msk $0xffff, v1  }
0xf6: {  	v1 =	vld [tilespmem:s14+$0xC10];
	_ =	sdelay $0x4  }
0xf7: {  	[tilespmem:s5+$0x10C90] =	vst.add.f32.msk $0xffff, v1  }
0xf8: {  	v1 =	vld [tilespmem:s14+$0xC20];
	_ =	sdelay $0x4  }
0xf9: {  	[tilespmem:s5+$0x10CA0] =	vst.add.f32.msk $0xffff, v1  }
0xfa: {  	v1 =	vld [tilespmem:s14+$0xC30];
	_ =	sdelay $0x4  }
0xfb: {  	[tilespmem:s5+$0x10CB0] =	vst.add.f32.msk $0xffff, v1  }
0xfc: {  	v1 =	vld [tilespmem:s14+$0xC40];
	_ =	sdelay $0x4  }
0xfd: {  	[tilespmem:s5+$0x10CC0] =	vst.add.f32.msk $0xffff, v1  }
0xfe: {  	v1 =	vld [tilespmem:s14+$0xC50];
	_ =	sdelay $0x4  }
0xff: {  	[tilespmem:s5+$0x10CD0] =	vst.add.f32.msk $0xffff, v1  }
0x100: {  	v1 =	vld [tilespmem:s14+$0xC60];
	_ =	sdelay $0x4  }
0x101: {  	[tilespmem:s5+$0x10CE0] =	vst.add.f32.msk $0xffff, v1  }
.Ltmp4:
0x102: {  	v1 =	vld [tilespmem:s14+$0xC70];
	(pc) =	sbr.rel @!p0 .LBB2_6-.Ltmp4, $3  }
0x103: {  	_ =	sdelay $0x1  }
0x104: {  	s3 =	sadd.s32 $0x80, s3  }
0x105: {  	s4 =	sand.u32 $0x7000, s2;
	s2 =	sadd.s32 $0x200, s2;
	s7 =	sand.u32 $0x380, s3  }
0x106: {  	s2 =	sor.u32 s7, s4;
	[tilespmem:s5+$0x10CF0] =	vst.add.f32.msk $0xffff, v1  }
0x107: {  	v1 =	vld [tilespmem:s2+$0x0];
	_ =	sdelay $0x4  }
0x108: {  	[tilespmem:s5+$0x10080] =	vst.add.f32.msk $0xffff, v1  }
0x109: {  	v1 =	vld [tilespmem:s2+$0x10];
	_ =	sdelay $0x4  }
0x10a: {  	[tilespmem:s5+$0x10090] =	vst.add.f32.msk $0xffff, v1  }
0x10b: {  	v1 =	vld [tilespmem:s2+$0x20];
	_ =	sdelay $0x4  }
0x10c: {  	[tilespmem:s5+$0x100A0] =	vst.add.f32.msk $0xffff, v1  }
0x10d: {  	v1 =	vld [tilespmem:s2+$0x30];
	_ =	sdelay $0x4  }
0x10e: {  	[tilespmem:s5+$0x100B0] =	vst.add.f32.msk $0xffff, v1  }
0x10f: {  	v1 =	vld [tilespmem:s2+$0x40];
	_ =	sdelay $0x4  }
0x110: {  	[tilespmem:s5+$0x100C0] =	vst.add.f32.msk $0xffff, v1  }
0x111: {  	v1 =	vld [tilespmem:s2+$0x50];
	_ =	sdelay $0x4  }
0x112: {  	[tilespmem:s5+$0x100D0] =	vst.add.f32.msk $0xffff, v1  }
0x113: {  	v1 =	vld [tilespmem:s2+$0x60];
	_ =	sdelay $0x4  }
0x114: {  	[tilespmem:s5+$0x100E0] =	vst.add.f32.msk $0xffff, v1  }
0x115: {  	v1 =	vld [tilespmem:s2+$0x70];
	_ =	sdelay $0x4  }
0x116: {  	[tilespmem:s5+$0x100F0] =	vst.add.f32.msk $0xffff, v1  }
0x117: {  	v1 =	vld [tilespmem:s2+$0x400];
	_ =	sdelay $0x4  }
0x118: {  	[tilespmem:s5+$0x10480] =	vst.add.f32.msk $0xffff, v1  }
0x119: {  	v1 =	vld [tilespmem:s2+$0x410];
	_ =	sdelay $0x4  }
0x11a: {  	[tilespmem:s5+$0x10490] =	vst.add.f32.msk $0xffff, v1  }
0x11b: {  	v1 =	vld [tilespmem:s2+$0x420];
	_ =	sdelay $0x4  }
0x11c: {  	[tilespmem:s5+$0x104A0] =	vst.add.f32.msk $0xffff, v1  }
0x11d: {  	v1 =	vld [tilespmem:s2+$0x430];
	_ =	sdelay $0x4  }
0x11e: {  	[tilespmem:s5+$0x104B0] =	vst.add.f32.msk $0xffff, v1  }
0x11f: {  	v1 =	vld [tilespmem:s2+$0x440];
	_ =	sdelay $0x4  }
0x120: {  	[tilespmem:s5+$0x104C0] =	vst.add.f32.msk $0xffff, v1  }
0x121: {  	v1 =	vld [tilespmem:s2+$0x450];
	_ =	sdelay $0x4  }
0x122: {  	[tilespmem:s5+$0x104D0] =	vst.add.f32.msk $0xffff, v1  }
0x123: {  	v1 =	vld [tilespmem:s2+$0x460];
	_ =	sdelay $0x4  }
0x124: {  	[tilespmem:s5+$0x104E0] =	vst.add.f32.msk $0xffff, v1  }
0x125: {  	v1 =	vld [tilespmem:s2+$0x470];
	_ =	sdelay $0x4  }
0x126: {  	[tilespmem:s5+$0x104F0] =	vst.add.f32.msk $0xffff, v1  }
0x127: {  	v1 =	vld [tilespmem:s2+$0x800];
	_ =	sdelay $0x4  }
0x128: {  	[tilespmem:s5+$0x10880] =	vst.add.f32.msk $0xffff, v1  }
0x129: {  	v1 =	vld [tilespmem:s2+$0x810];
	_ =	sdelay $0x4  }
0x12a: {  	[tilespmem:s5+$0x10890] =	vst.add.f32.msk $0xffff, v1  }
0x12b: {  	v1 =	vld [tilespmem:s2+$0x820];
	_ =	sdelay $0x4  }
0x12c: {  	[tilespmem:s5+$0x108A0] =	vst.add.f32.msk $0xffff, v1  }
0x12d: {  	v1 =	vld [tilespmem:s2+$0x830];
	_ =	sdelay $0x4  }
0x12e: {  	[tilespmem:s5+$0x108B0] =	vst.add.f32.msk $0xffff, v1  }
0x12f: {  	v1 =	vld [tilespmem:s2+$0x840];
	_ =	sdelay $0x4  }
0x130: {  	[tilespmem:s5+$0x108C0] =	vst.add.f32.msk $0xffff, v1  }
0x131: {  	v1 =	vld [tilespmem:s2+$0x850];
	_ =	sdelay $0x4  }
0x132: {  	[tilespmem:s5+$0x108D0] =	vst.add.f32.msk $0xffff, v1  }
0x133: {  	v1 =	vld [tilespmem:s2+$0x860];
	_ =	sdelay $0x4  }
0x134: {  	[tilespmem:s5+$0x108E0] =	vst.add.f32.msk $0xffff, v1  }
0x135: {  	v1 =	vld [tilespmem:s2+$0x870];
	_ =	sdelay $0x4  }
0x136: {  	[tilespmem:s5+$0x108F0] =	vst.add.f32.msk $0xffff, v1  }
0x137: {  	v1 =	vld [tilespmem:s2+$0xC00];
	_ =	sdelay $0x4  }
0x138: {  	[tilespmem:s5+$0x10C80] =	vst.add.f32.msk $0xffff, v1  }
0x139: {  	v1 =	vld [tilespmem:s2+$0xC10];
	_ =	sdelay $0x4  }
0x13a: {  	[tilespmem:s5+$0x10C90] =	vst.add.f32.msk $0xffff, v1  }
0x13b: {  	v1 =	vld [tilespmem:s2+$0xC20];
	_ =	sdelay $0x4  }
0x13c: {  	[tilespmem:s5+$0x10CA0] =	vst.add.f32.msk $0xffff, v1  }
0x13d: {  	v1 =	vld [tilespmem:s2+$0xC30];
	_ =	sdelay $0x4  }
0x13e: {  	[tilespmem:s5+$0x10CB0] =	vst.add.f32.msk $0xffff, v1  }
0x13f: {  	v1 =	vld [tilespmem:s2+$0xC40];
	_ =	sdelay $0x4  }
0x140: {  	[tilespmem:s5+$0x10CC0] =	vst.add.f32.msk $0xffff, v1  }
0x141: {  	v1 =	vld [tilespmem:s2+$0xC50];
	_ =	sdelay $0x4  }
0x142: {  	[tilespmem:s5+$0x10CD0] =	vst.add.f32.msk $0xffff, v1  }
0x143: {  	v1 =	vld [tilespmem:s2+$0xC60];
	_ =	sdelay $0x4  }
0x144: {  	[tilespmem:s5+$0x10CE0] =	vst.add.f32.msk $0xffff, v1  }
0x145: {  	v1 =	vld [tilespmem:s2+$0xC70]  }
.Ltmp5:
0x146: {  	_ = 	snop;
	(pc) =	sbr.rel .LBB2_11-.Ltmp5, $2  }
0x147: {  	_ =	sdelay $0x2  }
0x148: {  	[tilespmem:s5+$0x10CF0] =	vst.add.f32.msk $0xffff, v1  }
.LBB2_8:
0x149: {  	p0 =	sle.s32 s20, s10  }
0x14a: {  	p1 =	sle.s32 s21, s10;
	s2 =	simm.s32 $0x1;
	s3 =	simm.s32 $0x1  }
0x14b: {  	s2 =	simm.s32 @!p0 $0x0;
	s3 =	simm.s32 @!p1 $0x0  }
0x14c: {  	p0 =	sle.s32 s22, s10;
	s2 =	sadd.s32 s3, s2;
	s3 =	simm.s32 $0x1  }
0x14d: {  	s3 =	simm.s32 @!p0 $0x0  }
0x14e: {  	s4 =	simm.s32 $0x1;
	p0 =	sle.s32 s23, s10;
	s2 =	sadd.s32 s3, s2  }
0x14f: {  	s4 =	simm.s32 @!p0 $0x0;
	p0 =	sle.s32 s24, s10;
	s3 =	simm.s32 $0x1  }
0x150: {  	s7 =	simm.s32 $0x0;
	s2 =	sadd.s32 s4, s2;
	s3 =	simm.s32 @!p0 $0x0  }
0x151: {  	p0 =	sle.s32 s25, s10;
	s4 =	simm.s32 $0x1;
	s2 =	sadd.s32 s3, s2  }
0x152: {  	s4 =	simm.s32 @!p0 $0x0;
	p0 =	sle.s32 s26, s10;
	s3 =	simm.s32 $0x1  }
0x153: {  	p1 =	sle.s32 s30, s10;
	s2 =	sadd.s32 s4, s2;
	s3 =	simm.s32 @!p0 $0x0  }
0x154: {  	p0 =	sle.s32 s28, s10;
	s4 =	simm.s32 $0x1;
	s2 =	sadd.s32 s3, s2  }
0x155: {  	s4 =	simm.s32 @!p0 $0x0;
	p0 =	sle.s32 s29, s10;
	s3 =	simm.s32 $0x1  }
0x156: {  	s2 =	sadd.s32 s4, s2;
	s3 =	simm.s32 @!p0 $0x0;
	s4 =	simm.s32 $0x1  }
0x157: {  	s5 =	sand.u32 $0x7000, s7;
	s2 =	sadd.s32 s3, s2;
	s4 =	simm.s32 @!p1 $0x0  }
0x158: {  	p1 =	sle.s32 s31, s10;
	s3 =	simm.s32 $0x1;
	s2 =	sadd.s32 s4, s2  }
0x159: {  	s3 =	simm.s32 @!p1 $0x0;
	p1 =	sle.s32 s0, s10;
	s4 =	simm.s32 $0x1  }
0x15a: {  	s7 =	sand.u32 $0x380, s7;
	s2 =	sadd.s32 s3, s2;
	s4 =	simm.s32 @!p1 $0x0  }
0x15b: {  	p1 =	sle.s32 s1, s10;
	s3 =	simm.s32 $0x1;
	s2 =	sadd.s32 s4, s2  }
0x15c: {  	s3 =	simm.s32 @!p1 $0x0;
	p1 =	sle.s32 s13, s10;
	s4 =	simm.s32 $0x1  }
0x15d: {  	p0 =	sle.s32 s6, s10;
	s2 =	sadd.s32 s3, s2;
	s4 =	simm.s32 @!p1 $0x0  }
0x15e: {  	p1 =	sle.s32 s18, s10;
	s3 =	sadd.s32 s4, s2;
	s4 =	simm.s32 $0x1  }
0x15f: {  	s2 =	sor.u32 s7, s5;
	s5 =	simm.s32 $0x1;
	s4 =	simm.s32 @!p1 $0x0  }
0x160: {  	s5 =	simm.s32 @!p0 $0x0;
	v1 =	vld [tilespmem:s2+$0x0];
	s3 =	sadd.s32 s4, s3  }
0x161: {  	s3 =	sadd.s32 s5, s3  }
0x162: {  	s19 =	sshll.u32 s3, $0x9;
	s3 =	sshll.u32 s3, $0x7  }
0x163: {  	s4 =	sand.u32 $0x7FFFF000, s19;
	s3 =	sand.u32 $0x380, s3  }
0x164: {  	s3 =	sor.u32 s3, s4  }
0x165: {  	[tilespmem:s3+$0x10080] =	vst.add.f32.msk $0xffff, v1  }
0x166: {  	v1 =	vld [tilespmem:s2+$0x10];
	_ =	sdelay $0x2  }
0x167: {  	s5 =	sadd.s32 $0x10080, s3  }
0x168: {  	s3 =	sor.u32 $0x10, s5  }
0x169: {  	[tilespmem:s3+$0x0] =	vst.add.f32.msk $0xffff, v1  }
0x16a: {  	v1 =	vld [tilespmem:s2+$0x20];
	_ =	sdelay $0x3  }
0x16b: {  	s4 =	sor.u32 $0x20, s5  }
0x16c: {  	[tilespmem:s4+$0x0] =	vst.add.f32.msk $0xffff, v1  }
0x16d: {  	v1 =	vld [tilespmem:s2+$0x30];
	_ =	sdelay $0x3  }
0x16e: {  	s7 =	sor.u32 $0x30, s5  }
0x16f: {  	[tilespmem:s7+$0x0] =	vst.add.f32.msk $0xffff, v1  }
0x170: {  	v1 =	vld [tilespmem:s2+$0x40];
	_ =	sdelay $0x3  }
0x171: {  	s8 =	sor.u32 $0x40, s5  }
0x172: {  	[tilespmem:s8+$0x0] =	vst.add.f32.msk $0xffff, v1  }
0x173: {  	v1 =	vld [tilespmem:s2+$0x50];
	_ =	sdelay $0x3  }
0x174: {  	s14 =	sor.u32 $0x50, s5  }
0x175: {  	[tilespmem:s14+$0x0] =	vst.add.f32.msk $0xffff, v1  }
0x176: {  	v1 =	vld [tilespmem:s2+$0x60];
	_ =	sdelay $0x3  }
0x177: {  	s15 =	sor.u32 $0x60, s5  }
0x178: {  	[tilespmem:s15+$0x0] =	vst.add.f32.msk $0xffff, v1  }
0x179: {  	v1 =	vld [tilespmem:s2+$0x70];
	_ =	sdelay $0x3  }
0x17a: {  	s16 =	sor.u32 $0x70, s5  }
0x17b: {  	[tilespmem:s16+$0x0] =	vst.add.f32.msk $0xffff, v1  }
0x17c: {  	v1 =	vld [tilespmem:s2+$0x400];
	_ =	sdelay $0x4  }
0x17d: {  	[tilespmem:s5+$0x400] =	vst.add.f32.msk $0xffff, v1  }
0x17e: {  	v1 =	vld [tilespmem:s2+$0x410];
	_ =	sdelay $0x4  }
0x17f: {  	[tilespmem:s5+$0x410] =	vst.add.f32.msk $0xffff, v1  }
0x180: {  	v1 =	vld [tilespmem:s2+$0x420];
	_ =	sdelay $0x4  }
0x181: {  	[tilespmem:s5+$0x420] =	vst.add.f32.msk $0xffff, v1  }
0x182: {  	v1 =	vld [tilespmem:s2+$0x430];
	_ =	sdelay $0x4  }
0x183: {  	[tilespmem:s5+$0x430] =	vst.add.f32.msk $0xffff, v1  }
0x184: {  	v1 =	vld [tilespmem:s2+$0x440];
	_ =	sdelay $0x4  }
0x185: {  	[tilespmem:s5+$0x440] =	vst.add.f32.msk $0xffff, v1  }
0x186: {  	v1 =	vld [tilespmem:s2+$0x450];
	_ =	sdelay $0x4  }
0x187: {  	[tilespmem:s5+$0x450] =	vst.add.f32.msk $0xffff, v1  }
0x188: {  	v1 =	vld [tilespmem:s2+$0x460];
	_ =	sdelay $0x4  }
0x189: {  	[tilespmem:s5+$0x460] =	vst.add.f32.msk $0xffff, v1  }
0x18a: {  	v1 =	vld [tilespmem:s2+$0x470];
	_ =	sdelay $0x4  }
0x18b: {  	[tilespmem:s5+$0x470] =	vst.add.f32.msk $0xffff, v1  }
0x18c: {  	v1 =	vld [tilespmem:s2+$0x800];
	_ =	sdelay $0x3  }
0x18d: {  	s19 =	sor.u32 $0x800, s5  }
0x18e: {  	[tilespmem:s19+$0x0] =	vst.add.f32.msk $0xffff, v1  }
0x18f: {  	v1 =	vld [tilespmem:s2+$0x810];
	_ =	sdelay $0x3  }
0x190: {  	s4 =	sor.u32 $0x810, s5  }
0x191: {  	[tilespmem:s4+$0x0] =	vst.add.f32.msk $0xffff, v1  }
0x192: {  	v1 =	vld [tilespmem:s2+$0x820];
	_ =	sdelay $0x3  }
0x193: {  	s7 =	sor.u32 $0x820, s5  }
0x194: {  	[tilespmem:s7+$0x0] =	vst.add.f32.msk $0xffff, v1  }
0x195: {  	v1 =	vld [tilespmem:s2+$0x830];
	_ =	sdelay $0x3  }
0x196: {  	s8 =	sor.u32 $0x830, s5  }
0x197: {  	[tilespmem:s8+$0x0] =	vst.add.f32.msk $0xffff, v1  }
0x198: {  	v1 =	vld [tilespmem:s2+$0x840];
	_ =	sdelay $0x3  }
0x199: {  	s14 =	sor.u32 $0x840, s5  }
0x19a: {  	[tilespmem:s14+$0x0] =	vst.add.f32.msk $0xffff, v1  }
0x19b: {  	v1 =	vld [tilespmem:s2+$0x850];
	_ =	sdelay $0x3  }
0x19c: {  	s15 =	sor.u32 $0x850, s5  }
0x19d: {  	[tilespmem:s15+$0x0] =	vst.add.f32.msk $0xffff, v1  }
0x19e: {  	v1 =	vld [tilespmem:s2+$0x860];
	_ =	sdelay $0x3  }
0x19f: {  	s16 =	sor.u32 $0x860, s5  }
0x1a0: {  	[tilespmem:s16+$0x0] =	vst.add.f32.msk $0xffff, v1  }
0x1a1: {  	v1 =	vld [tilespmem:s2+$0x870];
	_ =	sdelay $0x3  }
0x1a2: {  	s19 =	sor.u32 $0x870, s5  }
0x1a3: {  	[tilespmem:s19+$0x0] =	vst.add.f32.msk $0xffff, v1  }
0x1a4: {  	v1 =	vld [tilespmem:s2+$0xC00];
	_ =	sdelay $0x4  }
0x1a5: {  	[tilespmem:s5+$0xC00] =	vst.add.f32.msk $0xffff, v1  }
0x1a6: {  	v1 =	vld [tilespmem:s2+$0xC10];
	_ =	sdelay $0x4  }
0x1a7: {  	[tilespmem:s5+$0xC10] =	vst.add.f32.msk $0xffff, v1  }
0x1a8: {  	v1 =	vld [tilespmem:s2+$0xC20];
	_ =	sdelay $0x4  }
0x1a9: {  	[tilespmem:s5+$0xC20] =	vst.add.f32.msk $0xffff, v1  }
0x1aa: {  	v1 =	vld [tilespmem:s2+$0xC30];
	_ =	sdelay $0x4  }
0x1ab: {  	[tilespmem:s5+$0xC30] =	vst.add.f32.msk $0xffff, v1  }
0x1ac: {  	s3 =	simm.s32 $0x1;
	s14 =	sadd.s32 $0x1, s10;
	v1 =	vld [tilespmem:s2+$0xC40]  }
0x1ad: {  	s4 =	simm.s32 $0x1;
	p0 =	sle.s32 s20, s14;
	p1 =	sle.s32 s21, s14  }
0x1ae: {  	s3 =	simm.s32 @!p0 $0x0;
	s4 =	simm.s32 @!p1 $0x0  }
0x1af: {  	p0 =	sle.s32 s22, s14;
	s3 =	sadd.s32 s4, s3;
	s4 =	simm.s32 $0x1  }
0x1b0: {  	s4 =	simm.s32 @!p0 $0x0  }
0x1b1: {  	s7 =	simm.s32 $0x1;
	p0 =	sle.s32 s23, s14;
	s3 =	sadd.s32 s4, s3;
	[tilespmem:s5+$0xC40] =	vst.add.f32.msk $0xffff, v1  }
0x1b2: {  	s7 =	simm.s32 @!p0 $0x0;
	p0 =	sle.s32 s24, s14;
	s4 =	simm.s32 $0x1;
	v1 =	vld [tilespmem:s2+$0xC50]  }
0x1b3: {  	s8 =	simm.s32 $0x200;
	s3 =	sadd.s32 s7, s3;
	s4 =	simm.s32 @!p0 $0x0  }
0x1b4: {  	p0 =	sle.s32 s25, s14;
	s7 =	simm.s32 $0x1;
	s3 =	sadd.s32 s4, s3  }
0x1b5: {  	s7 =	simm.s32 @!p0 $0x0;
	p0 =	sle.s32 s26, s14;
	s4 =	simm.s32 $0x1  }
0x1b6: {  	p2 =	sle.s32 s18, s14;
	s3 =	sadd.s32 s7, s3;
	s4 =	simm.s32 @!p0 $0x0  }
0x1b7: {  	p0 =	sle.s32 s28, s14;
	s7 =	simm.s32 $0x1;
	s3 =	sadd.s32 s4, s3;
	[tilespmem:s5+$0xC50] =	vst.add.f32.msk $0xffff, v1  }
0x1b8: {  	s7 =	simm.s32 @!p0 $0x0;
	p0 =	sle.s32 s29, s14;
	s4 =	simm.s32 $0x1;
	v1 =	vld [tilespmem:s2+$0xC60]  }
0x1b9: {  	p1 =	sle.s32 s6, s14;
	s3 =	sadd.s32 s7, s3;
	s4 =	simm.s32 @!p0 $0x0  }
0x1ba: {  	s15 =	simm.s32 $0x1;
	p0 =	sle.s32 s30, s14;
	s3 =	sadd.s32 s4, s3  }
0x1bb: {  	s15 =	simm.s32 @!p0 $0x0;
	p0 =	sle.s32 s31, s14;
	s4 =	simm.s32 $0x1  }
0x1bc: {  	s7 =	simm.s32 $0x400;
	s3 =	sadd.s32 s15, s3;
	s4 =	simm.s32 @!p0 $0x0  }
0x1bd: {  	p0 =	sle.s32 s0, s14;
	s15 =	simm.s32 $0x1;
	s3 =	sadd.s32 s4, s3;
	[tilespmem:s5+$0xC60] =	vst.add.f32.msk $0xffff, v1  }
0x1be: {  	s15 =	simm.s32 @!p0 $0x0;
	p0 =	sle.s32 s1, s14;
	s4 =	sand.u32 $0x7000, s8;
	v1 =	vld [tilespmem:s2+$0xC70]  }
0x1bf: {  	s8 =	simm.s32 $0x1;
	s3 =	sadd.s32 s15, s3;
	s15 =	simm.s32 $0x1  }
0x1c0: {  	s15 =	simm.s32 @!p0 $0x0;
	p0 =	sle.s32 s13, s14;
	s19 =	simm.s32 $0x80  }
0x1c1: {  	s3 =	sadd.s32 s15, s3;
	s8 =	simm.s32 @!p0 $0x0;
	s2 =	sand.u32 $0x380, s19  }
.LBB2_9:
0x1c2: {  	s8 =	sadd.s32 s8, s3;
	s16 =	simm.s32 $0x1;
	s3 =	sor.u32 s2, s4  }
0x1c3: {  	[tilespmem:s5+$0xC70] =	vst.add.f32.msk $0xffff, v1;
	s2 =	smov.u32 s7;
	s5 =	simm.s32 $0x1;
	s16 =	simm.s32 @!p2 $0x0  }
0x1c4: {  	s15 =	sadd.s32 $0x200, s7;
	s5 =	simm.s32 @!p1 $0x0;
	s4 =	sadd.s32 s16, s8;
	v1 =	vld [tilespmem:s3+$0x0]  }
0x1c5: {  	p0 =	sne.s32 s7, $0x7E00;
	s4 =	sadd.s32 s5, s4  }
0x1c6: {  	s5 =	sshll.u32 s4, $0x9;
	s4 =	sshll.u32 s4, $0x7  }
0x1c7: {  	s5 =	sand.u32 $0x7FFFF000, s5;
	s4 =	sand.u32 $0x380, s4  }
0x1c8: {  	s4 =	sor.u32 s4, s5  }
0x1c9: {  	[tilespmem:s4+$0x10080] =	vst.add.f32.msk $0xffff, v1  }
0x1ca: {  	v1 =	vld [tilespmem:s3+$0x10];
	_ =	sdelay $0x2  }
0x1cb: {  	s5 =	sadd.s32 $0x10080, s4  }
0x1cc: {  	s4 =	sor.u32 $0x10, s5  }
0x1cd: {  	[tilespmem:s4+$0x0] =	vst.add.f32.msk $0xffff, v1  }
0x1ce: {  	v1 =	vld [tilespmem:s3+$0x20];
	_ =	sdelay $0x3  }
0x1cf: {  	s4 =	sor.u32 $0x20, s5  }
0x1d0: {  	[tilespmem:s4+$0x0] =	vst.add.f32.msk $0xffff, v1  }
0x1d1: {  	v1 =	vld [tilespmem:s3+$0x30];
	_ =	sdelay $0x3  }
0x1d2: {  	s4 =	sor.u32 $0x30, s5  }
0x1d3: {  	[tilespmem:s4+$0x0] =	vst.add.f32.msk $0xffff, v1  }
0x1d4: {  	v1 =	vld [tilespmem:s3+$0x40];
	_ =	sdelay $0x3  }
0x1d5: {  	s4 =	sor.u32 $0x40, s5  }
0x1d6: {  	[tilespmem:s4+$0x0] =	vst.add.f32.msk $0xffff, v1  }
0x1d7: {  	v1 =	vld [tilespmem:s3+$0x50];
	_ =	sdelay $0x3  }
0x1d8: {  	s4 =	sor.u32 $0x50, s5  }
0x1d9: {  	[tilespmem:s4+$0x0] =	vst.add.f32.msk $0xffff, v1  }
0x1da: {  	v1 =	vld [tilespmem:s3+$0x60];
	_ =	sdelay $0x3  }
0x1db: {  	s4 =	sor.u32 $0x60, s5  }
0x1dc: {  	[tilespmem:s4+$0x0] =	vst.add.f32.msk $0xffff, v1  }
0x1dd: {  	v1 =	vld [tilespmem:s3+$0x70];
	_ =	sdelay $0x3  }
0x1de: {  	s4 =	sor.u32 $0x70, s5  }
0x1df: {  	[tilespmem:s4+$0x0] =	vst.add.f32.msk $0xffff, v1  }
0x1e0: {  	v1 =	vld [tilespmem:s3+$0x400];
	_ =	sdelay $0x4  }
0x1e1: {  	[tilespmem:s5+$0x400] =	vst.add.f32.msk $0xffff, v1  }
0x1e2: {  	v1 =	vld [tilespmem:s3+$0x410];
	_ =	sdelay $0x4  }
0x1e3: {  	[tilespmem:s5+$0x410] =	vst.add.f32.msk $0xffff, v1  }
0x1e4: {  	v1 =	vld [tilespmem:s3+$0x420];
	_ =	sdelay $0x4  }
0x1e5: {  	[tilespmem:s5+$0x420] =	vst.add.f32.msk $0xffff, v1  }
0x1e6: {  	v1 =	vld [tilespmem:s3+$0x430];
	_ =	sdelay $0x4  }
0x1e7: {  	[tilespmem:s5+$0x430] =	vst.add.f32.msk $0xffff, v1  }
0x1e8: {  	v1 =	vld [tilespmem:s3+$0x440];
	_ =	sdelay $0x4  }
0x1e9: {  	[tilespmem:s5+$0x440] =	vst.add.f32.msk $0xffff, v1  }
0x1ea: {  	v1 =	vld [tilespmem:s3+$0x450];
	_ =	sdelay $0x4  }
0x1eb: {  	[tilespmem:s5+$0x450] =	vst.add.f32.msk $0xffff, v1  }
0x1ec: {  	v1 =	vld [tilespmem:s3+$0x460];
	_ =	sdelay $0x4  }
0x1ed: {  	[tilespmem:s5+$0x460] =	vst.add.f32.msk $0xffff, v1  }
0x1ee: {  	v1 =	vld [tilespmem:s3+$0x470];
	_ =	sdelay $0x4  }
0x1ef: {  	[tilespmem:s5+$0x470] =	vst.add.f32.msk $0xffff, v1  }
0x1f0: {  	v1 =	vld [tilespmem:s3+$0x800];
	_ =	sdelay $0x3  }
0x1f1: {  	s4 =	sor.u32 $0x800, s5  }
0x1f2: {  	[tilespmem:s4+$0x0] =	vst.add.f32.msk $0xffff, v1  }
0x1f3: {  	v1 =	vld [tilespmem:s3+$0x810];
	_ =	sdelay $0x3  }
0x1f4: {  	s4 =	sor.u32 $0x810, s5  }
0x1f5: {  	[tilespmem:s4+$0x0] =	vst.add.f32.msk $0xffff, v1  }
0x1f6: {  	v1 =	vld [tilespmem:s3+$0x820];
	_ =	sdelay $0x3  }
0x1f7: {  	s4 =	sor.u32 $0x820, s5  }
0x1f8: {  	[tilespmem:s4+$0x0] =	vst.add.f32.msk $0xffff, v1  }
0x1f9: {  	v1 =	vld [tilespmem:s3+$0x830];
	_ =	sdelay $0x3  }
0x1fa: {  	s4 =	sor.u32 $0x830, s5  }
0x1fb: {  	[tilespmem:s4+$0x0] =	vst.add.f32.msk $0xffff, v1  }
0x1fc: {  	v1 =	vld [tilespmem:s3+$0x840];
	_ =	sdelay $0x3  }
0x1fd: {  	s4 =	sor.u32 $0x840, s5  }
0x1fe: {  	[tilespmem:s4+$0x0] =	vst.add.f32.msk $0xffff, v1  }
0x1ff: {  	v1 =	vld [tilespmem:s3+$0x850];
	_ =	sdelay $0x3  }
0x200: {  	s4 =	sor.u32 $0x850, s5  }
0x201: {  	[tilespmem:s4+$0x0] =	vst.add.f32.msk $0xffff, v1  }
0x202: {  	v1 =	vld [tilespmem:s3+$0x860];
	_ =	sdelay $0x3  }
0x203: {  	s4 =	sor.u32 $0x860, s5  }
0x204: {  	[tilespmem:s4+$0x0] =	vst.add.f32.msk $0xffff, v1  }
0x205: {  	v1 =	vld [tilespmem:s3+$0x870];
	_ =	sdelay $0x3  }
0x206: {  	s4 =	sor.u32 $0x870, s5  }
0x207: {  	[tilespmem:s4+$0x0] =	vst.add.f32.msk $0xffff, v1  }
0x208: {  	v1 =	vld [tilespmem:s3+$0xC00];
	_ =	sdelay $0x4  }
0x209: {  	[tilespmem:s5+$0xC00] =	vst.add.f32.msk $0xffff, v1  }
0x20a: {  	v1 =	vld [tilespmem:s3+$0xC10];
	_ =	sdelay $0x4  }
0x20b: {  	[tilespmem:s5+$0xC10] =	vst.add.f32.msk $0xffff, v1  }
0x20c: {  	v1 =	vld [tilespmem:s3+$0xC20];
	_ =	sdelay $0x4  }
0x20d: {  	[tilespmem:s5+$0xC20] =	vst.add.f32.msk $0xffff, v1  }
0x20e: {  	v1 =	vld [tilespmem:s3+$0xC30];
	_ =	sdelay $0x3  }
0x20f: {  	s14 =	sadd.s32 $0x1, s14;
	s7 =	simm.s32 $0x1  }
0x210: {  	p3 =	sle.s32 s20, s14;
	p4 =	sle.s32 s21, s14;
	s8 =	simm.s32 $0x1;
	[tilespmem:s5+$0xC30] =	vst.add.f32.msk $0xffff, v1  }
0x211: {  	s7 =	simm.s32 @!p3 $0x0;
	s8 =	simm.s32 @!p4 $0x0;
	v1 =	vld [tilespmem:s3+$0xC40]  }
0x212: {  	p3 =	sle.s32 s22, s14;
	s7 =	sadd.s32 s8, s7;
	s8 =	simm.s32 $0x1  }
0x213: {  	s8 =	simm.s32 @!p3 $0x0  }
0x214: {  	p3 =	sle.s32 s23, s14;
	s7 =	sadd.s32 s8, s7;
	s8 =	simm.s32 $0x1  }
0x215: {  	s8 =	simm.s32 @!p3 $0x0  }
0x216: {  	p3 =	sle.s32 s24, s14;
	s7 =	sadd.s32 s8, s7;
	s8 =	simm.s32 $0x1;
	[tilespmem:s5+$0xC40] =	vst.add.f32.msk $0xffff, v1  }
0x217: {  	s19 =	sadd.s32 $0x80, s19;
	s8 =	simm.s32 @!p3 $0x0;
	v1 =	vld [tilespmem:s3+$0xC50]  }
0x218: {  	p1 =	sle.s32 s6, s14;
	p3 =	sle.s32 s25, s14;
	s7 =	sadd.s32 s8, s7  }
0x219: {  	s8 =	simm.s32 $0x1;
	s4 =	sand.u32 $0x7000, s2;
	s2 =	sand.u32 $0x380, s19  }
0x21a: {  	p2 =	sle.s32 s31, s14;
	s8 =	simm.s32 @!p3 $0x0  }
0x21b: {  	p3 =	sle.s32 s26, s14;
	s7 =	sadd.s32 s8, s7;
	s8 =	simm.s32 $0x1  }
0x21c: {  	s8 =	simm.s32 @!p3 $0x0;
	[tilespmem:s5+$0xC50] =	vst.add.f32.msk $0xffff, v1  }
0x21d: {  	p3 =	sle.s32 s28, s14;
	s7 =	sadd.s32 s8, s7;
	s8 =	simm.s32 $0x1;
	v1 =	vld [tilespmem:s3+$0xC60]  }
0x21e: {  	s8 =	simm.s32 @!p3 $0x0  }
0x21f: {  	p3 =	sle.s32 s29, s14;
	s7 =	sadd.s32 s8, s7;
	s8 =	simm.s32 $0x1  }
0x220: {  	s8 =	simm.s32 @!p3 $0x0  }
0x221: {  	p3 =	sle.s32 s30, s14;
	s7 =	sadd.s32 s8, s7;
	s8 =	simm.s32 $0x1  }
0x222: {  	s8 =	simm.s32 @!p3 $0x0;
	[tilespmem:s5+$0xC60] =	vst.add.f32.msk $0xffff, v1  }
0x223: {  	v1 =	vld [tilespmem:s3+$0xC70];
	s3 =	sadd.s32 s8, s7;
	s7 =	simm.s32 $0x1  }
0x224: {  	s7 =	simm.s32 @!p2 $0x0  }
0x225: {  	p2 =	sle.s32 s0, s14;
	s3 =	sadd.s32 s7, s3;
	s7 =	simm.s32 $0x1  }
.Ltmp6:
0x226: {  	s7 =	simm.s32 @!p2 $0x0;
	(pc) =	sbr.rel @p0 .LBB2_9-.Ltmp6, $4  }
0x227: {  	p2 =	sle.s32 s1, s14;
	s3 =	sadd.s32 s7, s3;
	s7 =	simm.s32 $0x1  }
0x228: {  	s7 =	simm.s32 @!p2 $0x0  }
0x229: {  	s8 =	simm.s32 $0x1;
	p2 =	sle.s32 s13, s14;
	s3 =	sadd.s32 s7, s3  }
0x22a: {  	s8 =	simm.s32 @!p2 $0x0;
	p2 =	sle.s32 s18, s14;
	s7 =	smov.u32 s15  }
0x22b: {  	s3 =	sadd.s32 s8, s3;
	s7 =	simm.s32 $0x1  }
0x22c: {  	s2 =	sor.u32 s2, s4;
	[tilespmem:s5+$0xC70] =	vst.add.f32.msk $0xffff, v1;
	s4 =	simm.s32 $0x1;
	s7 =	simm.s32 @!p2 $0x0  }
0x22d: {  	s4 =	simm.s32 @!p1 $0x0;
	v1 =	vld [tilespmem:s2+$0x0];
	s3 =	sadd.s32 s7, s3  }
0x22e: {  	s3 =	sadd.s32 s4, s3  }
0x22f: {  	s4 =	sshll.u32 s3, $0x9;
	s3 =	sshll.u32 s3, $0x7  }
0x230: {  	s4 =	sand.u32 $0x7FFFF000, s4;
	s3 =	sand.u32 $0x380, s3  }
0x231: {  	s3 =	sor.u32 s3, s4  }
0x232: {  	[tilespmem:s3+$0x10080] =	vst.add.f32.msk $0xffff, v1  }
0x233: {  	v1 =	vld [tilespmem:s2+$0x10];
	_ =	sdelay $0x2  }
0x234: {  	s3 =	sadd.s32 $0x10080, s3  }
0x235: {  	s19 =	sor.u32 $0x10, s3  }
0x236: {  	[tilespmem:s19+$0x0] =	vst.add.f32.msk $0xffff, v1  }
0x237: {  	v1 =	vld [tilespmem:s2+$0x20];
	_ =	sdelay $0x3  }
0x238: {  	s5 =	sor.u32 $0x20, s3  }
0x239: {  	[tilespmem:s5+$0x0] =	vst.add.f32.msk $0xffff, v1  }
0x23a: {  	v1 =	vld [tilespmem:s2+$0x30];
	_ =	sdelay $0x3  }
0x23b: {  	s7 =	sor.u32 $0x30, s3  }
0x23c: {  	[tilespmem:s7+$0x0] =	vst.add.f32.msk $0xffff, v1  }
0x23d: {  	v1 =	vld [tilespmem:s2+$0x40];
	_ =	sdelay $0x3  }
0x23e: {  	s8 =	sor.u32 $0x40, s3  }
0x23f: {  	[tilespmem:s8+$0x0] =	vst.add.f32.msk $0xffff, v1  }
0x240: {  	v1 =	vld [tilespmem:s2+$0x50];
	_ =	sdelay $0x3  }
0x241: {  	s14 =	sor.u32 $0x50, s3  }
0x242: {  	[tilespmem:s14+$0x0] =	vst.add.f32.msk $0xffff, v1  }
0x243: {  	v1 =	vld [tilespmem:s2+$0x60];
	_ =	sdelay $0x3  }
0x244: {  	s15 =	sor.u32 $0x60, s3  }
0x245: {  	[tilespmem:s15+$0x0] =	vst.add.f32.msk $0xffff, v1  }
0x246: {  	v1 =	vld [tilespmem:s2+$0x70];
	_ =	sdelay $0x3  }
0x247: {  	s16 =	sor.u32 $0x70, s3  }
0x248: {  	[tilespmem:s16+$0x0] =	vst.add.f32.msk $0xffff, v1  }
0x249: {  	v1 =	vld [tilespmem:s2+$0x400];
	_ =	sdelay $0x4  }
0x24a: {  	[tilespmem:s3+$0x400] =	vst.add.f32.msk $0xffff, v1  }
0x24b: {  	v1 =	vld [tilespmem:s2+$0x410];
	_ =	sdelay $0x4  }
0x24c: {  	[tilespmem:s3+$0x410] =	vst.add.f32.msk $0xffff, v1  }
0x24d: {  	v1 =	vld [tilespmem:s2+$0x420];
	_ =	sdelay $0x4  }
0x24e: {  	[tilespmem:s3+$0x420] =	vst.add.f32.msk $0xffff, v1  }
0x24f: {  	v1 =	vld [tilespmem:s2+$0x430];
	_ =	sdelay $0x4  }
0x250: {  	[tilespmem:s3+$0x430] =	vst.add.f32.msk $0xffff, v1  }
0x251: {  	v1 =	vld [tilespmem:s2+$0x440];
	_ =	sdelay $0x4  }
0x252: {  	[tilespmem:s3+$0x440] =	vst.add.f32.msk $0xffff, v1  }
0x253: {  	v1 =	vld [tilespmem:s2+$0x450];
	_ =	sdelay $0x4  }
0x254: {  	[tilespmem:s3+$0x450] =	vst.add.f32.msk $0xffff, v1  }
0x255: {  	v1 =	vld [tilespmem:s2+$0x460];
	_ =	sdelay $0x4  }
0x256: {  	[tilespmem:s3+$0x460] =	vst.add.f32.msk $0xffff, v1  }
0x257: {  	v1 =	vld [tilespmem:s2+$0x470];
	_ =	sdelay $0x4  }
0x258: {  	[tilespmem:s3+$0x470] =	vst.add.f32.msk $0xffff, v1  }
0x259: {  	v1 =	vld [tilespmem:s2+$0x800];
	_ =	sdelay $0x3  }
0x25a: {  	s19 =	sor.u32 $0x800, s3  }
0x25b: {  	[tilespmem:s19+$0x0] =	vst.add.f32.msk $0xffff, v1  }
0x25c: {  	v1 =	vld [tilespmem:s2+$0x810];
	_ =	sdelay $0x3  }
0x25d: {  	s5 =	sor.u32 $0x810, s3  }
0x25e: {  	[tilespmem:s5+$0x0] =	vst.add.f32.msk $0xffff, v1  }
0x25f: {  	v1 =	vld [tilespmem:s2+$0x820];
	_ =	sdelay $0x3  }
0x260: {  	s7 =	sor.u32 $0x820, s3  }
0x261: {  	[tilespmem:s7+$0x0] =	vst.add.f32.msk $0xffff, v1  }
0x262: {  	v1 =	vld [tilespmem:s2+$0x830];
	_ =	sdelay $0x3  }
0x263: {  	s8 =	sor.u32 $0x830, s3  }
0x264: {  	[tilespmem:s8+$0x0] =	vst.add.f32.msk $0xffff, v1  }
0x265: {  	v1 =	vld [tilespmem:s2+$0x840];
	_ =	sdelay $0x3  }
0x266: {  	s14 =	sor.u32 $0x840, s3  }
0x267: {  	[tilespmem:s14+$0x0] =	vst.add.f32.msk $0xffff, v1  }
0x268: {  	v1 =	vld [tilespmem:s2+$0x850];
	_ =	sdelay $0x3  }
0x269: {  	s15 =	sor.u32 $0x850, s3  }
0x26a: {  	[tilespmem:s15+$0x0] =	vst.add.f32.msk $0xffff, v1  }
0x26b: {  	v1 =	vld [tilespmem:s2+$0x860];
	_ =	sdelay $0x3  }
0x26c: {  	s16 =	sor.u32 $0x860, s3  }
0x26d: {  	[tilespmem:s16+$0x0] =	vst.add.f32.msk $0xffff, v1  }
0x26e: {  	v1 =	vld [tilespmem:s2+$0x870];
	_ =	sdelay $0x3  }
0x26f: {  	s19 =	sor.u32 $0x870, s3  }
0x270: {  	[tilespmem:s19+$0x0] =	vst.add.f32.msk $0xffff, v1  }
0x271: {  	v1 =	vld [tilespmem:s2+$0xC00];
	_ =	sdelay $0x4  }
0x272: {  	[tilespmem:s3+$0xC00] =	vst.add.f32.msk $0xffff, v1  }
0x273: {  	v1 =	vld [tilespmem:s2+$0xC10];
	_ =	sdelay $0x4  }
0x274: {  	[tilespmem:s3+$0xC10] =	vst.add.f32.msk $0xffff, v1  }
0x275: {  	v1 =	vld [tilespmem:s2+$0xC20];
	_ =	sdelay $0x4  }
0x276: {  	[tilespmem:s3+$0xC20] =	vst.add.f32.msk $0xffff, v1  }
0x277: {  	v1 =	vld [tilespmem:s2+$0xC30];
	_ =	sdelay $0x4  }
0x278: {  	[tilespmem:s3+$0xC30] =	vst.add.f32.msk $0xffff, v1  }
0x279: {  	v1 =	vld [tilespmem:s2+$0xC40];
	_ =	sdelay $0x4  }
0x27a: {  	[tilespmem:s3+$0xC40] =	vst.add.f32.msk $0xffff, v1  }
0x27b: {  	v1 =	vld [tilespmem:s2+$0xC50];
	_ =	sdelay $0x4  }
0x27c: {  	[tilespmem:s3+$0xC50] =	vst.add.f32.msk $0xffff, v1  }
0x27d: {  	v1 =	vld [tilespmem:s2+$0xC60];
	_ =	sdelay $0x4  }
0x27e: {  	[tilespmem:s3+$0xC60] =	vst.add.f32.msk $0xffff, v1  }
0x27f: {  	v1 =	vld [tilespmem:s2+$0xC70];
	_ =	sdelay $0x4  }
0x280: {  	[tilespmem:s3+$0xC70] =	vst.add.f32.msk $0xffff, v1  }
.LBB2_11:
0x281: {  	s5 =	sshll.u32 s9, $0xD;
	p0 =	seq.s32 s9, $0x7;
	s2 =	rddreg [dreg:$0x7]  }
0x282: {  	s19 =	sor.u32 $0x40, s11;
	s2 =	sadd.s32 @!p0 s5, s2;
	s3 =	simm.s32 @!p0 $0x0  }
0x283: {  	[tilespmem:s3], [sflag:$0x1] =	stream.linear.gather @!p0 [hbm4b:s2+s3], $0x8000, $0x38;
	[tilespmem:$0x12080] =	vst v63  }
0x284: {  	p1 =	sle.s32 s20, s19;
	s3 =	simm.s32 $0x1  }
0x285: {  	s4 =	simm.s32 $0x1;
	s3 =	simm.s32 @!p1 $0x0;
	p1 =	sle.s32 s21, s19  }
0x286: {  	s7 =	simm.s32 $0x1;
	s4 =	simm.s32 @!p1 $0x0;
	p1 =	sle.s32 s22, s19  }
0x287: {  	s8 =	simm.s32 $0x1;
	s3 =	sadd.s32 s4, s3;
	s7 =	simm.s32 @!p1 $0x0  }
0x288: {  	p1 =	sle.s32 s23, s19;
	s4 =	simm.s32 $0x1;
	s3 =	sadd.s32 s7, s3  }
0x289: {  	s4 =	simm.s32 @!p1 $0x0;
	p1 =	sle.s32 s24, s19;
	s7 =	simm.s32 $0x1  }
0x28a: {  	s15 =	sor.u32 $0x7F, s11;
	s3 =	sadd.s32 s4, s3;
	s7 =	simm.s32 @!p1 $0x0  }
0x28b: {  	p1 =	sle.s32 s25, s19;
	s4 =	simm.s32 $0x1;
	s3 =	sadd.s32 s7, s3  }
0x28c: {  	s4 =	simm.s32 @!p1 $0x0;
	p1 =	sle.s32 s26, s19;
	s7 =	simm.s32 $0x1  }
0x28d: {  	s11 =	simm.s32 $0x1;
	s3 =	sadd.s32 s4, s3;
	s7 =	simm.s32 @!p1 $0x0  }
0x28e: {  	p1 =	sle.s32 s28, s19;
	s4 =	simm.s32 $0x1;
	s3 =	sadd.s32 s7, s3  }
0x28f: {  	s4 =	simm.s32 @!p1 $0x0;
	p1 =	sle.s32 s29, s19;
	s7 =	simm.s32 $0x1  }
0x290: {  	s14 =	simm.s32 $0x1;
	s3 =	sadd.s32 s4, s3;
	s7 =	simm.s32 @!p1 $0x0  }
0x291: {  	p1 =	sle.s32 s30, s19;
	s4 =	simm.s32 $0x1;
	s3 =	sadd.s32 s7, s3  }
0x292: {  	s4 =	simm.s32 @!p1 $0x0;
	p1 =	sle.s32 s31, s19;
	s7 =	simm.s32 $0x1  }
0x293: {  	p2 =	sle.s32 s21, s15;
	s3 =	sadd.s32 s4, s3;
	s7 =	simm.s32 @!p1 $0x0  }
0x294: {  	p1 =	sle.s32 s0, s19;
	s4 =	simm.s32 $0x1;
	s3 =	sadd.s32 s7, s3  }
0x295: {  	s4 =	simm.s32 @!p1 $0x0;
	p1 =	sle.s32 s1, s19;
	s7 =	simm.s32 $0x1  }
0x296: {  	s4 =	sadd.s32 s4, s3;
	s7 =	simm.s32 @!p1 $0x0;
	p1 =	sle.s32 s13, s19  }
0x297: {  	s11 =	simm.s32 @!p2 $0x0;
	s4 =	sadd.s32 s7, s4;
	s8 =	simm.s32 @!p1 $0x0  }
0x298: {  	p1 =	sle.s32 s20, s15;
	s7 =	simm.s32 $0x1;
	s4 =	sadd.s32 s8, s4  }
0x299: {  	s7 =	simm.s32 @!p1 $0x0;
	p1 =	sle.s32 s22, s15;
	s8 =	simm.s32 $0x1  }
0x29a: {  	p2 =	sle.s32 s23, s15;
	s7 =	sadd.s32 s11, s7;
	s8 =	simm.s32 @!p1 $0x0  }
0x29b: {  	s11 =	simm.s32 $0x1;
	p1 =	sle.s32 s18, s19;
	s7 =	sadd.s32 s8, s7  }
0x29c: {  	s11 =	simm.s32 @!p2 $0x0;
	p2 =	sle.s32 s24, s15;
	s8 =	simm.s32 $0x1  }
0x29d: {  	s14 =	simm.s32 @!p1 $0x0;
	p1 =	sle.s32 s29, s15;
	s7 =	sadd.s32 s11, s7  }
0x29e: {  	s8 =	simm.s32 @!p2 $0x0;
	p2 =	sle.s32 s25, s15;
	s11 =	simm.s32 $0x1  }
0x29f: {  	s4 =	sadd.s32 s14, s4;
	s7 =	sadd.s32 s8, s7;
	s11 =	simm.s32 @!p2 $0x0  }
0x2a0: {  	p2 =	sle.s32 s26, s15;
	s8 =	simm.s32 $0x1;
	s7 =	sadd.s32 s11, s7  }
0x2a1: {  	s8 =	simm.s32 @!p2 $0x0;
	p2 =	sle.s32 s28, s15;
	s11 =	simm.s32 $0x1  }
0x2a2: {  	s7 =	sadd.s32 s8, s7;
	s11 =	simm.s32 @!p2 $0x0;
	s8 =	simm.s32 $0x1  }
0x2a3: {  	p2 =	sle.s32 s0, s15;
	s7 =	sadd.s32 s11, s7;
	s8 =	simm.s32 @!p1 $0x0  }
0x2a4: {  	p1 =	sle.s32 s30, s15;
	s11 =	simm.s32 $0x1;
	s7 =	sadd.s32 s8, s7  }
0x2a5: {  	s11 =	simm.s32 @!p1 $0x0;
	p1 =	sle.s32 s31, s15;
	s8 =	simm.s32 $0x1  }
0x2a6: {  	s7 =	sadd.s32 s11, s7;
	s8 =	simm.s32 @!p1 $0x0;
	s11 =	simm.s32 $0x1  }
0x2a7: {  	p1 =	sle.s32 s6, s19;
	s16 =	sadd.s32 s8, s7;
	s11 =	simm.s32 @!p2 $0x0  }
0x2a8: {  	p2 =	sle.s32 s1, s15;
	s7 =	simm.s32 $0x1;
	s8 =	simm.s32 $0x1  }
0x2a9: {  	s2 =	sadd.s32 s11, s16;
	s7 =	simm.s32 @!p2 $0x0;
	p2 =	sle.s32 s13, s15  }
0x2aa: {  	s11 =	simm.s32 $0x1;
	s2 =	sadd.s32 s7, s2;
	s8 =	simm.s32 @!p2 $0x0  }
0x2ab: {  	p2 =	sle.s32 s18, s15;
	s2 =	sadd.s32 s8, s2;
	s8 =	simm.s32 $0x1  }
0x2ac: {  	s7 =	simm.s32 $0x1;
	s8 =	simm.s32 @!p2 $0x0;
	p2 =	sle.s32 s6, s15  }
0x2ad: {  	s7 =	simm.s32 @!p1 $0x0;
	s2 =	sadd.s32 s8, s2;
	s11 =	simm.s32 @!p2 $0x0  }
0x2ae: {  	s3 =	sadd.s32 s7, s4;
	s2 =	sadd.s32 s11, s2  }
0x2af: {  	p1 =	sne.s32 s3, s2  }
.Ltmp7:
0x2b0: {  	_ = 	snop;
	(pc) =	sbr.rel @p1 .LBB2_15-.Ltmp7, $4  }
0x2b1: {  	s19 =	simm.s32 $0x2  }
0x2b2: {  	_ =	swait.ge [sflag:s19], $0x8000  }
0x2b3: {  	[sflag:s19] =	ssyncset.done $0x0  }
0x2b4: {  	[sflag:s19] =	ssyncadd.s32 $0xFFFF8000;
	s2 =	simm.s32 $0x0  }
0x2b5: {  	s4 =	sand.u32 $0x7000, s2;
	s14 =	sand.u32 $0x380, s2  }
0x2b6: {  	s2 =	sor.u32 s14, s4  }
0x2b7: {  	v1 =	vld [tilespmem:s2+$0x8000];
	_ =	sdelay $0x1  }
0x2b8: {  	s15 =	sshll.u32 s3, $0x9;
	s16 =	sshll.u32 s3, $0x7  }
0x2b9: {  	s4 =	sand.u32 $0x7FFFF000, s15;
	s3 =	sand.u32 $0x380, s16  }
0x2ba: {  	s11 =	sor.u32 s3, s4  }
0x2bb: {  	[tilespmem:s11+$0x10080] =	vst.add.f32.msk $0xffff, v1  }
0x2bc: {  	v1 =	vld [tilespmem:s2+$0x8010];
	_ =	sdelay $0x4  }
0x2bd: {  	[tilespmem:s11+$0x10090] =	vst.add.f32.msk $0xffff, v1  }
0x2be: {  	v1 =	vld [tilespmem:s2+$0x8020];
	_ =	sdelay $0x4  }
0x2bf: {  	[tilespmem:s11+$0x100A0] =	vst.add.f32.msk $0xffff, v1  }
0x2c0: {  	v1 =	vld [tilespmem:s2+$0x8030];
	_ =	sdelay $0x4  }
0x2c1: {  	[tilespmem:s11+$0x100B0] =	vst.add.f32.msk $0xffff, v1  }
0x2c2: {  	v1 =	vld [tilespmem:s2+$0x8040];
	_ =	sdelay $0x4  }
0x2c3: {  	[tilespmem:s11+$0x100C0] =	vst.add.f32.msk $0xffff, v1  }
0x2c4: {  	v1 =	vld [tilespmem:s2+$0x8050];
	_ =	sdelay $0x4  }
0x2c5: {  	[tilespmem:s11+$0x100D0] =	vst.add.f32.msk $0xffff, v1  }
0x2c6: {  	v1 =	vld [tilespmem:s2+$0x8060];
	_ =	sdelay $0x4  }
0x2c7: {  	[tilespmem:s11+$0x100E0] =	vst.add.f32.msk $0xffff, v1  }
0x2c8: {  	v1 =	vld [tilespmem:s2+$0x8070];
	_ =	sdelay $0x4  }
0x2c9: {  	[tilespmem:s11+$0x100F0] =	vst.add.f32.msk $0xffff, v1  }
0x2ca: {  	v1 =	vld [tilespmem:s2+$0x8400];
	_ =	sdelay $0x4  }
0x2cb: {  	[tilespmem:s11+$0x10480] =	vst.add.f32.msk $0xffff, v1  }
0x2cc: {  	v1 =	vld [tilespmem:s2+$0x8410];
	_ =	sdelay $0x4  }
0x2cd: {  	[tilespmem:s11+$0x10490] =	vst.add.f32.msk $0xffff, v1  }
0x2ce: {  	v1 =	vld [tilespmem:s2+$0x8420];
	_ =	sdelay $0x4  }
0x2cf: {  	[tilespmem:s11+$0x104A0] =	vst.add.f32.msk $0xffff, v1  }
0x2d0: {  	v1 =	vld [tilespmem:s2+$0x8430];
	_ =	sdelay $0x4  }
0x2d1: {  	[tilespmem:s11+$0x104B0] =	vst.add.f32.msk $0xffff, v1  }
0x2d2: {  	v1 =	vld [tilespmem:s2+$0x8440];
	_ =	sdelay $0x4  }
0x2d3: {  	[tilespmem:s11+$0x104C0] =	vst.add.f32.msk $0xffff, v1  }
0x2d4: {  	v1 =	vld [tilespmem:s2+$0x8450];
	_ =	sdelay $0x4  }
0x2d5: {  	[tilespmem:s11+$0x104D0] =	vst.add.f32.msk $0xffff, v1  }
0x2d6: {  	v1 =	vld [tilespmem:s2+$0x8460];
	_ =	sdelay $0x4  }
0x2d7: {  	[tilespmem:s11+$0x104E0] =	vst.add.f32.msk $0xffff, v1  }
0x2d8: {  	v1 =	vld [tilespmem:s2+$0x8470];
	_ =	sdelay $0x4  }
0x2d9: {  	[tilespmem:s11+$0x104F0] =	vst.add.f32.msk $0xffff, v1  }
0x2da: {  	v1 =	vld [tilespmem:s2+$0x8800];
	_ =	sdelay $0x4  }
0x2db: {  	[tilespmem:s11+$0x10880] =	vst.add.f32.msk $0xffff, v1  }
0x2dc: {  	v1 =	vld [tilespmem:s2+$0x8810];
	_ =	sdelay $0x4  }
0x2dd: {  	[tilespmem:s11+$0x10890] =	vst.add.f32.msk $0xffff, v1  }
0x2de: {  	v1 =	vld [tilespmem:s2+$0x8820];
	_ =	sdelay $0x4  }
0x2df: {  	[tilespmem:s11+$0x108A0] =	vst.add.f32.msk $0xffff, v1  }
0x2e0: {  	v1 =	vld [tilespmem:s2+$0x8830];
	_ =	sdelay $0x4  }
0x2e1: {  	[tilespmem:s11+$0x108B0] =	vst.add.f32.msk $0xffff, v1  }
0x2e2: {  	v1 =	vld [tilespmem:s2+$0x8840];
	_ =	sdelay $0x4  }
0x2e3: {  	[tilespmem:s11+$0x108C0] =	vst.add.f32.msk $0xffff, v1  }
0x2e4: {  	v1 =	vld [tilespmem:s2+$0x8850];
	_ =	sdelay $0x4  }
0x2e5: {  	[tilespmem:s11+$0x108D0] =	vst.add.f32.msk $0xffff, v1  }
0x2e6: {  	v1 =	vld [tilespmem:s2+$0x8860];
	_ =	sdelay $0x4  }
0x2e7: {  	[tilespmem:s11+$0x108E0] =	vst.add.f32.msk $0xffff, v1  }
0x2e8: {  	v1 =	vld [tilespmem:s2+$0x8870];
	_ =	sdelay $0x4  }
0x2e9: {  	[tilespmem:s11+$0x108F0] =	vst.add.f32.msk $0xffff, v1  }
0x2ea: {  	v1 =	vld [tilespmem:s2+$0x8C00];
	_ =	sdelay $0x4  }
0x2eb: {  	[tilespmem:s11+$0x10C80] =	vst.add.f32.msk $0xffff, v1  }
0x2ec: {  	v1 =	vld [tilespmem:s2+$0x8C10];
	_ =	sdelay $0x4  }
0x2ed: {  	[tilespmem:s11+$0x10C90] =	vst.add.f32.msk $0xffff, v1  }
0x2ee: {  	v1 =	vld [tilespmem:s2+$0x8C20];
	_ =	sdelay $0x4  }
0x2ef: {  	[tilespmem:s11+$0x10CA0] =	vst.add.f32.msk $0xffff, v1  }
0x2f0: {  	v1 =	vld [tilespmem:s2+$0x8C30];
	_ =	sdelay $0x4  }
0x2f1: {  	[tilespmem:s11+$0x10CB0] =	vst.add.f32.msk $0xffff, v1  }
0x2f2: {  	v1 =	vld [tilespmem:s2+$0x8C40];
	_ =	sdelay $0x4  }
0x2f3: {  	[tilespmem:s11+$0x10CC0] =	vst.add.f32.msk $0xffff, v1  }
0x2f4: {  	v1 =	vld [tilespmem:s2+$0x8C50];
	_ =	sdelay $0x4  }
0x2f5: {  	[tilespmem:s11+$0x10CD0] =	vst.add.f32.msk $0xffff, v1  }
0x2f6: {  	v1 =	vld [tilespmem:s2+$0x8C60];
	_ =	sdelay $0x4  }
0x2f7: {  	[tilespmem:s11+$0x10CE0] =	vst.add.f32.msk $0xffff, v1  }
0x2f8: {  	v1 =	vld [tilespmem:s2+$0x8C70];
	_ =	sdelay $0x2  }
0x2f9: {  	s19 =	simm.s32 $0x200;
	s3 =	simm.s32 $0x80  }
0x2fa: {  	s4 =	sand.u32 $0x7000, s19;
	s7 =	sand.u32 $0x380, s3;
	s2 =	simm.s32 $0x400  }
.LBB2_13:
0x2fb: {  	p1 =	seq.s32 s2, $0x7E00;
	s14 =	sor.u32 s7, s4;
	[tilespmem:s11+$0x10CF0] =	vst.add.f32.msk $0xffff, v1  }
0x2fc: {  	v1 =	vld [tilespmem:s14+$0x8000];
	_ =	sdelay $0x4  }
0x2fd: {  	[tilespmem:s11+$0x10080] =	vst.add.f32.msk $0xffff, v1  }
0x2fe: {  	v1 =	vld [tilespmem:s14+$0x8010];
	_ =	sdelay $0x4  }
0x2ff: {  	[tilespmem:s11+$0x10090] =	vst.add.f32.msk $0xffff, v1  }
0x300: {  	v1 =	vld [tilespmem:s14+$0x8020];
	_ =	sdelay $0x4  }
0x301: {  	[tilespmem:s11+$0x100A0] =	vst.add.f32.msk $0xffff, v1  }
0x302: {  	v1 =	vld [tilespmem:s14+$0x8030];
	_ =	sdelay $0x4  }
0x303: {  	[tilespmem:s11+$0x100B0] =	vst.add.f32.msk $0xffff, v1  }
0x304: {  	v1 =	vld [tilespmem:s14+$0x8040];
	_ =	sdelay $0x4  }
0x305: {  	[tilespmem:s11+$0x100C0] =	vst.add.f32.msk $0xffff, v1  }
0x306: {  	v1 =	vld [tilespmem:s14+$0x8050];
	_ =	sdelay $0x4  }
0x307: {  	[tilespmem:s11+$0x100D0] =	vst.add.f32.msk $0xffff, v1  }
0x308: {  	v1 =	vld [tilespmem:s14+$0x8060];
	_ =	sdelay $0x4  }
0x309: {  	[tilespmem:s11+$0x100E0] =	vst.add.f32.msk $0xffff, v1  }
0x30a: {  	v1 =	vld [tilespmem:s14+$0x8070];
	_ =	sdelay $0x4  }
0x30b: {  	[tilespmem:s11+$0x100F0] =	vst.add.f32.msk $0xffff, v1  }
0x30c: {  	v1 =	vld [tilespmem:s14+$0x8400];
	_ =	sdelay $0x4  }
0x30d: {  	[tilespmem:s11+$0x10480] =	vst.add.f32.msk $0xffff, v1  }
0x30e: {  	v1 =	vld [tilespmem:s14+$0x8410];
	_ =	sdelay $0x4  }
0x30f: {  	[tilespmem:s11+$0x10490] =	vst.add.f32.msk $0xffff, v1  }
0x310: {  	v1 =	vld [tilespmem:s14+$0x8420];
	_ =	sdelay $0x4  }
0x311: {  	[tilespmem:s11+$0x104A0] =	vst.add.f32.msk $0xffff, v1  }
0x312: {  	v1 =	vld [tilespmem:s14+$0x8430];
	_ =	sdelay $0x4  }
0x313: {  	[tilespmem:s11+$0x104B0] =	vst.add.f32.msk $0xffff, v1  }
0x314: {  	v1 =	vld [tilespmem:s14+$0x8440];
	_ =	sdelay $0x4  }
0x315: {  	[tilespmem:s11+$0x104C0] =	vst.add.f32.msk $0xffff, v1  }
0x316: {  	v1 =	vld [tilespmem:s14+$0x8450];
	_ =	sdelay $0x4  }
0x317: {  	[tilespmem:s11+$0x104D0] =	vst.add.f32.msk $0xffff, v1  }
0x318: {  	v1 =	vld [tilespmem:s14+$0x8460];
	_ =	sdelay $0x4  }
0x319: {  	[tilespmem:s11+$0x104E0] =	vst.add.f32.msk $0xffff, v1  }
0x31a: {  	v1 =	vld [tilespmem:s14+$0x8470];
	_ =	sdelay $0x4  }
0x31b: {  	[tilespmem:s11+$0x104F0] =	vst.add.f32.msk $0xffff, v1  }
0x31c: {  	v1 =	vld [tilespmem:s14+$0x8800];
	_ =	sdelay $0x4  }
0x31d: {  	[tilespmem:s11+$0x10880] =	vst.add.f32.msk $0xffff, v1  }
0x31e: {  	v1 =	vld [tilespmem:s14+$0x8810];
	_ =	sdelay $0x4  }
0x31f: {  	[tilespmem:s11+$0x10890] =	vst.add.f32.msk $0xffff, v1  }
0x320: {  	v1 =	vld [tilespmem:s14+$0x8820];
	_ =	sdelay $0x4  }
0x321: {  	[tilespmem:s11+$0x108A0] =	vst.add.f32.msk $0xffff, v1  }
0x322: {  	v1 =	vld [tilespmem:s14+$0x8830];
	_ =	sdelay $0x4  }
0x323: {  	[tilespmem:s11+$0x108B0] =	vst.add.f32.msk $0xffff, v1  }
0x324: {  	v1 =	vld [tilespmem:s14+$0x8840];
	_ =	sdelay $0x4  }
0x325: {  	[tilespmem:s11+$0x108C0] =	vst.add.f32.msk $0xffff, v1  }
0x326: {  	v1 =	vld [tilespmem:s14+$0x8850];
	_ =	sdelay $0x4  }
0x327: {  	[tilespmem:s11+$0x108D0] =	vst.add.f32.msk $0xffff, v1  }
0x328: {  	v1 =	vld [tilespmem:s14+$0x8860];
	_ =	sdelay $0x4  }
0x329: {  	[tilespmem:s11+$0x108E0] =	vst.add.f32.msk $0xffff, v1  }
0x32a: {  	v1 =	vld [tilespmem:s14+$0x8870];
	_ =	sdelay $0x4  }
0x32b: {  	[tilespmem:s11+$0x108F0] =	vst.add.f32.msk $0xffff, v1  }
0x32c: {  	v1 =	vld [tilespmem:s14+$0x8C00];
	_ =	sdelay $0x4  }
0x32d: {  	[tilespmem:s11+$0x10C80] =	vst.add.f32.msk $0xffff, v1  }
0x32e: {  	v1 =	vld [tilespmem:s14+$0x8C10];
	_ =	sdelay $0x4  }
0x32f: {  	[tilespmem:s11+$0x10C90] =	vst.add.f32.msk $0xffff, v1  }
0x330: {  	v1 =	vld [tilespmem:s14+$0x8C20];
	_ =	sdelay $0x4  }
0x331: {  	[tilespmem:s11+$0x10CA0] =	vst.add.f32.msk $0xffff, v1  }
0x332: {  	v1 =	vld [tilespmem:s14+$0x8C30];
	_ =	sdelay $0x4  }
0x333: {  	[tilespmem:s11+$0x10CB0] =	vst.add.f32.msk $0xffff, v1  }
0x334: {  	v1 =	vld [tilespmem:s14+$0x8C40];
	_ =	sdelay $0x4  }
0x335: {  	[tilespmem:s11+$0x10CC0] =	vst.add.f32.msk $0xffff, v1  }
0x336: {  	v1 =	vld [tilespmem:s14+$0x8C50];
	_ =	sdelay $0x4  }
0x337: {  	[tilespmem:s11+$0x10CD0] =	vst.add.f32.msk $0xffff, v1  }
0x338: {  	v1 =	vld [tilespmem:s14+$0x8C60];
	_ =	sdelay $0x4  }
0x339: {  	[tilespmem:s11+$0x10CE0] =	vst.add.f32.msk $0xffff, v1  }
.Ltmp8:
0x33a: {  	v1 =	vld [tilespmem:s14+$0x8C70];
	(pc) =	sbr.rel @!p1 .LBB2_13-.Ltmp8, $3  }
0x33b: {  	_ =	sdelay $0x1  }
0x33c: {  	s3 =	sadd.s32 $0x80, s3  }
0x33d: {  	s4 =	sand.u32 $0x7000, s2;
	s2 =	sadd.s32 $0x200, s2;
	s7 =	sand.u32 $0x380, s3  }
0x33e: {  	s2 =	sor.u32 s7, s4;
	[tilespmem:s11+$0x10CF0] =	vst.add.f32.msk $0xffff, v1  }
0x33f: {  	v1 =	vld [tilespmem:s2+$0x8000];
	_ =	sdelay $0x4  }
0x340: {  	[tilespmem:s11+$0x10080] =	vst.add.f32.msk $0xffff, v1  }
0x341: {  	v1 =	vld [tilespmem:s2+$0x8010];
	_ =	sdelay $0x4  }
0x342: {  	[tilespmem:s11+$0x10090] =	vst.add.f32.msk $0xffff, v1  }
0x343: {  	v1 =	vld [tilespmem:s2+$0x8020];
	_ =	sdelay $0x4  }
0x344: {  	[tilespmem:s11+$0x100A0] =	vst.add.f32.msk $0xffff, v1  }
0x345: {  	v1 =	vld [tilespmem:s2+$0x8030];
	_ =	sdelay $0x4  }
0x346: {  	[tilespmem:s11+$0x100B0] =	vst.add.f32.msk $0xffff, v1  }
0x347: {  	v1 =	vld [tilespmem:s2+$0x8040];
	_ =	sdelay $0x4  }
0x348: {  	[tilespmem:s11+$0x100C0] =	vst.add.f32.msk $0xffff, v1  }
0x349: {  	v1 =	vld [tilespmem:s2+$0x8050];
	_ =	sdelay $0x4  }
0x34a: {  	[tilespmem:s11+$0x100D0] =	vst.add.f32.msk $0xffff, v1  }
0x34b: {  	v1 =	vld [tilespmem:s2+$0x8060];
	_ =	sdelay $0x4  }
0x34c: {  	[tilespmem:s11+$0x100E0] =	vst.add.f32.msk $0xffff, v1  }
0x34d: {  	v1 =	vld [tilespmem:s2+$0x8070];
	_ =	sdelay $0x4  }
0x34e: {  	[tilespmem:s11+$0x100F0] =	vst.add.f32.msk $0xffff, v1  }
0x34f: {  	v1 =	vld [tilespmem:s2+$0x8400];
	_ =	sdelay $0x4  }
0x350: {  	[tilespmem:s11+$0x10480] =	vst.add.f32.msk $0xffff, v1  }
0x351: {  	v1 =	vld [tilespmem:s2+$0x8410];
	_ =	sdelay $0x4  }
0x352: {  	[tilespmem:s11+$0x10490] =	vst.add.f32.msk $0xffff, v1  }
0x353: {  	v1 =	vld [tilespmem:s2+$0x8420];
	_ =	sdelay $0x4  }
0x354: {  	[tilespmem:s11+$0x104A0] =	vst.add.f32.msk $0xffff, v1  }
0x355: {  	v1 =	vld [tilespmem:s2+$0x8430];
	_ =	sdelay $0x4  }
0x356: {  	[tilespmem:s11+$0x104B0] =	vst.add.f32.msk $0xffff, v1  }
0x357: {  	v1 =	vld [tilespmem:s2+$0x8440];
	_ =	sdelay $0x4  }
0x358: {  	[tilespmem:s11+$0x104C0] =	vst.add.f32.msk $0xffff, v1  }
0x359: {  	v1 =	vld [tilespmem:s2+$0x8450];
	_ =	sdelay $0x4  }
0x35a: {  	[tilespmem:s11+$0x104D0] =	vst.add.f32.msk $0xffff, v1  }
0x35b: {  	v1 =	vld [tilespmem:s2+$0x8460];
	_ =	sdelay $0x4  }
0x35c: {  	[tilespmem:s11+$0x104E0] =	vst.add.f32.msk $0xffff, v1  }
0x35d: {  	v1 =	vld [tilespmem:s2+$0x8470];
	_ =	sdelay $0x4  }
0x35e: {  	[tilespmem:s11+$0x104F0] =	vst.add.f32.msk $0xffff, v1  }
0x35f: {  	v1 =	vld [tilespmem:s2+$0x8800];
	_ =	sdelay $0x4  }
0x360: {  	[tilespmem:s11+$0x10880] =	vst.add.f32.msk $0xffff, v1  }
0x361: {  	v1 =	vld [tilespmem:s2+$0x8810];
	_ =	sdelay $0x4  }
0x362: {  	[tilespmem:s11+$0x10890] =	vst.add.f32.msk $0xffff, v1  }
0x363: {  	v1 =	vld [tilespmem:s2+$0x8820];
	_ =	sdelay $0x4  }
0x364: {  	[tilespmem:s11+$0x108A0] =	vst.add.f32.msk $0xffff, v1  }
0x365: {  	v1 =	vld [tilespmem:s2+$0x8830];
	_ =	sdelay $0x4  }
0x366: {  	[tilespmem:s11+$0x108B0] =	vst.add.f32.msk $0xffff, v1  }
0x367: {  	v1 =	vld [tilespmem:s2+$0x8840];
	_ =	sdelay $0x4  }
0x368: {  	[tilespmem:s11+$0x108C0] =	vst.add.f32.msk $0xffff, v1  }
0x369: {  	v1 =	vld [tilespmem:s2+$0x8850];
	_ =	sdelay $0x4  }
0x36a: {  	[tilespmem:s11+$0x108D0] =	vst.add.f32.msk $0xffff, v1  }
0x36b: {  	v1 =	vld [tilespmem:s2+$0x8860];
	_ =	sdelay $0x4  }
0x36c: {  	[tilespmem:s11+$0x108E0] =	vst.add.f32.msk $0xffff, v1  }
0x36d: {  	v1 =	vld [tilespmem:s2+$0x8870];
	_ =	sdelay $0x4  }
0x36e: {  	[tilespmem:s11+$0x108F0] =	vst.add.f32.msk $0xffff, v1  }
0x36f: {  	v1 =	vld [tilespmem:s2+$0x8C00];
	_ =	sdelay $0x4  }
0x370: {  	[tilespmem:s11+$0x10C80] =	vst.add.f32.msk $0xffff, v1  }
0x371: {  	v1 =	vld [tilespmem:s2+$0x8C10];
	_ =	sdelay $0x4  }
0x372: {  	[tilespmem:s11+$0x10C90] =	vst.add.f32.msk $0xffff, v1  }
0x373: {  	v1 =	vld [tilespmem:s2+$0x8C20];
	_ =	sdelay $0x4  }
0x374: {  	[tilespmem:s11+$0x10CA0] =	vst.add.f32.msk $0xffff, v1  }
0x375: {  	v1 =	vld [tilespmem:s2+$0x8C30];
	_ =	sdelay $0x4  }
0x376: {  	[tilespmem:s11+$0x10CB0] =	vst.add.f32.msk $0xffff, v1  }
0x377: {  	v1 =	vld [tilespmem:s2+$0x8C40];
	_ =	sdelay $0x4  }
0x378: {  	[tilespmem:s11+$0x10CC0] =	vst.add.f32.msk $0xffff, v1  }
0x379: {  	v1 =	vld [tilespmem:s2+$0x8C50];
	_ =	sdelay $0x4  }
0x37a: {  	[tilespmem:s11+$0x10CD0] =	vst.add.f32.msk $0xffff, v1  }
0x37b: {  	v1 =	vld [tilespmem:s2+$0x8C60];
	_ =	sdelay $0x4  }
0x37c: {  	[tilespmem:s11+$0x10CE0] =	vst.add.f32.msk $0xffff, v1  }
0x37d: {  	v1 =	vld [tilespmem:s2+$0x8C70]  }
.Ltmp9:
0x37e: {  	_ = 	snop;
	(pc) =	sbr.rel .LBB2_18-.Ltmp9, $2  }
0x37f: {  	_ =	sdelay $0x2  }
0x380: {  	[tilespmem:s11+$0x10CF0] =	vst.add.f32.msk $0xffff, v1  }
.LBB2_15:
0x381: {  	p1 =	sle.s32 s20, s12  }
0x382: {  	p2 =	sle.s32 s21, s12;
	s3 =	simm.s32 $0x1;
	s4 =	simm.s32 $0x1  }
0x383: {  	s3 =	simm.s32 @!p1 $0x0;
	s4 =	simm.s32 @!p2 $0x0  }
0x384: {  	p1 =	sle.s32 s22, s12;
	s3 =	sadd.s32 s4, s3;
	s4 =	simm.s32 $0x1  }
0x385: {  	s4 =	simm.s32 @!p1 $0x0  }
0x386: {  	s7 =	simm.s32 $0x1;
	p1 =	sle.s32 s23, s12;
	s3 =	sadd.s32 s4, s3  }
0x387: {  	s7 =	simm.s32 @!p1 $0x0;
	p1 =	sle.s32 s24, s12;
	s4 =	simm.s32 $0x1  }
0x388: {  	s3 =	sadd.s32 s7, s3;
	s4 =	simm.s32 @!p1 $0x0  }
0x389: {  	p1 =	sle.s32 s25, s12;
	s7 =	simm.s32 $0x1;
	s3 =	sadd.s32 s4, s3  }
0x38a: {  	s7 =	simm.s32 @!p1 $0x0;
	p1 =	sle.s32 s26, s12;
	s4 =	simm.s32 $0x1  }
0x38b: {  	s8 =	sand.u32 $0x7000, s2;
	s3 =	sadd.s32 s7, s3;
	s4 =	simm.s32 @!p1 $0x0  }
0x38c: {  	p1 =	sle.s32 s28, s12;
	s7 =	simm.s32 $0x1;
	s3 =	sadd.s32 s4, s3  }
0x38d: {  	s7 =	simm.s32 @!p1 $0x0;
	p1 =	sle.s32 s29, s12;
	s4 =	simm.s32 $0x1  }
0x38e: {  	s17 =	sand.u32 $0x380, s2;
	s3 =	sadd.s32 s7, s3;
	s4 =	simm.s32 @!p1 $0x0  }
0x38f: {  	p2 =	sle.s32 s30, s12;
	s7 =	simm.s32 $0x1;
	s3 =	sadd.s32 s4, s3  }
0x390: {  	s7 =	simm.s32 @!p2 $0x0;
	p2 =	sle.s32 s31, s12;
	s4 =	simm.s32 $0x1  }
0x391: {  	s2 =	sor.u32 s17, s8;
	s3 =	sadd.s32 s7, s3;
	s4 =	simm.s32 @!p2 $0x0  }
0x392: {  	p2 =	sle.s32 s0, s12;
	s7 =	simm.s32 $0x1;
	s3 =	sadd.s32 s4, s3  }
0x393: {  	s7 =	simm.s32 @!p2 $0x0;
	p2 =	sle.s32 s1, s12;
	s4 =	simm.s32 $0x1  }
0x394: {  	p1 =	sle.s32 s6, s12;
	s3 =	sadd.s32 s7, s3;
	s4 =	simm.s32 @!p2 $0x0  }
0x395: {  	p2 =	sle.s32 s13, s12;
	s7 =	simm.s32 $0x1;
	s3 =	sadd.s32 s4, s3  }
0x396: {  	s7 =	simm.s32 @!p2 $0x0;
	p2 =	sle.s32 s18, s12;
	s4 =	simm.s32 $0x1  }
0x397: {  	s3 =	sadd.s32 s7, s3;
	s4 =	simm.s32 @!p2 $0x0;
	s7 =	simm.s32 $0x1  }
0x398: {  	v1 =	vld [tilespmem:s2+$0x8000];
	s3 =	sadd.s32 s4, s3;
	s7 =	simm.s32 @!p1 $0x0  }
0x399: {  	s3 =	sadd.s32 s7, s3  }
0x39a: {  	s19 =	sshll.u32 s3, $0x9;
	s3 =	sshll.u32 s3, $0x7  }
0x39b: {  	s4 =	sand.u32 $0x7FFFF000, s19;
	s3 =	sand.u32 $0x380, s3  }
0x39c: {  	s3 =	sor.u32 s3, s4  }
0x39d: {  	[tilespmem:s3+$0x10080] =	vst.add.f32.msk $0xffff, v1  }
0x39e: {  	v1 =	vld [tilespmem:s2+$0x8010];
	_ =	sdelay $0x2  }
0x39f: {  	s11 =	sadd.s32 $0x10080, s3  }
0x3a0: {  	s3 =	sor.u32 $0x10, s11  }
0x3a1: {  	[tilespmem:s3+$0x0] =	vst.add.f32.msk $0xffff, v1  }
0x3a2: {  	v1 =	vld [tilespmem:s2+$0x8020];
	_ =	sdelay $0x3  }
0x3a3: {  	s4 =	sor.u32 $0x20, s11  }
0x3a4: {  	[tilespmem:s4+$0x0] =	vst.add.f32.msk $0xffff, v1  }
0x3a5: {  	v1 =	vld [tilespmem:s2+$0x8030];
	_ =	sdelay $0x3  }
0x3a6: {  	s7 =	sor.u32 $0x30, s11  }
0x3a7: {  	[tilespmem:s7+$0x0] =	vst.add.f32.msk $0xffff, v1  }
0x3a8: {  	v1 =	vld [tilespmem:s2+$0x8040];
	_ =	sdelay $0x3  }
0x3a9: {  	s8 =	sor.u32 $0x40, s11  }
0x3aa: {  	[tilespmem:s8+$0x0] =	vst.add.f32.msk $0xffff, v1  }
0x3ab: {  	v1 =	vld [tilespmem:s2+$0x8050];
	_ =	sdelay $0x3  }
0x3ac: {  	s14 =	sor.u32 $0x50, s11  }
0x3ad: {  	[tilespmem:s14+$0x0] =	vst.add.f32.msk $0xffff, v1  }
0x3ae: {  	v1 =	vld [tilespmem:s2+$0x8060];
	_ =	sdelay $0x3  }
0x3af: {  	s15 =	sor.u32 $0x60, s11  }
0x3b0: {  	[tilespmem:s15+$0x0] =	vst.add.f32.msk $0xffff, v1  }
0x3b1: {  	v1 =	vld [tilespmem:s2+$0x8070];
	_ =	sdelay $0x3  }
0x3b2: {  	s16 =	sor.u32 $0x70, s11  }
0x3b3: {  	[tilespmem:s16+$0x0] =	vst.add.f32.msk $0xffff, v1  }
0x3b4: {  	v1 =	vld [tilespmem:s2+$0x8400];
	_ =	sdelay $0x4  }
0x3b5: {  	[tilespmem:s11+$0x400] =	vst.add.f32.msk $0xffff, v1  }
0x3b6: {  	v1 =	vld [tilespmem:s2+$0x8410];
	_ =	sdelay $0x4  }
0x3b7: {  	[tilespmem:s11+$0x410] =	vst.add.f32.msk $0xffff, v1  }
0x3b8: {  	v1 =	vld [tilespmem:s2+$0x8420];
	_ =	sdelay $0x4  }
0x3b9: {  	[tilespmem:s11+$0x420] =	vst.add.f32.msk $0xffff, v1  }
0x3ba: {  	v1 =	vld [tilespmem:s2+$0x8430];
	_ =	sdelay $0x4  }
0x3bb: {  	[tilespmem:s11+$0x430] =	vst.add.f32.msk $0xffff, v1  }
0x3bc: {  	v1 =	vld [tilespmem:s2+$0x8440];
	_ =	sdelay $0x4  }
0x3bd: {  	[tilespmem:s11+$0x440] =	vst.add.f32.msk $0xffff, v1  }
0x3be: {  	v1 =	vld [tilespmem:s2+$0x8450];
	_ =	sdelay $0x4  }
0x3bf: {  	[tilespmem:s11+$0x450] =	vst.add.f32.msk $0xffff, v1  }
0x3c0: {  	v1 =	vld [tilespmem:s2+$0x8460];
	_ =	sdelay $0x4  }
0x3c1: {  	[tilespmem:s11+$0x460] =	vst.add.f32.msk $0xffff, v1  }
0x3c2: {  	v1 =	vld [tilespmem:s2+$0x8470];
	_ =	sdelay $0x4  }
0x3c3: {  	[tilespmem:s11+$0x470] =	vst.add.f32.msk $0xffff, v1  }
0x3c4: {  	v1 =	vld [tilespmem:s2+$0x8800];
	_ =	sdelay $0x3  }
0x3c5: {  	s17 =	sor.u32 $0x800, s11  }
0x3c6: {  	[tilespmem:s17+$0x0] =	vst.add.f32.msk $0xffff, v1  }
0x3c7: {  	v1 =	vld [tilespmem:s2+$0x8810];
	_ =	sdelay $0x3  }
0x3c8: {  	s19 =	sor.u32 $0x810, s11  }
0x3c9: {  	[tilespmem:s19+$0x0] =	vst.add.f32.msk $0xffff, v1  }
0x3ca: {  	v1 =	vld [tilespmem:s2+$0x8820];
	_ =	sdelay $0x3  }
0x3cb: {  	s4 =	sor.u32 $0x820, s11  }
0x3cc: {  	[tilespmem:s4+$0x0] =	vst.add.f32.msk $0xffff, v1  }
0x3cd: {  	v1 =	vld [tilespmem:s2+$0x8830];
	_ =	sdelay $0x3  }
0x3ce: {  	s7 =	sor.u32 $0x830, s11  }
0x3cf: {  	[tilespmem:s7+$0x0] =	vst.add.f32.msk $0xffff, v1  }
0x3d0: {  	v1 =	vld [tilespmem:s2+$0x8840];
	_ =	sdelay $0x3  }
0x3d1: {  	s8 =	sor.u32 $0x840, s11  }
0x3d2: {  	[tilespmem:s8+$0x0] =	vst.add.f32.msk $0xffff, v1  }
0x3d3: {  	v1 =	vld [tilespmem:s2+$0x8850];
	_ =	sdelay $0x3  }
0x3d4: {  	s14 =	sor.u32 $0x850, s11  }
0x3d5: {  	[tilespmem:s14+$0x0] =	vst.add.f32.msk $0xffff, v1  }
0x3d6: {  	v1 =	vld [tilespmem:s2+$0x8860];
	_ =	sdelay $0x3  }
0x3d7: {  	s15 =	sor.u32 $0x860, s11  }
0x3d8: {  	[tilespmem:s15+$0x0] =	vst.add.f32.msk $0xffff, v1  }
0x3d9: {  	v1 =	vld [tilespmem:s2+$0x8870];
	_ =	sdelay $0x3  }
0x3da: {  	s16 =	sor.u32 $0x870, s11  }
0x3db: {  	[tilespmem:s16+$0x0] =	vst.add.f32.msk $0xffff, v1  }
0x3dc: {  	v1 =	vld [tilespmem:s2+$0x8C00];
	_ =	sdelay $0x4  }
0x3dd: {  	[tilespmem:s11+$0xC00] =	vst.add.f32.msk $0xffff, v1  }
0x3de: {  	v1 =	vld [tilespmem:s2+$0x8C10];
	_ =	sdelay $0x4  }
0x3df: {  	[tilespmem:s11+$0xC10] =	vst.add.f32.msk $0xffff, v1  }
0x3e0: {  	v1 =	vld [tilespmem:s2+$0x8C20];
	_ =	sdelay $0x4  }
0x3e1: {  	[tilespmem:s11+$0xC20] =	vst.add.f32.msk $0xffff, v1  }
0x3e2: {  	v1 =	vld [tilespmem:s2+$0x8C30];
	_ =	sdelay $0x4  }
0x3e3: {  	[tilespmem:s11+$0xC30] =	vst.add.f32.msk $0xffff, v1  }
0x3e4: {  	v1 =	vld [tilespmem:s2+$0x8C40]  }
0x3e5: {  	s3 =	simm.s32 $0x1;
	s14 =	sadd.s32 $0x1, s12  }
0x3e6: {  	s4 =	simm.s32 $0x1;
	p1 =	sle.s32 s20, s14;
	p2 =	sle.s32 s21, s14  }
0x3e7: {  	s17 =	simm.s32 $0x200;
	s3 =	simm.s32 @!p1 $0x0;
	s4 =	simm.s32 @!p2 $0x0  }
0x3e8: {  	p1 =	sle.s32 s22, s14;
	s3 =	sadd.s32 s4, s3;
	s4 =	simm.s32 $0x1  }
0x3e9: {  	s8 =	simm.s32 $0x1;
	s4 =	simm.s32 @!p1 $0x0;
	p1 =	sle.s32 s23, s14;
	[tilespmem:s11+$0xC40] =	vst.add.f32.msk $0xffff, v1  }
0x3ea: {  	s19 =	simm.s32 $0x80;
	s3 =	sadd.s32 s4, s3;
	s8 =	simm.s32 @!p1 $0x0;
	v1 =	vld [tilespmem:s2+$0x8C50]  }
0x3eb: {  	p1 =	sle.s32 s24, s14;
	s4 =	simm.s32 $0x1;
	s3 =	sadd.s32 s8, s3  }
0x3ec: {  	s4 =	simm.s32 @!p1 $0x0;
	p1 =	sle.s32 s25, s14;
	s8 =	simm.s32 $0x1  }
0x3ed: {  	s7 =	simm.s32 $0x1;
	s3 =	sadd.s32 s4, s3;
	s8 =	simm.s32 @!p1 $0x0  }
0x3ee: {  	p1 =	sle.s32 s26, s14;
	s4 =	simm.s32 $0x1;
	s3 =	sadd.s32 s8, s3  }
0x3ef: {  	s4 =	simm.s32 @!p1 $0x0;
	p1 =	sle.s32 s28, s14;
	s8 =	simm.s32 $0x1;
	[tilespmem:s11+$0xC50] =	vst.add.f32.msk $0xffff, v1  }
0x3f0: {  	p3 =	sle.s32 s18, s14;
	s3 =	sadd.s32 s4, s3;
	s8 =	simm.s32 @!p1 $0x0;
	v1 =	vld [tilespmem:s2+$0x8C60]  }
0x3f1: {  	p1 =	sle.s32 s29, s14;
	s4 =	simm.s32 $0x1;
	s3 =	sadd.s32 s8, s3  }
0x3f2: {  	s4 =	simm.s32 @!p1 $0x0;
	p1 =	sle.s32 s30, s14;
	s16 =	simm.s32 $0x1  }
0x3f3: {  	p2 =	sle.s32 s6, s14;
	s3 =	sadd.s32 s4, s3;
	s16 =	simm.s32 @!p1 $0x0  }
0x3f4: {  	s15 =	simm.s32 $0x400;
	p1 =	sle.s32 s31, s14;
	s3 =	sadd.s32 s16, s3  }
0x3f5: {  	s7 =	simm.s32 @!p1 $0x0;
	p1 =	sle.s32 s0, s14;
	s16 =	simm.s32 $0x1;
	[tilespmem:s11+$0xC60] =	vst.add.f32.msk $0xffff, v1  }
0x3f6: {  	s8 =	sand.u32 $0x7000, s17;
	s3 =	sadd.s32 s7, s3;
	s16 =	simm.s32 @!p1 $0x0;
	v1 =	vld [tilespmem:s2+$0x8C70]  }
0x3f7: {  	p1 =	sle.s32 s1, s14;
	s7 =	sadd.s32 s16, s3;
	s16 =	simm.s32 $0x1  }
0x3f8: {  	s3 =	simm.s32 $0x1;
	s16 =	simm.s32 @!p1 $0x0;
	p1 =	sle.s32 s13, s14  }
0x3f9: {  	s4 =	sand.u32 $0x380, s19;
	s3 =	simm.s32 @!p1 $0x0;
	s2 =	sadd.s32 s16, s7  }
.LBB2_16:
0x3fa: {  	s16 =	sadd.s32 s3, s2;
	s17 =	simm.s32 $0x1;
	s3 =	sor.u32 s4, s8  }
0x3fb: {  	[tilespmem:s11+$0xC70] =	vst.add.f32.msk $0xffff, v1;
	s2 =	smov.u32 s15;
	s8 =	simm.s32 $0x1;
	s17 =	simm.s32 @!p3 $0x0  }
0x3fc: {  	s7 =	sadd.s32 $0x200, s15;
	s8 =	simm.s32 @!p2 $0x0;
	s4 =	sadd.s32 s17, s16;
	v1 =	vld [tilespmem:s3+$0x8000]  }
0x3fd: {  	p1 =	sne.s32 s15, $0x7E00;
	s4 =	sadd.s32 s8, s4  }
0x3fe: {  	s8 =	sshll.u32 s4, $0x9;
	s4 =	sshll.u32 s4, $0x7  }
0x3ff: {  	s8 =	sand.u32 $0x7FFFF000, s8;
	s4 =	sand.u32 $0x380, s4  }
0x400: {  	s4 =	sor.u32 s4, s8  }
0x401: {  	[tilespmem:s4+$0x10080] =	vst.add.f32.msk $0xffff, v1  }
0x402: {  	v1 =	vld [tilespmem:s3+$0x8010];
	_ =	sdelay $0x2  }
0x403: {  	s11 =	sadd.s32 $0x10080, s4  }
0x404: {  	s4 =	sor.u32 $0x10, s11  }
0x405: {  	[tilespmem:s4+$0x0] =	vst.add.f32.msk $0xffff, v1  }
0x406: {  	v1 =	vld [tilespmem:s3+$0x8020];
	_ =	sdelay $0x3  }
0x407: {  	s4 =	sor.u32 $0x20, s11  }
0x408: {  	[tilespmem:s4+$0x0] =	vst.add.f32.msk $0xffff, v1  }
0x409: {  	v1 =	vld [tilespmem:s3+$0x8030];
	_ =	sdelay $0x3  }
0x40a: {  	s4 =	sor.u32 $0x30, s11  }
0x40b: {  	[tilespmem:s4+$0x0] =	vst.add.f32.msk $0xffff, v1  }
0x40c: {  	v1 =	vld [tilespmem:s3+$0x8040];
	_ =	sdelay $0x3  }
0x40d: {  	s4 =	sor.u32 $0x40, s11  }
0x40e: {  	[tilespmem:s4+$0x0] =	vst.add.f32.msk $0xffff, v1  }
0x40f: {  	v1 =	vld [tilespmem:s3+$0x8050];
	_ =	sdelay $0x3  }
0x410: {  	s4 =	sor.u32 $0x50, s11  }
0x411: {  	[tilespmem:s4+$0x0] =	vst.add.f32.msk $0xffff, v1  }
0x412: {  	v1 =	vld [tilespmem:s3+$0x8060];
	_ =	sdelay $0x3  }
0x413: {  	s4 =	sor.u32 $0x60, s11  }
0x414: {  	[tilespmem:s4+$0x0] =	vst.add.f32.msk $0xffff, v1  }
0x415: {  	v1 =	vld [tilespmem:s3+$0x8070];
	_ =	sdelay $0x3  }
0x416: {  	s4 =	sor.u32 $0x70, s11  }
0x417: {  	[tilespmem:s4+$0x0] =	vst.add.f32.msk $0xffff, v1  }
0x418: {  	v1 =	vld [tilespmem:s3+$0x8400];
	_ =	sdelay $0x4  }
0x419: {  	[tilespmem:s11+$0x400] =	vst.add.f32.msk $0xffff, v1  }
0x41a: {  	v1 =	vld [tilespmem:s3+$0x8410];
	_ =	sdelay $0x4  }
0x41b: {  	[tilespmem:s11+$0x410] =	vst.add.f32.msk $0xffff, v1  }
0x41c: {  	v1 =	vld [tilespmem:s3+$0x8420];
	_ =	sdelay $0x4  }
0x41d: {  	[tilespmem:s11+$0x420] =	vst.add.f32.msk $0xffff, v1  }
0x41e: {  	v1 =	vld [tilespmem:s3+$0x8430];
	_ =	sdelay $0x4  }
0x41f: {  	[tilespmem:s11+$0x430] =	vst.add.f32.msk $0xffff, v1  }
0x420: {  	v1 =	vld [tilespmem:s3+$0x8440];
	_ =	sdelay $0x4  }
0x421: {  	[tilespmem:s11+$0x440] =	vst.add.f32.msk $0xffff, v1  }
0x422: {  	v1 =	vld [tilespmem:s3+$0x8450];
	_ =	sdelay $0x4  }
0x423: {  	[tilespmem:s11+$0x450] =	vst.add.f32.msk $0xffff, v1  }
0x424: {  	v1 =	vld [tilespmem:s3+$0x8460];
	_ =	sdelay $0x4  }
0x425: {  	[tilespmem:s11+$0x460] =	vst.add.f32.msk $0xffff, v1  }
0x426: {  	v1 =	vld [tilespmem:s3+$0x8470];
	_ =	sdelay $0x4  }
0x427: {  	[tilespmem:s11+$0x470] =	vst.add.f32.msk $0xffff, v1  }
0x428: {  	v1 =	vld [tilespmem:s3+$0x8800];
	_ =	sdelay $0x3  }
0x429: {  	s4 =	sor.u32 $0x800, s11  }
0x42a: {  	[tilespmem:s4+$0x0] =	vst.add.f32.msk $0xffff, v1  }
0x42b: {  	v1 =	vld [tilespmem:s3+$0x8810];
	_ =	sdelay $0x3  }
0x42c: {  	s4 =	sor.u32 $0x810, s11  }
0x42d: {  	[tilespmem:s4+$0x0] =	vst.add.f32.msk $0xffff, v1  }
0x42e: {  	v1 =	vld [tilespmem:s3+$0x8820];
	_ =	sdelay $0x3  }
0x42f: {  	s4 =	sor.u32 $0x820, s11  }
0x430: {  	[tilespmem:s4+$0x0] =	vst.add.f32.msk $0xffff, v1  }
0x431: {  	v1 =	vld [tilespmem:s3+$0x8830];
	_ =	sdelay $0x3  }
0x432: {  	s4 =	sor.u32 $0x830, s11  }
0x433: {  	[tilespmem:s4+$0x0] =	vst.add.f32.msk $0xffff, v1  }
0x434: {  	v1 =	vld [tilespmem:s3+$0x8840];
	_ =	sdelay $0x3  }
0x435: {  	s4 =	sor.u32 $0x840, s11  }
0x436: {  	[tilespmem:s4+$0x0] =	vst.add.f32.msk $0xffff, v1  }
0x437: {  	v1 =	vld [tilespmem:s3+$0x8850];
	_ =	sdelay $0x3  }
0x438: {  	s4 =	sor.u32 $0x850, s11  }
0x439: {  	[tilespmem:s4+$0x0] =	vst.add.f32.msk $0xffff, v1  }
0x43a: {  	v1 =	vld [tilespmem:s3+$0x8860];
	_ =	sdelay $0x3  }
0x43b: {  	s4 =	sor.u32 $0x860, s11  }
0x43c: {  	[tilespmem:s4+$0x0] =	vst.add.f32.msk $0xffff, v1  }
0x43d: {  	v1 =	vld [tilespmem:s3+$0x8870];
	_ =	sdelay $0x3  }
0x43e: {  	s4 =	sor.u32 $0x870, s11  }
0x43f: {  	[tilespmem:s4+$0x0] =	vst.add.f32.msk $0xffff, v1  }
0x440: {  	v1 =	vld [tilespmem:s3+$0x8C00];
	_ =	sdelay $0x4  }
0x441: {  	[tilespmem:s11+$0xC00] =	vst.add.f32.msk $0xffff, v1  }
0x442: {  	v1 =	vld [tilespmem:s3+$0x8C10];
	_ =	sdelay $0x4  }
0x443: {  	[tilespmem:s11+$0xC10] =	vst.add.f32.msk $0xffff, v1  }
0x444: {  	v1 =	vld [tilespmem:s3+$0x8C20];
	_ =	sdelay $0x4  }
0x445: {  	[tilespmem:s11+$0xC20] =	vst.add.f32.msk $0xffff, v1  }
0x446: {  	v1 =	vld [tilespmem:s3+$0x8C30];
	_ =	sdelay $0x4  }
0x447: {  	s14 =	sadd.s32 $0x1, s14;
	[tilespmem:s11+$0xC30] =	vst.add.f32.msk $0xffff, v1  }
0x448: {  	s15 =	simm.s32 $0x1;
	p4 =	sle.s32 s20, s14;
	v1 =	vld [tilespmem:s3+$0x8C40]  }
0x449: {  	p5 =	sle.s32 s21, s14;
	s8 =	sand.u32 $0x7000, s2;
	s2 =	simm.s32 $0x1  }
0x44a: {  	s15 =	simm.s32 @!p5 $0x0;
	s2 =	simm.s32 @!p4 $0x0  }
0x44b: {  	p4 =	sle.s32 s22, s14;
	s2 =	sadd.s32 s15, s2;
	s15 =	simm.s32 $0x1  }
0x44c: {  	s15 =	simm.s32 @!p4 $0x0  }
0x44d: {  	p4 =	sle.s32 s23, s14;
	s2 =	sadd.s32 s15, s2;
	s15 =	simm.s32 $0x1;
	[tilespmem:s11+$0xC40] =	vst.add.f32.msk $0xffff, v1  }
0x44e: {  	s19 =	sadd.s32 $0x80, s19;
	p2 =	sle.s32 s6, s14;
	s15 =	simm.s32 @!p4 $0x0;
	v1 =	vld [tilespmem:s3+$0x8C50]  }
0x44f: {  	p4 =	sle.s32 s24, s14;
	s2 =	sadd.s32 s15, s2;
	s15 =	simm.s32 $0x1  }
0x450: {  	p3 =	sle.s32 s31, s14;
	s15 =	simm.s32 @!p4 $0x0;
	s4 =	sand.u32 $0x380, s19  }
0x451: {  	p4 =	sle.s32 s25, s14;
	s2 =	sadd.s32 s15, s2;
	s15 =	simm.s32 $0x1  }
0x452: {  	s15 =	simm.s32 @!p4 $0x0  }
0x453: {  	p4 =	sle.s32 s26, s14;
	s2 =	sadd.s32 s15, s2;
	s15 =	simm.s32 $0x1;
	[tilespmem:s11+$0xC50] =	vst.add.f32.msk $0xffff, v1  }
0x454: {  	s15 =	simm.s32 @!p4 $0x0;
	v1 =	vld [tilespmem:s3+$0x8C60]  }
0x455: {  	p4 =	sle.s32 s28, s14;
	s2 =	sadd.s32 s15, s2;
	s15 =	simm.s32 $0x1  }
0x456: {  	s15 =	simm.s32 @!p4 $0x0  }
0x457: {  	p4 =	sle.s32 s29, s14;
	s2 =	sadd.s32 s15, s2;
	s15 =	simm.s32 $0x1  }
0x458: {  	s15 =	simm.s32 @!p4 $0x0  }
0x459: {  	p4 =	sle.s32 s30, s14;
	s2 =	sadd.s32 s15, s2;
	s15 =	simm.s32 $0x1;
	[tilespmem:s11+$0xC60] =	vst.add.f32.msk $0xffff, v1  }
0x45a: {  	s15 =	simm.s32 @!p4 $0x0;
	v1 =	vld [tilespmem:s3+$0x8C70];
	s3 =	simm.s32 $0x1  }
0x45b: {  	s2 =	sadd.s32 s15, s2;
	s3 =	simm.s32 @!p3 $0x0  }
0x45c: {  	p3 =	sle.s32 s0, s14;
	s2 =	sadd.s32 s3, s2;
	s3 =	simm.s32 $0x1  }
.Ltmp10:
0x45d: {  	s3 =	simm.s32 @!p3 $0x0;
	(pc) =	sbr.rel @p1 .LBB2_16-.Ltmp10, $4  }
0x45e: {  	p3 =	sle.s32 s1, s14;
	s2 =	sadd.s32 s3, s2;
	s3 =	simm.s32 $0x1  }
0x45f: {  	s3 =	simm.s32 @!p3 $0x0  }
0x460: {  	p3 =	sle.s32 s13, s14;
	s2 =	sadd.s32 s3, s2;
	s3 =	simm.s32 $0x1  }
0x461: {  	s15 =	smov.u32 s7;
	s3 =	simm.s32 @!p3 $0x0;
	p3 =	sle.s32 s18, s14  }
0x462: {  	s3 =	sadd.s32 s3, s2;
	s7 =	simm.s32 $0x1  }
0x463: {  	s2 =	sor.u32 s4, s8;
	[tilespmem:s11+$0xC70] =	vst.add.f32.msk $0xffff, v1;
	s4 =	simm.s32 $0x1;
	s7 =	simm.s32 @!p3 $0x0  }
0x464: {  	s4 =	simm.s32 @!p2 $0x0;
	v1 =	vld [tilespmem:s2+$0x8000];
	s3 =	sadd.s32 s7, s3  }
0x465: {  	s3 =	sadd.s32 s4, s3  }
0x466: {  	s4 =	sshll.u32 s3, $0x9;
	s3 =	sshll.u32 s3, $0x7  }
0x467: {  	s4 =	sand.u32 $0x7FFFF000, s4;
	s3 =	sand.u32 $0x380, s3  }
0x468: {  	s3 =	sor.u32 s3, s4  }
0x469: {  	[tilespmem:s3+$0x10080] =	vst.add.f32.msk $0xffff, v1  }
0x46a: {  	v1 =	vld [tilespmem:s2+$0x8010];
	_ =	sdelay $0x2  }
0x46b: {  	s3 =	sadd.s32 $0x10080, s3  }
0x46c: {  	s8 =	sor.u32 $0x10, s3  }
0x46d: {  	[tilespmem:s8+$0x0] =	vst.add.f32.msk $0xffff, v1  }
0x46e: {  	v1 =	vld [tilespmem:s2+$0x8020];
	_ =	sdelay $0x3  }
0x46f: {  	s11 =	sor.u32 $0x20, s3  }
0x470: {  	[tilespmem:s11+$0x0] =	vst.add.f32.msk $0xffff, v1  }
0x471: {  	v1 =	vld [tilespmem:s2+$0x8030];
	_ =	sdelay $0x3  }
0x472: {  	s14 =	sor.u32 $0x30, s3  }
0x473: {  	[tilespmem:s14+$0x0] =	vst.add.f32.msk $0xffff, v1  }
0x474: {  	v1 =	vld [tilespmem:s2+$0x8040];
	_ =	sdelay $0x3  }
0x475: {  	s15 =	sor.u32 $0x40, s3  }
0x476: {  	[tilespmem:s15+$0x0] =	vst.add.f32.msk $0xffff, v1  }
0x477: {  	v1 =	vld [tilespmem:s2+$0x8050];
	_ =	sdelay $0x3  }
0x478: {  	s16 =	sor.u32 $0x50, s3  }
0x479: {  	[tilespmem:s16+$0x0] =	vst.add.f32.msk $0xffff, v1  }
0x47a: {  	v1 =	vld [tilespmem:s2+$0x8060];
	_ =	sdelay $0x3  }
0x47b: {  	s17 =	sor.u32 $0x60, s3  }
0x47c: {  	[tilespmem:s17+$0x0] =	vst.add.f32.msk $0xffff, v1  }
0x47d: {  	v1 =	vld [tilespmem:s2+$0x8070];
	_ =	sdelay $0x3  }
0x47e: {  	s19 =	sor.u32 $0x70, s3  }
0x47f: {  	[tilespmem:s19+$0x0] =	vst.add.f32.msk $0xffff, v1  }
0x480: {  	v1 =	vld [tilespmem:s2+$0x8400];
	_ =	sdelay $0x4  }
0x481: {  	[tilespmem:s3+$0x400] =	vst.add.f32.msk $0xffff, v1  }
0x482: {  	v1 =	vld [tilespmem:s2+$0x8410];
	_ =	sdelay $0x4  }
0x483: {  	[tilespmem:s3+$0x410] =	vst.add.f32.msk $0xffff, v1  }
0x484: {  	v1 =	vld [tilespmem:s2+$0x8420];
	_ =	sdelay $0x4  }
0x485: {  	[tilespmem:s3+$0x420] =	vst.add.f32.msk $0xffff, v1  }
0x486: {  	v1 =	vld [tilespmem:s2+$0x8430];
	_ =	sdelay $0x4  }
0x487: {  	[tilespmem:s3+$0x430] =	vst.add.f32.msk $0xffff, v1  }
0x488: {  	v1 =	vld [tilespmem:s2+$0x8440];
	_ =	sdelay $0x4  }
0x489: {  	[tilespmem:s3+$0x440] =	vst.add.f32.msk $0xffff, v1  }
0x48a: {  	v1 =	vld [tilespmem:s2+$0x8450];
	_ =	sdelay $0x4  }
0x48b: {  	[tilespmem:s3+$0x450] =	vst.add.f32.msk $0xffff, v1  }
0x48c: {  	v1 =	vld [tilespmem:s2+$0x8460];
	_ =	sdelay $0x4  }
0x48d: {  	[tilespmem:s3+$0x460] =	vst.add.f32.msk $0xffff, v1  }
0x48e: {  	v1 =	vld [tilespmem:s2+$0x8470];
	_ =	sdelay $0x4  }
0x48f: {  	[tilespmem:s3+$0x470] =	vst.add.f32.msk $0xffff, v1  }
0x490: {  	v1 =	vld [tilespmem:s2+$0x8800];
	_ =	sdelay $0x3  }
0x491: {  	s7 =	sor.u32 $0x800, s3  }
0x492: {  	[tilespmem:s7+$0x0] =	vst.add.f32.msk $0xffff, v1  }
0x493: {  	v1 =	vld [tilespmem:s2+$0x8810];
	_ =	sdelay $0x3  }
0x494: {  	s8 =	sor.u32 $0x810, s3  }
0x495: {  	[tilespmem:s8+$0x0] =	vst.add.f32.msk $0xffff, v1  }
0x496: {  	v1 =	vld [tilespmem:s2+$0x8820];
	_ =	sdelay $0x3  }
0x497: {  	s11 =	sor.u32 $0x820, s3  }
0x498: {  	[tilespmem:s11+$0x0] =	vst.add.f32.msk $0xffff, v1  }
0x499: {  	v1 =	vld [tilespmem:s2+$0x8830];
	_ =	sdelay $0x3  }
0x49a: {  	s14 =	sor.u32 $0x830, s3  }
0x49b: {  	[tilespmem:s14+$0x0] =	vst.add.f32.msk $0xffff, v1  }
0x49c: {  	v1 =	vld [tilespmem:s2+$0x8840];
	_ =	sdelay $0x3  }
0x49d: {  	s15 =	sor.u32 $0x840, s3  }
0x49e: {  	[tilespmem:s15+$0x0] =	vst.add.f32.msk $0xffff, v1  }
0x49f: {  	v1 =	vld [tilespmem:s2+$0x8850];
	_ =	sdelay $0x3  }
0x4a0: {  	s16 =	sor.u32 $0x850, s3  }
0x4a1: {  	[tilespmem:s16+$0x0] =	vst.add.f32.msk $0xffff, v1  }
0x4a2: {  	v1 =	vld [tilespmem:s2+$0x8860];
	_ =	sdelay $0x3  }
0x4a3: {  	s17 =	sor.u32 $0x860, s3  }
0x4a4: {  	[tilespmem:s17+$0x0] =	vst.add.f32.msk $0xffff, v1  }
0x4a5: {  	v1 =	vld [tilespmem:s2+$0x8870];
	_ =	sdelay $0x3  }
0x4a6: {  	s19 =	sor.u32 $0x870, s3  }
0x4a7: {  	[tilespmem:s19+$0x0] =	vst.add.f32.msk $0xffff, v1  }
0x4a8: {  	v1 =	vld [tilespmem:s2+$0x8C00];
	_ =	sdelay $0x4  }
0x4a9: {  	[tilespmem:s3+$0xC00] =	vst.add.f32.msk $0xffff, v1  }
0x4aa: {  	v1 =	vld [tilespmem:s2+$0x8C10];
	_ =	sdelay $0x4  }
0x4ab: {  	[tilespmem:s3+$0xC10] =	vst.add.f32.msk $0xffff, v1  }
0x4ac: {  	v1 =	vld [tilespmem:s2+$0x8C20];
	_ =	sdelay $0x4  }
0x4ad: {  	[tilespmem:s3+$0xC20] =	vst.add.f32.msk $0xffff, v1  }
0x4ae: {  	v1 =	vld [tilespmem:s2+$0x8C30];
	_ =	sdelay $0x4  }
0x4af: {  	[tilespmem:s3+$0xC30] =	vst.add.f32.msk $0xffff, v1  }
0x4b0: {  	v1 =	vld [tilespmem:s2+$0x8C40];
	_ =	sdelay $0x4  }
0x4b1: {  	[tilespmem:s3+$0xC40] =	vst.add.f32.msk $0xffff, v1  }
0x4b2: {  	v1 =	vld [tilespmem:s2+$0x8C50];
	_ =	sdelay $0x4  }
0x4b3: {  	[tilespmem:s3+$0xC50] =	vst.add.f32.msk $0xffff, v1  }
0x4b4: {  	v1 =	vld [tilespmem:s2+$0x8C60];
	_ =	sdelay $0x4  }
0x4b5: {  	[tilespmem:s3+$0xC60] =	vst.add.f32.msk $0xffff, v1  }
0x4b6: {  	v1 =	vld [tilespmem:s2+$0x8C70];
	_ =	sdelay $0x4  }
0x4b7: {  	s17 =	simm.s32 $0x0;
	[tilespmem:s3+$0xC70] =	vst.add.f32.msk $0xffff, v1  }
.LBB2_18:
.Ltmp11:
0x4b8: {  	(pc) =	sbr.rel @p0 .LBB2_20-.Ltmp11, $1  }
0x4b9: {  	_ =	sdelay $0x3  }
.Ltmp12:
0x4ba: {  	(pc) =	sbr.rel .LBB2_4-.Ltmp12, $4  }
0x4bb: {  	_ = 	snop  }
0x4bc: {  	s2 =	rddreg [dreg:$0x8];
	s3 =	simm.s32 $0x8000;
	s9 =	sadd.s32 $0x1, s9  }
0x4bd: {  	s10 =	sadd.s32 $0x80, s10;
	s12 =	sadd.s32 $0x80, s12;
	s2 =	sadd.s32 s5, s2  }
0x4be: {  	[tilespmem:s3], [sflag:$0x2] =	stream.linear.gather [hbm4b:s2+s17], $0x8000, $0x38;
	[tilespmem:$0x12080] =	vst v63  }
.LBB2_21:
0x4bf: {  	_ =	sfence.sel $0x180000  }
0x4c0: {  	[bflag:$0x0] =	sbarrier.arrive $0xFFFF  }
0x4c1: {  	_ =	strace $0x90000047  }
0x4c2: {  	s0 =	stileid.u32;
	[bflag:$0x2] =	sbarrier.arrive $0xFFFF  }
0x4c3: {  	p0 =	sne.s32 s0, $0x0;
	s0 =	rddreg [dreg:$0x3]  }
0x4c4: {  	s0 =	sadd.s32 @!p0 $0x100000, s0  }
0x4c5: {  	[sflag:s0] =	ssyncadd.tile.s32 @!p0 $0x1;
	_ =	shalt  }
.Lfunc_end2:
_tile_overlayer_lowered:
.L_overlay_start_2:
0x4c6: {  	(tag) =	ssettag $0x2  }
0x4c7: {  	s0 =	rddreg [dreg:$0x0];
	s2 =	stileid.u32  }
0x4c8: {  	s1 =	rddreg [dreg:$0x1];
	p0 =	sne.s32 s2, $0x0  }
0x4c9: {  	s3 =	rddreg [dreg:$0x2];
	[bflag:$0x3] =	sbarrier.arrive $0xFFFF;
	s2 =	simm.s32 @!p0 $0x1C03  }
0x4ca: {  	[timem:s3], [sflag:s2] =	dma.local @!p0 [hbm:s0], s1  }
0x4cb: {  	s0 =	simm.s32 @!p0 $0x3  }
0x4cc: {  	_ =	swait.ge @!p0 [sflag:s0], s1  }
0x4cd: {  	s1 =	ssub.s32 @!p0 $0x0, s1;
	[sflag:s0] =	ssyncset.done @!p0 $0x0  }
0x4ce: {  	[sflag:s0] =	ssyncadd.s32 @!p0 s1  }
0x4cf: {  	[bflag:$0x3] =	sbarrier.arrive $0xFFFF  }
0x4d0: {  	_ =	shalt  }

</sc_bundles>
